<compile_context>
chip_gen: v7x
topology: tpu7x:2x2x1
jax: 0.10.2.dev20260603
libtpu: 0.0.44.dev20260713+nightly
codegen_flags: <defaults>
</compile_context>

<pallas_src>
import functools

import jax
import jax.numpy as jnp
from jax import lax
from jax.experimental import pallas as pl
from jax.experimental.pallas import tpu as pltpu
from jax.experimental.pallas import tpu_sc as plsc

N = 10000
E = 320000
D = 128
DH = 64
NT = 32
EPT = E // NT
C = 125
NCH = EPT // C
NBUF = 4
N_PAD = 10240
RPS = N_PAD // 16
EPH = E // 16

_mesh = plsc.VectorSubcoreMesh(core_axis_name="c", subcore_axis_name="s")


@functools.partial(
    pl.kernel,
    out_type=jax.ShapeDtypeStruct((16, 5, 128), jnp.float32),
    mesh=_mesh,
    compiler_params=pltpu.CompilerParams(needs_layout_passes=False),
    scratch_types=[
        pltpu.VMEM((EPH,), jnp.int32),
        pltpu.VMEM((N_PAD // 128, 128), jnp.float32),
        pltpu.VMEM((5, 128), jnp.float32),
        pltpu.VMEM((N_PAD // 128,), jnp.int32),
        pltpu.VMEM_SHARED((N_PAD // 128, 128), jnp.float32),
    ],
)
def _hist_sc(ei_hbm, out_hbm, colbuf, hist, zblk5, idrow, hist_sh):
    c = lax.axis_index("c")
    s = lax.axis_index("s")

    @pl.when(c == 0)
    def _():
        pltpu.sync_copy(ei_hbm.at[pl.ds(E + s * EPH, EPH)], colbuf)

        zeros16 = jnp.zeros((16,), jnp.float32)
        ones16 = jnp.ones((16,), jnp.float32)
        iota16 = lax.iota(jnp.int32, 16)

        def zbody(i, carry):
            r = i // 8
            k = i % 8
            hist[r, pl.ds(k * 16, 16)] = zeros16
            return carry

        lax.fori_loop(0, N_PAD // 16, zbody, 0)
        for r in range(5):
            for k in range(8):
                zblk5[r, pl.ds(k * 16, 16)] = zeros16
        for k in range(5):
            idrow[pl.ds(k * 16, 16)] = iota16 + k * 16

        def hbody(i, carry):
            idx = colbuf[pl.ds(i * 16, 16)]
            plsc.addupdate_scatter(
                hist,
                [lax.shift_right_logical(idx, 7), lax.bitwise_and(idx, 127)],
                ones16)
            return carry

        lax.fori_loop(0, EPH // 16, hbody, 0)

        pltpu.sync_copy(zblk5, hist_sh.at[pl.ds(s * 5, 5)])
        plsc.subcore_barrier()
        pltpu.sync_copy(hist, hist_sh.at[idrow], add=True)
        plsc.subcore_barrier()

        pltpu.sync_copy(hist_sh.at[pl.ds(s * 5, 5)], zblk5)
        pltpu.sync_copy(zblk5, out_hbm.at[s])


def _dinv_of(deg):
    return jnp.where(deg > 0.0, lax.rsqrt(deg), 0.0)


def _scale_body(x_ref, d_ref, lo_ref, hi_ref):
    xs = x_ref[...] * _dinv_of(d_ref[...])
    lo_ref[...] = xs[:, :DH]
    hi_ref[...] = xs[:, DH:]


def _scale_tc(x, deg_col):
    bs = 1000
    return pl.pallas_call(
        _scale_body,
        grid=(N // bs,),
        in_specs=[
            pl.BlockSpec((bs, D), lambda i: (i, 0)),
            pl.BlockSpec((bs, 1), lambda i: (i, 0)),
        ],
        out_specs=[
            pl.BlockSpec((bs, DH), lambda i: (i, 0)),
            pl.BlockSpec((bs, DH), lambda i: (i, 0)),
        ],
        out_shape=[
            jax.ShapeDtypeStruct((N, DH), jnp.float32),
            jax.ShapeDtypeStruct((N, DH), jnp.float32),
        ],
    )(x, deg_col)


def _spmm_body(xp_hbm, ei_hbm, out_hbm,
               col_v, row_v, bufs, zblk, agg_sh, gsem, ssem):
    c = lax.axis_index("c")
    s = lax.axis_index("s")
    w = s * 2 + c

    pltpu.sync_copy(ei_hbm.at[NT + w], col_v)
    pltpu.sync_copy(ei_hbm.at[w], row_v)

    zeros16 = jnp.zeros((16,), jnp.float32)

    def zbody(i, carry):
        r = i // (DH // 16)
        k = i % (DH // 16)
        zblk[r, pl.ds(k * 16, 16)] = zeros16
        return carry

    lax.fori_loop(0, 128 * (DH // 16), zbody, 0)

    def zcpy(k, carry):
        pltpu.sync_copy(zblk, agg_sh.at[pl.ds(s * RPS + k * 128, 128)])
        return carry

    lax.fori_loop(0, RPS // 128, zcpy, 0)
    plsc.subcore_barrier()

    def _gather(jj, b):
        return pltpu.async_copy(xp_hbm.at[col_v.at[jj]], bufs.at[b],
                                gsem.at[b])

    def _gather_wait(jj, b):
        pltpu.make_async_copy(xp_hbm.at[col_v.at[jj]], bufs.at[b],
                              gsem.at[b]).wait()

    def _scatter(jj, b):
        return pltpu.async_copy(bufs.at[b], agg_sh.at[row_v.at[jj]],
                                ssem.at[b], add=True)

    def _scatter_wait(jj, b):
        pltpu.make_async_copy(bufs.at[b], agg_sh.at[row_v.at[jj]],
                              ssem.at[b]).wait()

    for b in range(NBUF):
        _gather(b, b)

    def mbody(jo, carry):
        for b in range(NBUF):
            jj = jo * NBUF + b
            _gather_wait(jj, b)
            _scatter(jj, b)
            _scatter_wait(jj, b)
            _gather(jj + NBUF, b)
        return carry

    lax.fori_loop(0, NCH // NBUF - 1, mbody, 0)
    for b in range(NBUF):
        jj = NCH - NBUF + b
        _gather_wait(jj, b)
        _scatter(jj, b)
        _scatter_wait(jj, b)

    plsc.subcore_barrier()

    def wbody(k, carry):
        base = s * RPS + k * 128
        pltpu.sync_copy(agg_sh.at[pl.ds(base, 128)], zblk)
        pltpu.sync_copy(zblk, out_hbm.at[c, pl.ds(base, 128)])
        return carry

    lax.fori_loop(0, RPS // 128, wbody, 0)


_spmm_sc = pl.kernel(
    _spmm_body,
    out_type=jax.ShapeDtypeStruct((2, N_PAD, DH), jnp.float32),
    mesh=_mesh,
    compiler_params=pltpu.CompilerParams(use_tc_tiling_on_sc=False),
    scratch_types=[
        pltpu.VMEM((NCH, C), jnp.int32),
        pltpu.VMEM((NCH, C), jnp.int32),
        pltpu.VMEM((NBUF, C, DH), jnp.float32),
        pltpu.VMEM((128, DH), jnp.float32),
        pltpu.VMEM_SHARED((N_PAD, DH), jnp.float32),
        pltpu.SemaphoreType.DMA((NBUF,)),
        pltpu.SemaphoreType.DMA((NBUF,)),
    ],
)


def _comb_body(pa0_ref, pa1_ref, pb0_ref, pb1_ref, x_ref, d_ref, e_ref,
               o_ref):
    d = _dinv_of(d_ref[...])
    scale = 1.0 + e_ref[0, 0]
    lo = d * (pa0_ref[0] + pa1_ref[0])
    hi = d * (pb0_ref[0] + pb1_ref[0])
    o_ref[...] = jnp.concatenate([lo, hi], axis=1) + scale * x_ref[...]


def _comb_tc(parts_a, parts_b, x, deg_col, eps2d):
    bs = 1000
    c0 = pl.BlockSpec((1, bs, DH), lambda i: (0, i, 0))
    c1 = pl.BlockSpec((1, bs, DH), lambda i: (1, i, 0))
    return pl.pallas_call(
        _comb_body,
        grid=(N // bs,),
        in_specs=[
            c0, c1, c0, c1,
            pl.BlockSpec((bs, D), lambda i: (i, 0)),
            pl.BlockSpec((bs, 1), lambda i: (i, 0)),
            pl.BlockSpec((1, 1), lambda i: (0, 0)),
        ],
        out_specs=pl.BlockSpec((bs, D), lambda i: (i, 0)),
        out_shape=jax.ShapeDtypeStruct((N, D), jnp.float32),
    )(parts_a, parts_a, parts_b, parts_b, x, deg_col, eps2d)


def kernel(x, edge_index, eps):
    ei = edge_index.astype(jnp.int32)

    deg_col = _hist_sc(ei.reshape(2 * E)).reshape(N_PAD, 1)
    xp_lo, xp_hi = _scale_tc(x, deg_col)

    ei3 = ei.reshape(2 * NT, NCH, C)
    parts_a = _spmm_sc(xp_lo, ei3)
    parts_b = _spmm_sc(xp_hi, ei3)

    return _comb_tc(parts_a, parts_b, x, deg_col, eps.reshape(1, 1))

# --- scband reference (transcript-rebuilt; emitter-appended) ---
"""Pipeline reference for scband-gingcnlayer-86148454023364 (READ-ONLY COPY).

The authoritative reference and input builder live on the scoring server;
editing this copy changes nothing except your own understanding.
"""

import jax, jax.numpy as jnp
import numpy as np

N_NODES = 10000
N_EDGES = 320000
D_FEAT = 128

def setup_inputs(seed: int = 0) -> dict:
    key = jax.random.key(seed)
    k1, k2 = jax.random.split(key)
    x = jax.random.normal(k1, (N_NODES, D_FEAT), dtype=jnp.float32)
    edge_index = jax.random.randint(k2, (2, N_EDGES), 0, N_NODES, dtype=jnp.int64)
    eps = jnp.zeros((1,), dtype=jnp.float32)  # learnable epsilon parameter (train_eps=True, init 0)
    return {"x": x, "edge_index": edge_index, "eps": eps}

def reference(x, edge_index, eps):
    row = edge_index[0]
    col = edge_index[1]
    n = x.shape[0]
    # degree(col, N): in-degree count over destination column indices
    deg = jnp.bincount(col, length=n).astype(x.dtype)
    deg_inv_sqrt = jnp.power(deg, -0.5)
    deg_inv_sqrt = jnp.where(jnp.isinf(deg_inv_sqrt), 0.0, deg_inv_sqrt)
    norm = deg_inv_sqrt[row] * deg_inv_sqrt[col]
    # torch.spmm(adj, x) with adj = sparse_coo((row, col), norm, (N, N)):
    # out[r] += norm_e * x[col_e] for each edge e, i.e. segment_sum over row
    msgs = norm[:, None] * jnp.take(x, col, axis=0)
    agg = jax.ops.segment_sum(msgs, row, num_segments=n)
    out = agg + (1.0 + eps[0]) * x
    # apply_func is None, so out is returned directly
    return out

if __name__ == "__main__":
    import jax
    _d = setup_inputs()
    print(jax.jit(kernel)(*tuple(_d.values())))

</pallas_src>

<mosaic_0001>
#map = affine_map<(d0, d1) -> (0, 0)>
#map1 = affine_map<(d0, d1) -> (0, 0, 0)>
module attributes {stable_mosaic.version = 14 : i64} {
  func.func @_spmm_body(%arg0: i32, %arg1: i32, %arg2: memref<10000x64xf32, #tpu.memory_space<hbm>>, %arg3: memref<64x80x125xi32, #tpu.memory_space<hbm>>, %arg4: memref<2x10240x64xf32, #tpu.memory_space<hbm>>, %arg5: memref<80x125xi32, #tpu.memory_space<vmem>>, %arg6: memref<80x125xi32, #tpu.memory_space<vmem>>, %arg7: memref<4x125x64xf32, #tpu.memory_space<vmem>>, %arg8: memref<128x64xf32, #tpu.memory_space<vmem>>, %arg9: memref<10240x64xf32, #tpu.memory_space<vmem_shared>>, %arg10: memref<4x!tpu.dma_semaphore, #tpu.memory_space<semaphore_mem>>, %arg11: memref<4x!tpu.dma_semaphore, #tpu.memory_space<semaphore_mem>>) attributes {dimension_semantics = [#tpu.dimension_semantics<core_parallel>, #tpu.dimension_semantics<subcore_parallel>], iteration_bounds = array<i64: 2, 16>, scalar_prefetch = 0 : i64, scratch_operands = 7 : i64, tpu.core_type = #tpu.core_type<sc_vector_subcore>, window_params = [{transform_indices = #map}, {transform_indices = #map1}, {transform_indices = #map1}]} {
    %mul3A = arith.constant 2 : i32
    %mul3A_0 = arith.muli %arg1, %mul3A : i32
    %add3A = arith.addi %mul3A_0, %arg0 : i32
    %add3A_1 = arith.constant 32 : i32
    %add3A_2 = arith.addi %add3A_1, %add3A : i32
    "tpu.region"() ({
      %run_scoped3A = tpu.sem_alloc : memref<!tpu.dma_semaphore, #tpu.memory_space<semaphore_mem>>
      %dma_start3A_266 = arith.constant 0 : i32
      %dma_start3A_267 = arith.constant 0 : i32
      %dma_start3A_268 = tpu.memref_slice %arg3[%add3A_2, %dma_start3A_266, %dma_start3A_267] : memref<64x80x125xi32, #tpu.memory_space<hbm>> -> memref<1x80x125xi32, #tpu.memory_space<hbm>>
      %dma_start3A_269 = tpu.memref_squeeze %dma_start3A_268 : memref<1x80x125xi32, #tpu.memory_space<hbm>> -> memref<80x125xi32, #tpu.memory_space<hbm>>
      %dma_start3A_270 = arith.constant 0 : i32
      %dma_start3A_271 = arith.constant 0 : i32
      %dma_start3A_272 = tpu.memref_slice %arg3[%add3A_2, %dma_start3A_270, %dma_start3A_271] : memref<64x80x125xi32, #tpu.memory_space<hbm>> -> memref<1x80x125xi32, #tpu.memory_space<hbm>>
      %dma_start3A_273 = tpu.memref_squeeze %dma_start3A_272 : memref<1x80x125xi32, #tpu.memory_space<hbm>> -> memref<80x125xi32, #tpu.memory_space<hbm>>
      tpu.enqueue_dma source(%dma_start3A_273 : memref<80x125xi32, #tpu.memory_space<hbm>>) target(%arg5 : memref<80x125xi32, #tpu.memory_space<vmem>>) target_semaphore(%run_scoped3A : memref<!tpu.dma_semaphore, #tpu.memory_space<semaphore_mem>>)
      %dma_wait3A_274 = arith.constant 0 : i32
      %dma_wait3A_275 = arith.constant 0 : i32
      %dma_wait3A_276 = tpu.memref_slice %arg3[%add3A_2, %dma_wait3A_274, %dma_wait3A_275] : memref<64x80x125xi32, #tpu.memory_space<hbm>> -> memref<1x80x125xi32, #tpu.memory_space<hbm>>
      %dma_wait3A_277 = tpu.memref_squeeze %dma_wait3A_276 : memref<1x80x125xi32, #tpu.memory_space<hbm>> -> memref<80x125xi32, #tpu.memory_space<hbm>>
      %dma_wait3A_278 = arith.constant 0 : i32
      %dma_wait3A_279 = arith.constant 0 : i32
      %dma_wait3A_280 = tpu.memref_slice %arg3[%add3A_2, %dma_wait3A_278, %dma_wait3A_279] : memref<64x80x125xi32, #tpu.memory_space<hbm>> -> memref<1x80x125xi32, #tpu.memory_space<hbm>>
      %dma_wait3A_281 = tpu.memref_squeeze %dma_wait3A_280 : memref<1x80x125xi32, #tpu.memory_space<hbm>> -> memref<80x125xi32, #tpu.memory_space<hbm>>
      tpu.wait_dma2 semaphore(%run_scoped3A : memref<!tpu.dma_semaphore, #tpu.memory_space<semaphore_mem>>) src(%dma_wait3A_281 : memref<80x125xi32, #tpu.memory_space<hbm>>) dst(%arg5 : memref<80x125xi32, #tpu.memory_space<vmem>>)
      tpu.yield
    }) : () -> ()
    "tpu.region"() ({
      %run_scoped3A = tpu.sem_alloc : memref<!tpu.dma_semaphore, #tpu.memory_space<semaphore_mem>>
      %dma_start3A_266 = arith.constant 0 : i32
      %dma_start3A_267 = arith.constant 0 : i32
      %dma_start3A_268 = tpu.memref_slice %arg3[%add3A, %dma_start3A_266, %dma_start3A_267] : memref<64x80x125xi32, #tpu.memory_space<hbm>> -> memref<1x80x125xi32, #tpu.memory_space<hbm>>
      %dma_start3A_269 = tpu.memref_squeeze %dma_start3A_268 : memref<1x80x125xi32, #tpu.memory_space<hbm>> -> memref<80x125xi32, #tpu.memory_space<hbm>>
      %dma_start3A_270 = arith.constant 0 : i32
      %dma_start3A_271 = arith.constant 0 : i32
      %dma_start3A_272 = tpu.memref_slice %arg3[%add3A, %dma_start3A_270, %dma_start3A_271] : memref<64x80x125xi32, #tpu.memory_space<hbm>> -> memref<1x80x125xi32, #tpu.memory_space<hbm>>
      %dma_start3A_273 = tpu.memref_squeeze %dma_start3A_272 : memref<1x80x125xi32, #tpu.memory_space<hbm>> -> memref<80x125xi32, #tpu.memory_space<hbm>>
      tpu.enqueue_dma source(%dma_start3A_273 : memref<80x125xi32, #tpu.memory_space<hbm>>) target(%arg6 : memref<80x125xi32, #tpu.memory_space<vmem>>) target_semaphore(%run_scoped3A : memref<!tpu.dma_semaphore, #tpu.memory_space<semaphore_mem>>)
      %dma_wait3A_274 = arith.constant 0 : i32
      %dma_wait3A_275 = arith.constant 0 : i32
      %dma_wait3A_276 = tpu.memref_slice %arg3[%add3A, %dma_wait3A_274, %dma_wait3A_275] : memref<64x80x125xi32, #tpu.memory_space<hbm>> -> memref<1x80x125xi32, #tpu.memory_space<hbm>>
      %dma_wait3A_277 = tpu.memref_squeeze %dma_wait3A_276 : memref<1x80x125xi32, #tpu.memory_space<hbm>> -> memref<80x125xi32, #tpu.memory_space<hbm>>
      %dma_wait3A_278 = arith.constant 0 : i32
      %dma_wait3A_279 = arith.constant 0 : i32
      %dma_wait3A_280 = tpu.memref_slice %arg3[%add3A, %dma_wait3A_278, %dma_wait3A_279] : memref<64x80x125xi32, #tpu.memory_space<hbm>> -> memref<1x80x125xi32, #tpu.memory_space<hbm>>
      %dma_wait3A_281 = tpu.memref_squeeze %dma_wait3A_280 : memref<1x80x125xi32, #tpu.memory_space<hbm>> -> memref<80x125xi32, #tpu.memory_space<hbm>>
      tpu.wait_dma2 semaphore(%run_scoped3A : memref<!tpu.dma_semaphore, #tpu.memory_space<semaphore_mem>>) src(%dma_wait3A_281 : memref<80x125xi32, #tpu.memory_space<hbm>>) dst(%arg6 : memref<80x125xi32, #tpu.memory_space<vmem>>)
      tpu.yield
    }) : () -> ()
    %broadcast_in_dim3A = arith.constant 0.000000e+00 : f32
    %broadcast_in_dim3A_3 = vector.broadcast %broadcast_in_dim3A : f32 to vector<16xf32>
    %scan3A = arith.constant 0 : i32
    %scan3A_4 = arith.constant 0 : i32
    %scan3A_5 = arith.constant 512 : i32
    %scan3A_6 = arith.addi %scan3A_4, %scan3A_5 : i32
    %scan3A_7 = arith.constant 1 : i32
    scf.for %scan3A_266 = %scan3A_4 to %scan3A_6 step %scan3A_7  : i32 {
      %jit3A = arith.constant 4 : i32
      %div3A = arith.divsi %scan3A_266, %jit3A : i32
      %sign3A = arith.constant 0 : i32
      %sign3A_267 = arith.cmpi sgt, %scan3A_266, %sign3A : i32
      %sign3A_268 = arith.extui %sign3A_267 : i1 to i32
      %sign3A_269 = arith.constant 0 : i32
      %sign3A_270 = arith.cmpi slt, %scan3A_266, %sign3A_269 : i32
      %sign3A_271 = arith.extui %sign3A_270 : i1 to i32
      %sign3A_272 = arith.subi %sign3A_268, %sign3A_271 : i32
      %sign3A_273 = arith.constant 0 : i32
      %sign3A_274 = arith.cmpi sgt, %jit3A, %sign3A_273 : i32
      %sign3A_275 = arith.extui %sign3A_274 : i1 to i32
      %sign3A_276 = arith.constant 0 : i32
      %sign3A_277 = arith.cmpi slt, %jit3A, %sign3A_276 : i32
      %sign3A_278 = arith.extui %sign3A_277 : i1 to i32
      %sign3A_279 = arith.subi %sign3A_275, %sign3A_278 : i32
      %ne3A = arith.cmpi ne, %sign3A_272, %sign3A_279 : i32
      %rem3A = arith.remsi %scan3A_266, %jit3A : i32
      %ne3A_280 = arith.constant 0 : i32
      %ne3A_281 = arith.cmpi ne, %rem3A, %ne3A_280 : i32
      %and3A = arith.andi %ne3A, %ne3A_281 : i1
      %sub3A = arith.constant 1 : i32
      %sub3A_282 = arith.subi %div3A, %sub3A : i32
      %select_n3A = arith.select %and3A, %sub3A_282, %div3A : i32
      %jit3A_283 = arith.constant 4 : i32
      %eq3A = arith.constant 0 : i32
      %eq3A_284 = arith.cmpi eq, %jit3A_283, %eq3A : i32
      %jit3A_285 = arith.constant 1 : i32
      %select_n3A_286 = arith.select %eq3A_284, %jit3A_285, %jit3A_283 : i32
      %rem3A_287 = arith.remsi %scan3A_266, %select_n3A_286 : i32
      %ne3A_288 = arith.constant 0 : i32
      %ne3A_289 = arith.cmpi ne, %rem3A_287, %ne3A_288 : i32
      %lt3A = arith.constant 0 : i32
      %lt3A_290 = arith.cmpi slt, %rem3A_287, %lt3A : i32
      %lt3A_291 = arith.constant 0 : i32
      %lt3A_292 = arith.cmpi slt, %select_n3A_286, %lt3A_291 : i32
      %ne3A_293 = arith.xori %lt3A_290, %lt3A_292 : i1
      %and3A_294 = arith.andi %ne3A_293, %ne3A_289 : i1
      %add3A_295 = arith.addi %rem3A_287, %select_n3A_286 : i32
      %select_n3A_296 = arith.select %and3A_294, %add3A_295, %rem3A_287 : i32
      %mul3A_297 = arith.constant 16 : i32
      %mul3A_298 = arith.muli %select_n3A_296, %mul3A_297 : i32
      %swap3A = arith.index_cast %select_n3A : i32 to index
      %swap3A_299 = arith.index_cast %mul3A_298 : i32 to index
      %swap3A_300 = tpu.vector_load %arg8[%swap3A, %swap3A_299] {strides = array<i32>} : memref<128x64xf32, #tpu.memory_space<vmem>>, vector<1x16xf32>,
      %swap3A_301 = vector.shape_cast %swap3A_300 : vector<1x16xf32> to vector<16xf32>
      %swap3A_302 = vector.shape_cast %broadcast_in_dim3A_3 : vector<16xf32> to vector<1x16xf32>
      tpu.vector_store %arg8[%swap3A, %swap3A_299], %swap3A_302 {strides = array<i32>} : memref<128x64xf32, #tpu.memory_space<vmem>>, vector<1x16xf32>,
    }
    %scan3A_8 = arith.constant 512 : i32
    %scan3A_9 = arith.constant 0 : i32
    %scan3A_10 = arith.constant 0 : i32
    %scan3A_11 = arith.constant 5 : i32
    %scan3A_12 = arith.addi %scan3A_10, %scan3A_11 : i32
    %scan3A_13 = arith.constant 1 : i32
    scf.for %scan3A_266 = %scan3A_10 to %scan3A_12 step %scan3A_13  : i32 {
      %mul3A_267 = arith.constant 640 : i32
      %mul3A_268 = arith.muli %arg1, %mul3A_267 : i32
      %mul3A_269 = arith.constant 128 : i32
      %mul3A_270 = arith.muli %scan3A_266, %mul3A_269 : i32
      %add3A_271 = arith.addi %mul3A_268, %mul3A_270 : i32
      "tpu.region"() ({
        %run_scoped3A = tpu.sem_alloc : memref<!tpu.dma_semaphore, #tpu.memory_space<semaphore_mem>>
        %dma_start3A_272 = arith.constant 0 : i32
        %dma_start3A_273 = tpu.memref_slice %arg9[%add3A_271, %dma_start3A_272] : memref<10240x64xf32, #tpu.memory_space<vmem_shared>> -> memref<128x64xf32, #tpu.memory_space<vmem_shared>>
        %dma_start3A_274 = arith.constant 0 : i32
        %dma_start3A_275 = tpu.memref_slice %arg9[%add3A_271, %dma_start3A_274] : memref<10240x64xf32, #tpu.memory_space<vmem_shared>> -> memref<128x64xf32, #tpu.memory_space<vmem_shared>>
        tpu.enqueue_dma source(%arg8 : memref<128x64xf32, #tpu.memory_space<vmem>>) target(%dma_start3A_275 : memref<128x64xf32, #tpu.memory_space<vmem_shared>>) target_semaphore(%run_scoped3A : memref<!tpu.dma_semaphore, #tpu.memory_space<semaphore_mem>>)
        %dma_wait3A_276 = arith.constant 0 : i32
        %dma_wait3A_277 = tpu.memref_slice %arg9[%add3A_271, %dma_wait3A_276] : memref<10240x64xf32, #tpu.memory_space<vmem_shared>> -> memref<128x64xf32, #tpu.memory_space<vmem_shared>>
        %dma_wait3A_278 = arith.constant 0 : i32
        %dma_wait3A_279 = tpu.memref_slice %arg9[%add3A_271, %dma_wait3A_278] : memref<10240x64xf32, #tpu.memory_space<vmem_shared>> -> memref<128x64xf32, #tpu.memory_space<vmem_shared>>
        tpu.wait_dma2 semaphore(%run_scoped3A : memref<!tpu.dma_semaphore, #tpu.memory_space<semaphore_mem>>) src(%arg8 : memref<128x64xf32, #tpu.memory_space<vmem>>) dst(%dma_wait3A_279 : memref<128x64xf32, #tpu.memory_space<vmem_shared>>)
        tpu.yield
      }) : () -> ()
    }
    %scan3A_14 = arith.constant 5 : i32
    %barrier3A = arith.constant 0 : index
    tpu.barrier barrier_id(%barrier3A)
    %dma_start3A = arith.constant 0 : i32
    %dma_start3A_15 = arith.constant 0 : i32
    %dma_start3A_16 = arith.constant 0 : i32
    %dma_start3A_17 = arith.constant 0 : i32
    %dma_start3A_18 = arith.constant 0 : i32
    %dma_start3A_19 = tpu.memref_slice %arg7[%dma_start3A_15, %dma_start3A_17, %dma_start3A_18] : memref<4x125x64xf32, #tpu.memory_space<vmem>> -> memref<1x125x64xf32, #tpu.memory_space<vmem>>
    %dma_start3A_20 = tpu.memref_squeeze %dma_start3A_19 : memref<1x125x64xf32, #tpu.memory_space<vmem>> -> memref<125x64xf32, #tpu.memory_space<vmem>>
    %dma_start3A_21 = arith.constant 0 : i32
    %dma_start3A_22 = tpu.memref_slice %arg5[%dma_start3A, %dma_start3A_21] : memref<80x125xi32, #tpu.memory_space<vmem>> -> memref<1x125xi32, #tpu.memory_space<vmem>>
    %dma_start3A_23 = tpu.memref_squeeze %dma_start3A_22 : memref<1x125xi32, #tpu.memory_space<vmem>> -> memref<125xi32, #tpu.memory_space<vmem>>
    %dma_start3A_24 = arith.constant 0 : i32
    %dma_start3A_25 = arith.constant 0 : i32
    %dma_start3A_26 = tpu.memref_slice %arg2[%dma_start3A_24, %dma_start3A_25] : memref<10000x64xf32, #tpu.memory_space<hbm>> -> memref<10000x64xf32, #tpu.memory_space<hbm>>
    %dma_start3A_27 = tpu.memref_slice %arg10[%dma_start3A_16] : memref<4x!tpu.dma_semaphore, #tpu.memory_space<semaphore_mem>> -> memref<1x!tpu.dma_semaphore, #tpu.memory_space<semaphore_mem>>
    %dma_start3A_28 = tpu.memref_squeeze %dma_start3A_27 : memref<1x!tpu.dma_semaphore, #tpu.memory_space<semaphore_mem>> -> memref<!tpu.dma_semaphore, #tpu.memory_space<semaphore_mem>>
    tpu.enqueue_indirect_dma source(%dma_start3A_26 : memref<10000x64xf32, #tpu.memory_space<hbm>>) target(%dma_start3A_20 : memref<125x64xf32, #tpu.memory_space<vmem>>) offsets(%dma_start3A_23 : memref<125xi32, #tpu.memory_space<vmem>>) semaphore(%dma_start3A_28 : memref<!tpu.dma_semaphore, #tpu.memory_space<semaphore_mem>>)
    %dma_start3A_29 = arith.constant 1 : i32
    %dma_start3A_30 = arith.constant 1 : i32
    %dma_start3A_31 = arith.constant 1 : i32
    %dma_start3A_32 = arith.constant 0 : i32
    %dma_start3A_33 = arith.constant 0 : i32
    %dma_start3A_34 = tpu.memref_slice %arg7[%dma_start3A_30, %dma_start3A_32, %dma_start3A_33] : memref<4x125x64xf32, #tpu.memory_space<vmem>> -> memref<1x125x64xf32, #tpu.memory_space<vmem>>
    %dma_start3A_35 = tpu.memref_squeeze %dma_start3A_34 : memref<1x125x64xf32, #tpu.memory_space<vmem>> -> memref<125x64xf32, #tpu.memory_space<vmem>>
    %dma_start3A_36 = arith.constant 0 : i32
    %dma_start3A_37 = tpu.memref_slice %arg5[%dma_start3A_29, %dma_start3A_36] : memref<80x125xi32, #tpu.memory_space<vmem>> -> memref<1x125xi32, #tpu.memory_space<vmem>>
    %dma_start3A_38 = tpu.memref_squeeze %dma_start3A_37 : memref<1x125xi32, #tpu.memory_space<vmem>> -> memref<125xi32, #tpu.memory_space<vmem>>
    %dma_start3A_39 = arith.constant 0 : i32
    %dma_start3A_40 = arith.constant 0 : i32
    %dma_start3A_41 = tpu.memref_slice %arg2[%dma_start3A_39, %dma_start3A_40] : memref<10000x64xf32, #tpu.memory_space<hbm>> -> memref<10000x64xf32, #tpu.memory_space<hbm>>
    %dma_start3A_42 = tpu.memref_slice %arg10[%dma_start3A_31] : memref<4x!tpu.dma_semaphore, #tpu.memory_space<semaphore_mem>> -> memref<1x!tpu.dma_semaphore, #tpu.memory_space<semaphore_mem>>
    %dma_start3A_43 = tpu.memref_squeeze %dma_start3A_42 : memref<1x!tpu.dma_semaphore, #tpu.memory_space<semaphore_mem>> -> memref<!tpu.dma_semaphore, #tpu.memory_space<semaphore_mem>>
    tpu.enqueue_indirect_dma source(%dma_start3A_41 : memref<10000x64xf32, #tpu.memory_space<hbm>>) target(%dma_start3A_35 : memref<125x64xf32, #tpu.memory_space<vmem>>) offsets(%dma_start3A_38 : memref<125xi32, #tpu.memory_space<vmem>>) semaphore(%dma_start3A_43 : memref<!tpu.dma_semaphore, #tpu.memory_space<semaphore_mem>>)
    %dma_start3A_44 = arith.constant 2 : i32
    %dma_start3A_45 = arith.constant 2 : i32
    %dma_start3A_46 = arith.constant 2 : i32
    %dma_start3A_47 = arith.constant 0 : i32
    %dma_start3A_48 = arith.constant 0 : i32
    %dma_start3A_49 = tpu.memref_slice %arg7[%dma_start3A_45, %dma_start3A_47, %dma_start3A_48] : memref<4x125x64xf32, #tpu.memory_space<vmem>> -> memref<1x125x64xf32, #tpu.memory_space<vmem>>
    %dma_start3A_50 = tpu.memref_squeeze %dma_start3A_49 : memref<1x125x64xf32, #tpu.memory_space<vmem>> -> memref<125x64xf32, #tpu.memory_space<vmem>>
    %dma_start3A_51 = arith.constant 0 : i32
    %dma_start3A_52 = tpu.memref_slice %arg5[%dma_start3A_44, %dma_start3A_51] : memref<80x125xi32, #tpu.memory_space<vmem>> -> memref<1x125xi32, #tpu.memory_space<vmem>>
    %dma_start3A_53 = tpu.memref_squeeze %dma_start3A_52 : memref<1x125xi32, #tpu.memory_space<vmem>> -> memref<125xi32, #tpu.memory_space<vmem>>
    %dma_start3A_54 = arith.constant 0 : i32
    %dma_start3A_55 = arith.constant 0 : i32
    %dma_start3A_56 = tpu.memref_slice %arg2[%dma_start3A_54, %dma_start3A_55] : memref<10000x64xf32, #tpu.memory_space<hbm>> -> memref<10000x64xf32, #tpu.memory_space<hbm>>
    %dma_start3A_57 = tpu.memref_slice %arg10[%dma_start3A_46] : memref<4x!tpu.dma_semaphore, #tpu.memory_space<semaphore_mem>> -> memref<1x!tpu.dma_semaphore, #tpu.memory_space<semaphore_mem>>
    %dma_start3A_58 = tpu.memref_squeeze %dma_start3A_57 : memref<1x!tpu.dma_semaphore, #tpu.memory_space<semaphore_mem>> -> memref<!tpu.dma_semaphore, #tpu.memory_space<semaphore_mem>>
    tpu.enqueue_indirect_dma source(%dma_start3A_56 : memref<10000x64xf32, #tpu.memory_space<hbm>>) target(%dma_start3A_50 : memref<125x64xf32, #tpu.memory_space<vmem>>) offsets(%dma_start3A_53 : memref<125xi32, #tpu.memory_space<vmem>>) semaphore(%dma_start3A_58 : memref<!tpu.dma_semaphore, #tpu.memory_space<semaphore_mem>>)
    %dma_start3A_59 = arith.constant 3 : i32
    %dma_start3A_60 = arith.constant 3 : i32
    %dma_start3A_61 = arith.constant 3 : i32
    %dma_start3A_62 = arith.constant 0 : i32
    %dma_start3A_63 = arith.constant 0 : i32
    %dma_start3A_64 = tpu.memref_slice %arg7[%dma_start3A_60, %dma_start3A_62, %dma_start3A_63] : memref<4x125x64xf32, #tpu.memory_space<vmem>> -> memref<1x125x64xf32, #tpu.memory_space<vmem>>
    %dma_start3A_65 = tpu.memref_squeeze %dma_start3A_64 : memref<1x125x64xf32, #tpu.memory_space<vmem>> -> memref<125x64xf32, #tpu.memory_space<vmem>>
    %dma_start3A_66 = arith.constant 0 : i32
    %dma_start3A_67 = tpu.memref_slice %arg5[%dma_start3A_59, %dma_start3A_66] : memref<80x125xi32, #tpu.memory_space<vmem>> -> memref<1x125xi32, #tpu.memory_space<vmem>>
    %dma_start3A_68 = tpu.memref_squeeze %dma_start3A_67 : memref<1x125xi32, #tpu.memory_space<vmem>> -> memref<125xi32, #tpu.memory_space<vmem>>
    %dma_start3A_69 = arith.constant 0 : i32
    %dma_start3A_70 = arith.constant 0 : i32
    %dma_start3A_71 = tpu.memref_slice %arg2[%dma_start3A_69, %dma_start3A_70] : memref<10000x64xf32, #tpu.memory_space<hbm>> -> memref<10000x64xf32, #tpu.memory_space<hbm>>
    %dma_start3A_72 = tpu.memref_slice %arg10[%dma_start3A_61] : memref<4x!tpu.dma_semaphore, #tpu.memory_space<semaphore_mem>> -> memref<1x!tpu.dma_semaphore, #tpu.memory_space<semaphore_mem>>
    %dma_start3A_73 = tpu.memref_squeeze %dma_start3A_72 : memref<1x!tpu.dma_semaphore, #tpu.memory_space<semaphore_mem>> -> memref<!tpu.dma_semaphore, #tpu.memory_space<semaphore_mem>>
    tpu.enqueue_indirect_dma source(%dma_start3A_71 : memref<10000x64xf32, #tpu.memory_space<hbm>>) target(%dma_start3A_65 : memref<125x64xf32, #tpu.memory_space<vmem>>) offsets(%dma_start3A_68 : memref<125xi32, #tpu.memory_space<vmem>>) semaphore(%dma_start3A_73 : memref<!tpu.dma_semaphore, #tpu.memory_space<semaphore_mem>>)
    %scan3A_74 = arith.constant 0 : i32
    %scan3A_75 = arith.constant 0 : i32
    %scan3A_76 = arith.constant 19 : i32
    %scan3A_77 = arith.addi %scan3A_75, %scan3A_76 : i32
    %scan3A_78 = arith.constant 1 : i32
    scf.for %scan3A_266 = %scan3A_75 to %scan3A_77 step %scan3A_78  : i32 {
      %mul3A_267 = arith.constant 4 : i32
      %mul3A_268 = arith.muli %scan3A_266, %mul3A_267 : i32
      %add3A_269 = arith.constant 0 : i32
      %add3A_270 = arith.addi %mul3A_268, %add3A_269 : i32
      %dma_wait3A_271 = arith.constant 0 : i32
      %dma_wait3A_272 = arith.constant 0 : i32
      %dma_wait3A_273 = arith.constant 0 : i32
      %dma_wait3A_274 = arith.constant 0 : i32
      %dma_wait3A_275 = tpu.memref_slice %arg7[%dma_wait3A_271, %dma_wait3A_273, %dma_wait3A_274] : memref<4x125x64xf32, #tpu.memory_space<vmem>> -> memref<1x125x64xf32, #tpu.memory_space<vmem>>
      %dma_wait3A_276 = tpu.memref_squeeze %dma_wait3A_275 : memref<1x125x64xf32, #tpu.memory_space<vmem>> -> memref<125x64xf32, #tpu.memory_space<vmem>>
      %dma_wait3A_277 = arith.constant 0 : i32
      %dma_wait3A_278 = tpu.memref_slice %arg5[%add3A_270, %dma_wait3A_277] : memref<80x125xi32, #tpu.memory_space<vmem>> -> memref<1x125xi32, #tpu.memory_space<vmem>>
      %dma_wait3A_279 = tpu.memref_squeeze %dma_wait3A_278 : memref<1x125xi32, #tpu.memory_space<vmem>> -> memref<125xi32, #tpu.memory_space<vmem>>
      %dma_wait3A_280 = arith.constant 0 : i32
      %dma_wait3A_281 = arith.constant 0 : i32
      %dma_wait3A_282 = tpu.memref_slice %arg2[%dma_wait3A_280, %dma_wait3A_281] : memref<10000x64xf32, #tpu.memory_space<hbm>> -> memref<10000x64xf32, #tpu.memory_space<hbm>>
      %dma_wait3A_283 = tpu.memref_slice %arg10[%dma_wait3A_272] : memref<4x!tpu.dma_semaphore, #tpu.memory_space<semaphore_mem>> -> memref<1x!tpu.dma_semaphore, #tpu.memory_space<semaphore_mem>>
      %dma_wait3A_284 = tpu.memref_squeeze %dma_wait3A_283 : memref<1x!tpu.dma_semaphore, #tpu.memory_space<semaphore_mem>> -> memref<!tpu.dma_semaphore, #tpu.memory_space<semaphore_mem>>
      tpu.wait_indirect_dma semaphore(%dma_wait3A_284 : memref<!tpu.dma_semaphore, #tpu.memory_space<semaphore_mem>>) src(%dma_wait3A_282 : memref<10000x64xf32, #tpu.memory_space<hbm>>) dst(%dma_wait3A_276 : memref<125x64xf32, #tpu.memory_space<vmem>>)
      %dma_start3A_285 = arith.constant 0 : i32
      %dma_start3A_286 = arith.constant 0 : i32
      %dma_start3A_287 = arith.constant 0 : i32
      %dma_start3A_288 = arith.constant 0 : i32
      %dma_start3A_289 = tpu.memref_slice %arg7[%dma_start3A_285, %dma_start3A_287, %dma_start3A_288] : memref<4x125x64xf32, #tpu.memory_space<vmem>> -> memref<1x125x64xf32, #tpu.memory_space<vmem>>
      %dma_start3A_290 = tpu.memref_squeeze %dma_start3A_289 : memref<1x125x64xf32, #tpu.memory_space<vmem>> -> memref<125x64xf32, #tpu.memory_space<vmem>>
      %dma_start3A_291 = arith.constant 0 : i32
      %dma_start3A_292 = tpu.memref_slice %arg6[%add3A_270, %dma_start3A_291] : memref<80x125xi32, #tpu.memory_space<vmem>> -> memref<1x125xi32, #tpu.memory_space<vmem>>
      %dma_start3A_293 = tpu.memref_squeeze %dma_start3A_292 : memref<1x125xi32, #tpu.memory_space<vmem>> -> memref<125xi32, #tpu.memory_space<vmem>>
      %dma_start3A_294 = arith.constant 0 : i32
      %dma_start3A_295 = arith.constant 0 : i32
      %dma_start3A_296 = tpu.memref_slice %arg9[%dma_start3A_294, %dma_start3A_295] : memref<10240x64xf32, #tpu.memory_space<vmem_shared>> -> memref<10240x64xf32, #tpu.memory_space<vmem_shared>>
      %dma_start3A_297 = tpu.memref_slice %arg11[%dma_start3A_286] : memref<4x!tpu.dma_semaphore, #tpu.memory_space<semaphore_mem>> -> memref<1x!tpu.dma_semaphore, #tpu.memory_space<semaphore_mem>>
      %dma_start3A_298 = tpu.memref_squeeze %dma_start3A_297 : memref<1x!tpu.dma_semaphore, #tpu.memory_space<semaphore_mem>> -> memref<!tpu.dma_semaphore, #tpu.memory_space<semaphore_mem>>
      tpu.enqueue_indirect_dma source(%dma_start3A_290 : memref<125x64xf32, #tpu.memory_space<vmem>>) target(%dma_start3A_296 : memref<10240x64xf32, #tpu.memory_space<vmem_shared>>) offsets(%dma_start3A_293 : memref<125xi32, #tpu.memory_space<vmem>>) semaphore(%dma_start3A_298 : memref<!tpu.dma_semaphore, #tpu.memory_space<semaphore_mem>>) {add = true}
      %dma_wait3A_299 = arith.constant 0 : i32
      %dma_wait3A_300 = arith.constant 0 : i32
      %dma_wait3A_301 = arith.constant 0 : i32
      %dma_wait3A_302 = arith.constant 0 : i32
      %dma_wait3A_303 = tpu.memref_slice %arg7[%dma_wait3A_299, %dma_wait3A_301, %dma_wait3A_302] : memref<4x125x64xf32, #tpu.memory_space<vmem>> -> memref<1x125x64xf32, #tpu.memory_space<vmem>>
      %dma_wait3A_304 = tpu.memref_squeeze %dma_wait3A_303 : memref<1x125x64xf32, #tpu.memory_space<vmem>> -> memref<125x64xf32, #tpu.memory_space<vmem>>
      %dma_wait3A_305 = arith.constant 0 : i32
      %dma_wait3A_306 = tpu.memref_slice %arg6[%add3A_270, %dma_wait3A_305] : memref<80x125xi32, #tpu.memory_space<vmem>> -> memref<1x125xi32, #tpu.memory_space<vmem>>
      %dma_wait3A_307 = tpu.memref_squeeze %dma_wait3A_306 : memref<1x125xi32, #tpu.memory_space<vmem>> -> memref<125xi32, #tpu.memory_space<vmem>>
      %dma_wait3A_308 = arith.constant 0 : i32
      %dma_wait3A_309 = arith.constant 0 : i32
      %dma_wait3A_310 = tpu.memref_slice %arg9[%dma_wait3A_308, %dma_wait3A_309] : memref<10240x64xf32, #tpu.memory_space<vmem_shared>> -> memref<10240x64xf32, #tpu.memory_space<vmem_shared>>
      %dma_wait3A_311 = tpu.memref_slice %arg11[%dma_wait3A_300] : memref<4x!tpu.dma_semaphore, #tpu.memory_space<semaphore_mem>> -> memref<1x!tpu.dma_semaphore, #tpu.memory_space<semaphore_mem>>
      %dma_wait3A_312 = tpu.memref_squeeze %dma_wait3A_311 : memref<1x!tpu.dma_semaphore, #tpu.memory_space<semaphore_mem>> -> memref<!tpu.dma_semaphore, #tpu.memory_space<semaphore_mem>>
      tpu.wait_indirect_dma semaphore(%dma_wait3A_312 : memref<!tpu.dma_semaphore, #tpu.memory_space<semaphore_mem>>) src(%dma_wait3A_304 : memref<125x64xf32, #tpu.memory_space<vmem>>) dst(%dma_wait3A_310 : memref<10240x64xf32, #tpu.memory_space<vmem_shared>>)
      %add3A_313 = arith.constant 4 : i32
      %add3A_314 = arith.addi %add3A_270, %add3A_313 : i32
      %dma_start3A_315 = arith.constant 0 : i32
      %dma_start3A_316 = arith.constant 0 : i32
      %dma_start3A_317 = arith.constant 0 : i32
      %dma_start3A_318 = arith.constant 0 : i32
      %dma_start3A_319 = tpu.memref_slice %arg7[%dma_start3A_315, %dma_start3A_317, %dma_start3A_318] : memref<4x125x64xf32, #tpu.memory_space<vmem>> -> memref<1x125x64xf32, #tpu.memory_space<vmem>>
      %dma_start3A_320 = tpu.memref_squeeze %dma_start3A_319 : memref<1x125x64xf32, #tpu.memory_space<vmem>> -> memref<125x64xf32, #tpu.memory_space<vmem>>
      %dma_start3A_321 = arith.constant 0 : i32
      %dma_start3A_322 = tpu.memref_slice %arg5[%add3A_314, %dma_start3A_321] : memref<80x125xi32, #tpu.memory_space<vmem>> -> memref<1x125xi32, #tpu.memory_space<vmem>>
      %dma_start3A_323 = tpu.memref_squeeze %dma_start3A_322 : memref<1x125xi32, #tpu.memory_space<vmem>> -> memref<125xi32, #tpu.memory_space<vmem>>
      %dma_start3A_324 = arith.constant 0 : i32
      %dma_start3A_325 = arith.constant 0 : i32
      %dma_start3A_326 = tpu.memref_slice %arg2[%dma_start3A_324, %dma_start3A_325] : memref<10000x64xf32, #tpu.memory_space<hbm>> -> memref<10000x64xf32, #tpu.memory_space<hbm>>
      %dma_start3A_327 = tpu.memref_slice %arg10[%dma_start3A_316] : memref<4x!tpu.dma_semaphore, #tpu.memory_space<semaphore_mem>> -> memref<1x!tpu.dma_semaphore, #tpu.memory_space<semaphore_mem>>
      %dma_start3A_328 = tpu.memref_squeeze %dma_start3A_327 : memref<1x!tpu.dma_semaphore, #tpu.memory_space<semaphore_mem>> -> memref<!tpu.dma_semaphore, #tpu.memory_space<semaphore_mem>>
      tpu.enqueue_indirect_dma source(%dma_start3A_326 : memref<10000x64xf32, #tpu.memory_space<hbm>>) target(%dma_start3A_320 : memref<125x64xf32, #tpu.memory_space<vmem>>) offsets(%dma_start3A_323 : memref<125xi32, #tpu.memory_space<vmem>>) semaphore(%dma_start3A_328 : memref<!tpu.dma_semaphore, #tpu.memory_space<semaphore_mem>>)
      %mul3A_329 = arith.constant 4 : i32
      %mul3A_330 = arith.muli %scan3A_266, %mul3A_329 : i32
      %add3A_331 = arith.constant 1 : i32
      %add3A_332 = arith.addi %mul3A_330, %add3A_331 : i32
      %dma_wait3A_333 = arith.constant 1 : i32
      %dma_wait3A_334 = arith.constant 1 : i32
      %dma_wait3A_335 = arith.constant 0 : i32
      %dma_wait3A_336 = arith.constant 0 : i32
      %dma_wait3A_337 = tpu.memref_slice %arg7[%dma_wait3A_333, %dma_wait3A_335, %dma_wait3A_336] : memref<4x125x64xf32, #tpu.memory_space<vmem>> -> memref<1x125x64xf32, #tpu.memory_space<vmem>>
      %dma_wait3A_338 = tpu.memref_squeeze %dma_wait3A_337 : memref<1x125x64xf32, #tpu.memory_space<vmem>> -> memref<125x64xf32, #tpu.memory_space<vmem>>
      %dma_wait3A_339 = arith.constant 0 : i32
      %dma_wait3A_340 = tpu.memref_slice %arg5[%add3A_332, %dma_wait3A_339] : memref<80x125xi32, #tpu.memory_space<vmem>> -> memref<1x125xi32, #tpu.memory_space<vmem>>
      %dma_wait3A_341 = tpu.memref_squeeze %dma_wait3A_340 : memref<1x125xi32, #tpu.memory_space<vmem>> -> memref<125xi32, #tpu.memory_space<vmem>>
      %dma_wait3A_342 = arith.constant 0 : i32
      %dma_wait3A_343 = arith.constant 0 : i32
      %dma_wait3A_344 = tpu.memref_slice %arg2[%dma_wait3A_342, %dma_wait3A_343] : memref<10000x64xf32, #tpu.memory_space<hbm>> -> memref<10000x64xf32, #tpu.memory_space<hbm>>
      %dma_wait3A_345 = tpu.memref_slice %arg10[%dma_wait3A_334] : memref<4x!tpu.dma_semaphore, #tpu.memory_space<semaphore_mem>> -> memref<1x!tpu.dma_semaphore, #tpu.memory_space<semaphore_mem>>
      %dma_wait3A_346 = tpu.memref_squeeze %dma_wait3A_345 : memref<1x!tpu.dma_semaphore, #tpu.memory_space<semaphore_mem>> -> memref<!tpu.dma_semaphore, #tpu.memory_space<semaphore_mem>>
      tpu.wait_indirect_dma semaphore(%dma_wait3A_346 : memref<!tpu.dma_semaphore, #tpu.memory_space<semaphore_mem>>) src(%dma_wait3A_344 : memref<10000x64xf32, #tpu.memory_space<hbm>>) dst(%dma_wait3A_338 : memref<125x64xf32, #tpu.memory_space<vmem>>)
      %dma_start3A_347 = arith.constant 1 : i32
      %dma_start3A_348 = arith.constant 1 : i32
      %dma_start3A_349 = arith.constant 0 : i32
      %dma_start3A_350 = arith.constant 0 : i32
      %dma_start3A_351 = tpu.memref_slice %arg7[%dma_start3A_347, %dma_start3A_349, %dma_start3A_350] : memref<4x125x64xf32, #tpu.memory_space<vmem>> -> memref<1x125x64xf32, #tpu.memory_space<vmem>>
      %dma_start3A_352 = tpu.memref_squeeze %dma_start3A_351 : memref<1x125x64xf32, #tpu.memory_space<vmem>> -> memref<125x64xf32, #tpu.memory_space<vmem>>
      %dma_start3A_353 = arith.constant 0 : i32
      %dma_start3A_354 = tpu.memref_slice %arg6[%add3A_332, %dma_start3A_353] : memref<80x125xi32, #tpu.memory_space<vmem>> -> memref<1x125xi32, #tpu.memory_space<vmem>>
      %dma_start3A_355 = tpu.memref_squeeze %dma_start3A_354 : memref<1x125xi32, #tpu.memory_space<vmem>> -> memref<125xi32, #tpu.memory_space<vmem>>
      %dma_start3A_356 = arith.constant 0 : i32
      %dma_start3A_357 = arith.constant 0 : i32
      %dma_start3A_358 = tpu.memref_slice %arg9[%dma_start3A_356, %dma_start3A_357] : memref<10240x64xf32, #tpu.memory_space<vmem_shared>> -> memref<10240x64xf32, #tpu.memory_space<vmem_shared>>
      %dma_start3A_359 = tpu.memref_slice %arg11[%dma_start3A_348] : memref<4x!tpu.dma_semaphore, #tpu.memory_space<semaphore_mem>> -> memref<1x!tpu.dma_semaphore, #tpu.memory_space<semaphore_mem>>
      %dma_start3A_360 = tpu.memref_squeeze %dma_start3A_359 : memref<1x!tpu.dma_semaphore, #tpu.memory_space<semaphore_mem>> -> memref<!tpu.dma_semaphore, #tpu.memory_space<semaphore_mem>>
      tpu.enqueue_indirect_dma source(%dma_start3A_352 : memref<125x64xf32, #tpu.memory_space<vmem>>) target(%dma_start3A_358 : memref<10240x64xf32, #tpu.memory_space<vmem_shared>>) offsets(%dma_start3A_355 : memref<125xi32, #tpu.memory_space<vmem>>) semaphore(%dma_start3A_360 : memref<!tpu.dma_semaphore, #tpu.memory_space<semaphore_mem>>) {add = true}
      %dma_wait3A_361 = arith.constant 1 : i32
      %dma_wait3A_362 = arith.constant 1 : i32
      %dma_wait3A_363 = arith.constant 0 : i32
      %dma_wait3A_364 = arith.constant 0 : i32
      %dma_wait3A_365 = tpu.memref_slice %arg7[%dma_wait3A_361, %dma_wait3A_363, %dma_wait3A_364] : memref<4x125x64xf32, #tpu.memory_space<vmem>> -> memref<1x125x64xf32, #tpu.memory_space<vmem>>
      %dma_wait3A_366 = tpu.memref_squeeze %dma_wait3A_365 : memref<1x125x64xf32, #tpu.memory_space<vmem>> -> memref<125x64xf32, #tpu.memory_space<vmem>>
      %dma_wait3A_367 = arith.constant 0 : i32
      %dma_wait3A_368 = tpu.memref_slice %arg6[%add3A_332, %dma_wait3A_367] : memref<80x125xi32, #tpu.memory_space<vmem>> -> memref<1x125xi32, #tpu.memory_space<vmem>>
      %dma_wait3A_369 = tpu.memref_squeeze %dma_wait3A_368 : memref<1x125xi32, #tpu.memory_space<vmem>> -> memref<125xi32, #tpu.memory_space<vmem>>
      %dma_wait3A_370 = arith.constant 0 : i32
      %dma_wait3A_371 = arith.constant 0 : i32
      %dma_wait3A_372 = tpu.memref_slice %arg9[%dma_wait3A_370, %dma_wait3A_371] : memref<10240x64xf32, #tpu.memory_space<vmem_shared>> -> memref<10240x64xf32, #tpu.memory_space<vmem_shared>>
      %dma_wait3A_373 = tpu.memref_slice %arg11[%dma_wait3A_362] : memref<4x!tpu.dma_semaphore, #tpu.memory_space<semaphore_mem>> -> memref<1x!tpu.dma_semaphore, #tpu.memory_space<semaphore_mem>>
      %dma_wait3A_374 = tpu.memref_squeeze %dma_wait3A_373 : memref<1x!tpu.dma_semaphore, #tpu.memory_space<semaphore_mem>> -> memref<!tpu.dma_semaphore, #tpu.memory_space<semaphore_mem>>
      tpu.wait_indirect_dma semaphore(%dma_wait3A_374 : memref<!tpu.dma_semaphore, #tpu.memory_space<semaphore_mem>>) src(%dma_wait3A_366 : memref<125x64xf32, #tpu.memory_space<vmem>>) dst(%dma_wait3A_372 : memref<10240x64xf32, #tpu.memory_space<vmem_shared>>)
      %add3A_375 = arith.constant 4 : i32
      %add3A_376 = arith.addi %add3A_332, %add3A_375 : i32
      %dma_start3A_377 = arith.constant 1 : i32
      %dma_start3A_378 = arith.constant 1 : i32
      %dma_start3A_379 = arith.constant 0 : i32
      %dma_start3A_380 = arith.constant 0 : i32
      %dma_start3A_381 = tpu.memref_slice %arg7[%dma_start3A_377, %dma_start3A_379, %dma_start3A_380] : memref<4x125x64xf32, #tpu.memory_space<vmem>> -> memref<1x125x64xf32, #tpu.memory_space<vmem>>
      %dma_start3A_382 = tpu.memref_squeeze %dma_start3A_381 : memref<1x125x64xf32, #tpu.memory_space<vmem>> -> memref<125x64xf32, #tpu.memory_space<vmem>>
      %dma_start3A_383 = arith.constant 0 : i32
      %dma_start3A_384 = tpu.memref_slice %arg5[%add3A_376, %dma_start3A_383] : memref<80x125xi32, #tpu.memory_space<vmem>> -> memref<1x125xi32, #tpu.memory_space<vmem>>
      %dma_start3A_385 = tpu.memref_squeeze %dma_start3A_384 : memref<1x125xi32, #tpu.memory_space<vmem>> -> memref<125xi32, #tpu.memory_space<vmem>>
      %dma_start3A_386 = arith.constant 0 : i32
      %dma_start3A_387 = arith.constant 0 : i32
      %dma_start3A_388 = tpu.memref_slice %arg2[%dma_start3A_386, %dma_start3A_387] : memref<10000x64xf32, #tpu.memory_space<hbm>> -> memref<10000x64xf32, #tpu.memory_space<hbm>>
      %dma_start3A_389 = tpu.memref_slice %arg10[%dma_start3A_378] : memref<4x!tpu.dma_semaphore, #tpu.memory_space<semaphore_mem>> -> memref<1x!tpu.dma_semaphore, #tpu.memory_space<semaphore_mem>>
      %dma_start3A_390 = tpu.memref_squeeze %dma_start3A_389 : memref<1x!tpu.dma_semaphore, #tpu.memory_space<semaphore_mem>> -> memref<!tpu.dma_semaphore, #tpu.memory_space<semaphore_mem>>
      tpu.enqueue_indirect_dma source(%dma_start3A_388 : memref<10000x64xf32, #tpu.memory_space<hbm>>) target(%dma_start3A_382 : memref<125x64xf32, #tpu.memory_space<vmem>>) offsets(%dma_start3A_385 : memref<125xi32, #tpu.memory_space<vmem>>) semaphore(%dma_start3A_390 : memref<!tpu.dma_semaphore, #tpu.memory_space<semaphore_mem>>)
      %mul3A_391 = arith.constant 4 : i32
      %mul3A_392 = arith.muli %scan3A_266, %mul3A_391 : i32
      %add3A_393 = arith.constant 2 : i32
      %add3A_394 = arith.addi %mul3A_392, %add3A_393 : i32
      %dma_wait3A_395 = arith.constant 2 : i32
      %dma_wait3A_396 = arith.constant 2 : i32
      %dma_wait3A_397 = arith.constant 0 : i32
      %dma_wait3A_398 = arith.constant 0 : i32
      %dma_wait3A_399 = tpu.memref_slice %arg7[%dma_wait3A_395, %dma_wait3A_397, %dma_wait3A_398] : memref<4x125x64xf32, #tpu.memory_space<vmem>> -> memref<1x125x64xf32, #tpu.memory_space<vmem>>
      %dma_wait3A_400 = tpu.memref_squeeze %dma_wait3A_399 : memref<1x125x64xf32, #tpu.memory_space<vmem>> -> memref<125x64xf32, #tpu.memory_space<vmem>>
      %dma_wait3A_401 = arith.constant 0 : i32
      %dma_wait3A_402 = tpu.memref_slice %arg5[%add3A_394, %dma_wait3A_401] : memref<80x125xi32, #tpu.memory_space<vmem>> -> memref<1x125xi32, #tpu.memory_space<vmem>>
      %dma_wait3A_403 = tpu.memref_squeeze %dma_wait3A_402 : memref<1x125xi32, #tpu.memory_space<vmem>> -> memref<125xi32, #tpu.memory_space<vmem>>
      %dma_wait3A_404 = arith.constant 0 : i32
      %dma_wait3A_405 = arith.constant 0 : i32
      %dma_wait3A_406 = tpu.memref_slice %arg2[%dma_wait3A_404, %dma_wait3A_405] : memref<10000x64xf32, #tpu.memory_space<hbm>> -> memref<10000x64xf32, #tpu.memory_space<hbm>>
      %dma_wait3A_407 = tpu.memref_slice %arg10[%dma_wait3A_396] : memref<4x!tpu.dma_semaphore, #tpu.memory_space<semaphore_mem>> -> memref<1x!tpu.dma_semaphore, #tpu.memory_space<semaphore_mem>>
      %dma_wait3A_408 = tpu.memref_squeeze %dma_wait3A_407 : memref<1x!tpu.dma_semaphore, #tpu.memory_space<semaphore_mem>> -> memref<!tpu.dma_semaphore, #tpu.memory_space<semaphore_mem>>
      tpu.wait_indirect_dma semaphore(%dma_wait3A_408 : memref<!tpu.dma_semaphore, #tpu.memory_space<semaphore_mem>>) src(%dma_wait3A_406 : memref<10000x64xf32, #tpu.memory_space<hbm>>) dst(%dma_wait3A_400 : memref<125x64xf32, #tpu.memory_space<vmem>>)
      %dma_start3A_409 = arith.constant 2 : i32
      %dma_start3A_410 = arith.constant 2 : i32
      %dma_start3A_411 = arith.constant 0 : i32
      %dma_start3A_412 = arith.constant 0 : i32
      %dma_start3A_413 = tpu.memref_slice %arg7[%dma_start3A_409, %dma_start3A_411, %dma_start3A_412] : memref<4x125x64xf32, #tpu.memory_space<vmem>> -> memref<1x125x64xf32, #tpu.memory_space<vmem>>
      %dma_start3A_414 = tpu.memref_squeeze %dma_start3A_413 : memref<1x125x64xf32, #tpu.memory_space<vmem>> -> memref<125x64xf32, #tpu.memory_space<vmem>>
      %dma_start3A_415 = arith.constant 0 : i32
      %dma_start3A_416 = tpu.memref_slice %arg6[%add3A_394, %dma_start3A_415] : memref<80x125xi32, #tpu.memory_space<vmem>> -> memref<1x125xi32, #tpu.memory_space<vmem>>
      %dma_start3A_417 = tpu.memref_squeeze %dma_start3A_416 : memref<1x125xi32, #tpu.memory_space<vmem>> -> memref<125xi32, #tpu.memory_space<vmem>>
      %dma_start3A_418 = arith.constant 0 : i32
      %dma_start3A_419 = arith.constant 0 : i32
      %dma_start3A_420 = tpu.memref_slice %arg9[%dma_start3A_418, %dma_start3A_419] : memref<10240x64xf32, #tpu.memory_space<vmem_shared>> -> memref<10240x64xf32, #tpu.memory_space<vmem_shared>>
      %dma_start3A_421 = tpu.memref_slice %arg11[%dma_start3A_410] : memref<4x!tpu.dma_semaphore, #tpu.memory_space<semaphore_mem>> -> memref<1x!tpu.dma_semaphore, #tpu.memory_space<semaphore_mem>>
      %dma_start3A_422 = tpu.memref_squeeze %dma_start3A_421 : memref<1x!tpu.dma_semaphore, #tpu.memory_space<semaphore_mem>> -> memref<!tpu.dma_semaphore, #tpu.memory_space<semaphore_mem>>
      tpu.enqueue_indirect_dma source(%dma_start3A_414 : memref<125x64xf32, #tpu.memory_space<vmem>>) target(%dma_start3A_420 : memref<10240x64xf32, #tpu.memory_space<vmem_shared>>) offsets(%dma_start3A_417 : memref<125xi32, #tpu.memory_space<vmem>>) semaphore(%dma_start3A_422 : memref<!tpu.dma_semaphore, #tpu.memory_space<semaphore_mem>>) {add = true}
      %dma_wait3A_423 = arith.constant 2 : i32
      %dma_wait3A_424 = arith.constant 2 : i32
      %dma_wait3A_425 = arith.constant 0 : i32
      %dma_wait3A_426 = arith.constant 0 : i32
      %dma_wait3A_427 = tpu.memref_slice %arg7[%dma_wait3A_423, %dma_wait3A_425, %dma_wait3A_426] : memref<4x125x64xf32, #tpu.memory_space<vmem>> -> memref<1x125x64xf32, #tpu.memory_space<vmem>>
      %dma_wait3A_428 = tpu.memref_squeeze %dma_wait3A_427 : memref<1x125x64xf32, #tpu.memory_space<vmem>> -> memref<125x64xf32, #tpu.memory_space<vmem>>
      %dma_wait3A_429 = arith.constant 0 : i32
      %dma_wait3A_430 = tpu.memref_slice %arg6[%add3A_394, %dma_wait3A_429] : memref<80x125xi32, #tpu.memory_space<vmem>> -> memref<1x125xi32, #tpu.memory_space<vmem>>
      %dma_wait3A_431 = tpu.memref_squeeze %dma_wait3A_430 : memref<1x125xi32, #tpu.memory_space<vmem>> -> memref<125xi32, #tpu.memory_space<vmem>>
      %dma_wait3A_432 = arith.constant 0 : i32
      %dma_wait3A_433 = arith.constant 0 : i32
      %dma_wait3A_434 = tpu.memref_slice %arg9[%dma_wait3A_432, %dma_wait3A_433] : memref<10240x64xf32, #tpu.memory_space<vmem_shared>> -> memref<10240x64xf32, #tpu.memory_space<vmem_shared>>
      %dma_wait3A_435 = tpu.memref_slice %arg11[%dma_wait3A_424] : memref<4x!tpu.dma_semaphore, #tpu.memory_space<semaphore_mem>> -> memref<1x!tpu.dma_semaphore, #tpu.memory_space<semaphore_mem>>
      %dma_wait3A_436 = tpu.memref_squeeze %dma_wait3A_435 : memref<1x!tpu.dma_semaphore, #tpu.memory_space<semaphore_mem>> -> memref<!tpu.dma_semaphore, #tpu.memory_space<semaphore_mem>>
      tpu.wait_indirect_dma semaphore(%dma_wait3A_436 : memref<!tpu.dma_semaphore, #tpu.memory_space<semaphore_mem>>) src(%dma_wait3A_428 : memref<125x64xf32, #tpu.memory_space<vmem>>) dst(%dma_wait3A_434 : memref<10240x64xf32, #tpu.memory_space<vmem_shared>>)
      %add3A_437 = arith.constant 4 : i32
      %add3A_438 = arith.addi %add3A_394, %add3A_437 : i32
      %dma_start3A_439 = arith.constant 2 : i32
      %dma_start3A_440 = arith.constant 2 : i32
      %dma_start3A_441 = arith.constant 0 : i32
      %dma_start3A_442 = arith.constant 0 : i32
      %dma_start3A_443 = tpu.memref_slice %arg7[%dma_start3A_439, %dma_start3A_441, %dma_start3A_442] : memref<4x125x64xf32, #tpu.memory_space<vmem>> -> memref<1x125x64xf32, #tpu.memory_space<vmem>>
      %dma_start3A_444 = tpu.memref_squeeze %dma_start3A_443 : memref<1x125x64xf32, #tpu.memory_space<vmem>> -> memref<125x64xf32, #tpu.memory_space<vmem>>
      %dma_start3A_445 = arith.constant 0 : i32
      %dma_start3A_446 = tpu.memref_slice %arg5[%add3A_438, %dma_start3A_445] : memref<80x125xi32, #tpu.memory_space<vmem>> -> memref<1x125xi32, #tpu.memory_space<vmem>>
      %dma_start3A_447 = tpu.memref_squeeze %dma_start3A_446 : memref<1x125xi32, #tpu.memory_space<vmem>> -> memref<125xi32, #tpu.memory_space<vmem>>
      %dma_start3A_448 = arith.constant 0 : i32
      %dma_start3A_449 = arith.constant 0 : i32
      %dma_start3A_450 = tpu.memref_slice %arg2[%dma_start3A_448, %dma_start3A_449] : memref<10000x64xf32, #tpu.memory_space<hbm>> -> memref<10000x64xf32, #tpu.memory_space<hbm>>
      %dma_start3A_451 = tpu.memref_slice %arg10[%dma_start3A_440] : memref<4x!tpu.dma_semaphore, #tpu.memory_space<semaphore_mem>> -> memref<1x!tpu.dma_semaphore, #tpu.memory_space<semaphore_mem>>
      %dma_start3A_452 = tpu.memref_squeeze %dma_start3A_451 : memref<1x!tpu.dma_semaphore, #tpu.memory_space<semaphore_mem>> -> memref<!tpu.dma_semaphore, #tpu.memory_space<semaphore_mem>>
      tpu.enqueue_indirect_dma source(%dma_start3A_450 : memref<10000x64xf32, #tpu.memory_space<hbm>>) target(%dma_start3A_444 : memref<125x64xf32, #tpu.memory_space<vmem>>) offsets(%dma_start3A_447 : memref<125xi32, #tpu.memory_space<vmem>>) semaphore(%dma_start3A_452 : memref<!tpu.dma_semaphore, #tpu.memory_space<semaphore_mem>>)
      %mul3A_453 = arith.constant 4 : i32
      %mul3A_454 = arith.muli %scan3A_266, %mul3A_453 : i32
      %add3A_455 = arith.constant 3 : i32
      %add3A_456 = arith.addi %mul3A_454, %add3A_455 : i32
      %dma_wait3A_457 = arith.constant 3 : i32
      %dma_wait3A_458 = arith.constant 3 : i32
      %dma_wait3A_459 = arith.constant 0 : i32
      %dma_wait3A_460 = arith.constant 0 : i32
      %dma_wait3A_461 = tpu.memref_slice %arg7[%dma_wait3A_457, %dma_wait3A_459, %dma_wait3A_460] : memref<4x125x64xf32, #tpu.memory_space<vmem>> -> memref<1x125x64xf32, #tpu.memory_space<vmem>>
      %dma_wait3A_462 = tpu.memref_squeeze %dma_wait3A_461 : memref<1x125x64xf32, #tpu.memory_space<vmem>> -> memref<125x64xf32, #tpu.memory_space<vmem>>
      %dma_wait3A_463 = arith.constant 0 : i32
      %dma_wait3A_464 = tpu.memref_slice %arg5[%add3A_456, %dma_wait3A_463] : memref<80x125xi32, #tpu.memory_space<vmem>> -> memref<1x125xi32, #tpu.memory_space<vmem>>
      %dma_wait3A_465 = tpu.memref_squeeze %dma_wait3A_464 : memref<1x125xi32, #tpu.memory_space<vmem>> -> memref<125xi32, #tpu.memory_space<vmem>>
      %dma_wait3A_466 = arith.constant 0 : i32
      %dma_wait3A_467 = arith.constant 0 : i32
      %dma_wait3A_468 = tpu.memref_slice %arg2[%dma_wait3A_466, %dma_wait3A_467] : memref<10000x64xf32, #tpu.memory_space<hbm>> -> memref<10000x64xf32, #tpu.memory_space<hbm>>
      %dma_wait3A_469 = tpu.memref_slice %arg10[%dma_wait3A_458] : memref<4x!tpu.dma_semaphore, #tpu.memory_space<semaphore_mem>> -> memref<1x!tpu.dma_semaphore, #tpu.memory_space<semaphore_mem>>
      %dma_wait3A_470 = tpu.memref_squeeze %dma_wait3A_469 : memref<1x!tpu.dma_semaphore, #tpu.memory_space<semaphore_mem>> -> memref<!tpu.dma_semaphore, #tpu.memory_space<semaphore_mem>>
      tpu.wait_indirect_dma semaphore(%dma_wait3A_470 : memref<!tpu.dma_semaphore, #tpu.memory_space<semaphore_mem>>) src(%dma_wait3A_468 : memref<10000x64xf32, #tpu.memory_space<hbm>>) dst(%dma_wait3A_462 : memref<125x64xf32, #tpu.memory_space<vmem>>)
      %dma_start3A_471 = arith.constant 3 : i32
      %dma_start3A_472 = arith.constant 3 : i32
      %dma_start3A_473 = arith.constant 0 : i32
      %dma_start3A_474 = arith.constant 0 : i32
      %dma_start3A_475 = tpu.memref_slice %arg7[%dma_start3A_471, %dma_start3A_473, %dma_start3A_474] : memref<4x125x64xf32, #tpu.memory_space<vmem>> -> memref<1x125x64xf32, #tpu.memory_space<vmem>>
      %dma_start3A_476 = tpu.memref_squeeze %dma_start3A_475 : memref<1x125x64xf32, #tpu.memory_space<vmem>> -> memref<125x64xf32, #tpu.memory_space<vmem>>
      %dma_start3A_477 = arith.constant 0 : i32
      %dma_start3A_478 = tpu.memref_slice %arg6[%add3A_456, %dma_start3A_477] : memref<80x125xi32, #tpu.memory_space<vmem>> -> memref<1x125xi32, #tpu.memory_space<vmem>>
      %dma_start3A_479 = tpu.memref_squeeze %dma_start3A_478 : memref<1x125xi32, #tpu.memory_space<vmem>> -> memref<125xi32, #tpu.memory_space<vmem>>
      %dma_start3A_480 = arith.constant 0 : i32
      %dma_start3A_481 = arith.constant 0 : i32
      %dma_start3A_482 = tpu.memref_slice %arg9[%dma_start3A_480, %dma_start3A_481] : memref<10240x64xf32, #tpu.memory_space<vmem_shared>> -> memref<10240x64xf32, #tpu.memory_space<vmem_shared>>
      %dma_start3A_483 = tpu.memref_slice %arg11[%dma_start3A_472] : memref<4x!tpu.dma_semaphore, #tpu.memory_space<semaphore_mem>> -> memref<1x!tpu.dma_semaphore, #tpu.memory_space<semaphore_mem>>
      %dma_start3A_484 = tpu.memref_squeeze %dma_start3A_483 : memref<1x!tpu.dma_semaphore, #tpu.memory_space<semaphore_mem>> -> memref<!tpu.dma_semaphore, #tpu.memory_space<semaphore_mem>>
      tpu.enqueue_indirect_dma source(%dma_start3A_476 : memref<125x64xf32, #tpu.memory_space<vmem>>) target(%dma_start3A_482 : memref<10240x64xf32, #tpu.memory_space<vmem_shared>>) offsets(%dma_start3A_479 : memref<125xi32, #tpu.memory_space<vmem>>) semaphore(%dma_start3A_484 : memref<!tpu.dma_semaphore, #tpu.memory_space<semaphore_mem>>) {add = true}
      %dma_wait3A_485 = arith.constant 3 : i32
      %dma_wait3A_486 = arith.constant 3 : i32
      %dma_wait3A_487 = arith.constant 0 : i32
      %dma_wait3A_488 = arith.constant 0 : i32
      %dma_wait3A_489 = tpu.memref_slice %arg7[%dma_wait3A_485, %dma_wait3A_487, %dma_wait3A_488] : memref<4x125x64xf32, #tpu.memory_space<vmem>> -> memref<1x125x64xf32, #tpu.memory_space<vmem>>
      %dma_wait3A_490 = tpu.memref_squeeze %dma_wait3A_489 : memref<1x125x64xf32, #tpu.memory_space<vmem>> -> memref<125x64xf32, #tpu.memory_space<vmem>>
      %dma_wait3A_491 = arith.constant 0 : i32
      %dma_wait3A_492 = tpu.memref_slice %arg6[%add3A_456, %dma_wait3A_491] : memref<80x125xi32, #tpu.memory_space<vmem>> -> memref<1x125xi32, #tpu.memory_space<vmem>>
      %dma_wait3A_493 = tpu.memref_squeeze %dma_wait3A_492 : memref<1x125xi32, #tpu.memory_space<vmem>> -> memref<125xi32, #tpu.memory_space<vmem>>
      %dma_wait3A_494 = arith.constant 0 : i32
      %dma_wait3A_495 = arith.constant 0 : i32
      %dma_wait3A_496 = tpu.memref_slice %arg9[%dma_wait3A_494, %dma_wait3A_495] : memref<10240x64xf32, #tpu.memory_space<vmem_shared>> -> memref<10240x64xf32, #tpu.memory_space<vmem_shared>>
      %dma_wait3A_497 = tpu.memref_slice %arg11[%dma_wait3A_486] : memref<4x!tpu.dma_semaphore, #tpu.memory_space<semaphore_mem>> -> memref<1x!tpu.dma_semaphore, #tpu.memory_space<semaphore_mem>>
      %dma_wait3A_498 = tpu.memref_squeeze %dma_wait3A_497 : memref<1x!tpu.dma_semaphore, #tpu.memory_space<semaphore_mem>> -> memref<!tpu.dma_semaphore, #tpu.memory_space<semaphore_mem>>
      tpu.wait_indirect_dma semaphore(%dma_wait3A_498 : memref<!tpu.dma_semaphore, #tpu.memory_space<semaphore_mem>>) src(%dma_wait3A_490 : memref<125x64xf32, #tpu.memory_space<vmem>>) dst(%dma_wait3A_496 : memref<10240x64xf32, #tpu.memory_space<vmem_shared>>)
      %add3A_499 = arith.constant 4 : i32
      %add3A_500 = arith.addi %add3A_456, %add3A_499 : i32
      %dma_start3A_501 = arith.constant 3 : i32
      %dma_start3A_502 = arith.constant 3 : i32
      %dma_start3A_503 = arith.constant 0 : i32
      %dma_start3A_504 = arith.constant 0 : i32
      %dma_start3A_505 = tpu.memref_slice %arg7[%dma_start3A_501, %dma_start3A_503, %dma_start3A_504] : memref<4x125x64xf32, #tpu.memory_space<vmem>> -> memref<1x125x64xf32, #tpu.memory_space<vmem>>
      %dma_start3A_506 = tpu.memref_squeeze %dma_start3A_505 : memref<1x125x64xf32, #tpu.memory_space<vmem>> -> memref<125x64xf32, #tpu.memory_space<vmem>>
      %dma_start3A_507 = arith.constant 0 : i32
      %dma_start3A_508 = tpu.memref_slice %arg5[%add3A_500, %dma_start3A_507] : memref<80x125xi32, #tpu.memory_space<vmem>> -> memref<1x125xi32, #tpu.memory_space<vmem>>
      %dma_start3A_509 = tpu.memref_squeeze %dma_start3A_508 : memref<1x125xi32, #tpu.memory_space<vmem>> -> memref<125xi32, #tpu.memory_space<vmem>>
      %dma_start3A_510 = arith.constant 0 : i32
      %dma_start3A_511 = arith.constant 0 : i32
      %dma_start3A_512 = tpu.memref_slice %arg2[%dma_start3A_510, %dma_start3A_511] : memref<10000x64xf32, #tpu.memory_space<hbm>> -> memref<10000x64xf32, #tpu.memory_space<hbm>>
      %dma_start3A_513 = tpu.memref_slice %arg10[%dma_start3A_502] : memref<4x!tpu.dma_semaphore, #tpu.memory_space<semaphore_mem>> -> memref<1x!tpu.dma_semaphore, #tpu.memory_space<semaphore_mem>>
      %dma_start3A_514 = tpu.memref_squeeze %dma_start3A_513 : memref<1x!tpu.dma_semaphore, #tpu.memory_space<semaphore_mem>> -> memref<!tpu.dma_semaphore, #tpu.memory_space<semaphore_mem>>
      tpu.enqueue_indirect_dma source(%dma_start3A_512 : memref<10000x64xf32, #tpu.memory_space<hbm>>) target(%dma_start3A_506 : memref<125x64xf32, #tpu.memory_space<vmem>>) offsets(%dma_start3A_509 : memref<125xi32, #tpu.memory_space<vmem>>) semaphore(%dma_start3A_514 : memref<!tpu.dma_semaphore, #tpu.memory_space<semaphore_mem>>)
    }
    %scan3A_79 = arith.constant 19 : i32
    %dma_wait3A = arith.constant 76 : i32
    %dma_wait3A_80 = arith.constant 0 : i32
    %dma_wait3A_81 = arith.constant 0 : i32
    %dma_wait3A_82 = arith.constant 0 : i32
    %dma_wait3A_83 = arith.constant 0 : i32
    %dma_wait3A_84 = tpu.memref_slice %arg7[%dma_wait3A_80, %dma_wait3A_82, %dma_wait3A_83] : memref<4x125x64xf32, #tpu.memory_space<vmem>> -> memref<1x125x64xf32, #tpu.memory_space<vmem>>
    %dma_wait3A_85 = tpu.memref_squeeze %dma_wait3A_84 : memref<1x125x64xf32, #tpu.memory_space<vmem>> -> memref<125x64xf32, #tpu.memory_space<vmem>>
    %dma_wait3A_86 = arith.constant 0 : i32
    %dma_wait3A_87 = tpu.memref_slice %arg5[%dma_wait3A, %dma_wait3A_86] : memref<80x125xi32, #tpu.memory_space<vmem>> -> memref<1x125xi32, #tpu.memory_space<vmem>>
    %dma_wait3A_88 = tpu.memref_squeeze %dma_wait3A_87 : memref<1x125xi32, #tpu.memory_space<vmem>> -> memref<125xi32, #tpu.memory_space<vmem>>
    %dma_wait3A_89 = arith.constant 0 : i32
    %dma_wait3A_90 = arith.constant 0 : i32
    %dma_wait3A_91 = tpu.memref_slice %arg2[%dma_wait3A_89, %dma_wait3A_90] : memref<10000x64xf32, #tpu.memory_space<hbm>> -> memref<10000x64xf32, #tpu.memory_space<hbm>>
    %dma_wait3A_92 = tpu.memref_slice %arg10[%dma_wait3A_81] : memref<4x!tpu.dma_semaphore, #tpu.memory_space<semaphore_mem>> -> memref<1x!tpu.dma_semaphore, #tpu.memory_space<semaphore_mem>>
    %dma_wait3A_93 = tpu.memref_squeeze %dma_wait3A_92 : memref<1x!tpu.dma_semaphore, #tpu.memory_space<semaphore_mem>> -> memref<!tpu.dma_semaphore, #tpu.memory_space<semaphore_mem>>
    tpu.wait_indirect_dma semaphore(%dma_wait3A_93 : memref<!tpu.dma_semaphore, #tpu.memory_space<semaphore_mem>>) src(%dma_wait3A_91 : memref<10000x64xf32, #tpu.memory_space<hbm>>) dst(%dma_wait3A_85 : memref<125x64xf32, #tpu.memory_space<vmem>>)
    %dma_start3A_94 = arith.constant 0 : i32
    %dma_start3A_95 = arith.constant 76 : i32
    %dma_start3A_96 = arith.constant 0 : i32
    %dma_start3A_97 = arith.constant 0 : i32
    %dma_start3A_98 = arith.constant 0 : i32
    %dma_start3A_99 = tpu.memref_slice %arg7[%dma_start3A_94, %dma_start3A_97, %dma_start3A_98] : memref<4x125x64xf32, #tpu.memory_space<vmem>> -> memref<1x125x64xf32, #tpu.memory_space<vmem>>
    %dma_start3A_100 = tpu.memref_squeeze %dma_start3A_99 : memref<1x125x64xf32, #tpu.memory_space<vmem>> -> memref<125x64xf32, #tpu.memory_space<vmem>>
    %dma_start3A_101 = arith.constant 0 : i32
    %dma_start3A_102 = tpu.memref_slice %arg6[%dma_start3A_95, %dma_start3A_101] : memref<80x125xi32, #tpu.memory_space<vmem>> -> memref<1x125xi32, #tpu.memory_space<vmem>>
    %dma_start3A_103 = tpu.memref_squeeze %dma_start3A_102 : memref<1x125xi32, #tpu.memory_space<vmem>> -> memref<125xi32, #tpu.memory_space<vmem>>
    %dma_start3A_104 = arith.constant 0 : i32
    %dma_start3A_105 = arith.constant 0 : i32
    %dma_start3A_106 = tpu.memref_slice %arg9[%dma_start3A_104, %dma_start3A_105] : memref<10240x64xf32, #tpu.memory_space<vmem_shared>> -> memref<10240x64xf32, #tpu.memory_space<vmem_shared>>
    %dma_start3A_107 = tpu.memref_slice %arg11[%dma_start3A_96] : memref<4x!tpu.dma_semaphore, #tpu.memory_space<semaphore_mem>> -> memref<1x!tpu.dma_semaphore, #tpu.memory_space<semaphore_mem>>
    %dma_start3A_108 = tpu.memref_squeeze %dma_start3A_107 : memref<1x!tpu.dma_semaphore, #tpu.memory_space<semaphore_mem>> -> memref<!tpu.dma_semaphore, #tpu.memory_space<semaphore_mem>>
    tpu.enqueue_indirect_dma source(%dma_start3A_100 : memref<125x64xf32, #tpu.memory_space<vmem>>) target(%dma_start3A_106 : memref<10240x64xf32, #tpu.memory_space<vmem_shared>>) offsets(%dma_start3A_103 : memref<125xi32, #tpu.memory_space<vmem>>) semaphore(%dma_start3A_108 : memref<!tpu.dma_semaphore, #tpu.memory_space<semaphore_mem>>) {add = true}
    %dma_wait3A_109 = arith.constant 0 : i32
    %dma_wait3A_110 = arith.constant 76 : i32
    %dma_wait3A_111 = arith.constant 0 : i32
    %dma_wait3A_112 = arith.constant 0 : i32
    %dma_wait3A_113 = arith.constant 0 : i32
    %dma_wait3A_114 = tpu.memref_slice %arg7[%dma_wait3A_109, %dma_wait3A_112, %dma_wait3A_113] : memref<4x125x64xf32, #tpu.memory_space<vmem>> -> memref<1x125x64xf32, #tpu.memory_space<vmem>>
    %dma_wait3A_115 = tpu.memref_squeeze %dma_wait3A_114 : memref<1x125x64xf32, #tpu.memory_space<vmem>> -> memref<125x64xf32, #tpu.memory_space<vmem>>
    %dma_wait3A_116 = arith.constant 0 : i32
    %dma_wait3A_117 = tpu.memref_slice %arg6[%dma_wait3A_110, %dma_wait3A_116] : memref<80x125xi32, #tpu.memory_space<vmem>> -> memref<1x125xi32, #tpu.memory_space<vmem>>
    %dma_wait3A_118 = tpu.memref_squeeze %dma_wait3A_117 : memref<1x125xi32, #tpu.memory_space<vmem>> -> memref<125xi32, #tpu.memory_space<vmem>>
    %dma_wait3A_119 = arith.constant 0 : i32
    %dma_wait3A_120 = arith.constant 0 : i32
    %dma_wait3A_121 = tpu.memref_slice %arg9[%dma_wait3A_119, %dma_wait3A_120] : memref<10240x64xf32, #tpu.memory_space<vmem_shared>> -> memref<10240x64xf32, #tpu.memory_space<vmem_shared>>
    %dma_wait3A_122 = tpu.memref_slice %arg11[%dma_wait3A_111] : memref<4x!tpu.dma_semaphore, #tpu.memory_space<semaphore_mem>> -> memref<1x!tpu.dma_semaphore, #tpu.memory_space<semaphore_mem>>
    %dma_wait3A_123 = tpu.memref_squeeze %dma_wait3A_122 : memref<1x!tpu.dma_semaphore, #tpu.memory_space<semaphore_mem>> -> memref<!tpu.dma_semaphore, #tpu.memory_space<semaphore_mem>>
    tpu.wait_indirect_dma semaphore(%dma_wait3A_123 : memref<!tpu.dma_semaphore, #tpu.memory_space<semaphore_mem>>) src(%dma_wait3A_115 : memref<125x64xf32, #tpu.memory_space<vmem>>) dst(%dma_wait3A_121 : memref<10240x64xf32, #tpu.memory_space<vmem_shared>>)
    %dma_wait3A_124 = arith.constant 77 : i32
    %dma_wait3A_125 = arith.constant 1 : i32
    %dma_wait3A_126 = arith.constant 1 : i32
    %dma_wait3A_127 = arith.constant 0 : i32
    %dma_wait3A_128 = arith.constant 0 : i32
    %dma_wait3A_129 = tpu.memref_slice %arg7[%dma_wait3A_125, %dma_wait3A_127, %dma_wait3A_128] : memref<4x125x64xf32, #tpu.memory_space<vmem>> -> memref<1x125x64xf32, #tpu.memory_space<vmem>>
    %dma_wait3A_130 = tpu.memref_squeeze %dma_wait3A_129 : memref<1x125x64xf32, #tpu.memory_space<vmem>> -> memref<125x64xf32, #tpu.memory_space<vmem>>
    %dma_wait3A_131 = arith.constant 0 : i32
    %dma_wait3A_132 = tpu.memref_slice %arg5[%dma_wait3A_124, %dma_wait3A_131] : memref<80x125xi32, #tpu.memory_space<vmem>> -> memref<1x125xi32, #tpu.memory_space<vmem>>
    %dma_wait3A_133 = tpu.memref_squeeze %dma_wait3A_132 : memref<1x125xi32, #tpu.memory_space<vmem>> -> memref<125xi32, #tpu.memory_space<vmem>>
    %dma_wait3A_134 = arith.constant 0 : i32
    %dma_wait3A_135 = arith.constant 0 : i32
    %dma_wait3A_136 = tpu.memref_slice %arg2[%dma_wait3A_134, %dma_wait3A_135] : memref<10000x64xf32, #tpu.memory_space<hbm>> -> memref<10000x64xf32, #tpu.memory_space<hbm>>
    %dma_wait3A_137 = tpu.memref_slice %arg10[%dma_wait3A_126] : memref<4x!tpu.dma_semaphore, #tpu.memory_space<semaphore_mem>> -> memref<1x!tpu.dma_semaphore, #tpu.memory_space<semaphore_mem>>
    %dma_wait3A_138 = tpu.memref_squeeze %dma_wait3A_137 : memref<1x!tpu.dma_semaphore, #tpu.memory_space<semaphore_mem>> -> memref<!tpu.dma_semaphore, #tpu.memory_space<semaphore_mem>>
    tpu.wait_indirect_dma semaphore(%dma_wait3A_138 : memref<!tpu.dma_semaphore, #tpu.memory_space<semaphore_mem>>) src(%dma_wait3A_136 : memref<10000x64xf32, #tpu.memory_space<hbm>>) dst(%dma_wait3A_130 : memref<125x64xf32, #tpu.memory_space<vmem>>)
    %dma_start3A_139 = arith.constant 1 : i32
    %dma_start3A_140 = arith.constant 77 : i32
    %dma_start3A_141 = arith.constant 1 : i32
    %dma_start3A_142 = arith.constant 0 : i32
    %dma_start3A_143 = arith.constant 0 : i32
    %dma_start3A_144 = tpu.memref_slice %arg7[%dma_start3A_139, %dma_start3A_142, %dma_start3A_143] : memref<4x125x64xf32, #tpu.memory_space<vmem>> -> memref<1x125x64xf32, #tpu.memory_space<vmem>>
    %dma_start3A_145 = tpu.memref_squeeze %dma_start3A_144 : memref<1x125x64xf32, #tpu.memory_space<vmem>> -> memref<125x64xf32, #tpu.memory_space<vmem>>
    %dma_start3A_146 = arith.constant 0 : i32
    %dma_start3A_147 = tpu.memref_slice %arg6[%dma_start3A_140, %dma_start3A_146] : memref<80x125xi32, #tpu.memory_space<vmem>> -> memref<1x125xi32, #tpu.memory_space<vmem>>
    %dma_start3A_148 = tpu.memref_squeeze %dma_start3A_147 : memref<1x125xi32, #tpu.memory_space<vmem>> -> memref<125xi32, #tpu.memory_space<vmem>>
    %dma_start3A_149 = arith.constant 0 : i32
    %dma_start3A_150 = arith.constant 0 : i32
    %dma_start3A_151 = tpu.memref_slice %arg9[%dma_start3A_149, %dma_start3A_150] : memref<10240x64xf32, #tpu.memory_space<vmem_shared>> -> memref<10240x64xf32, #tpu.memory_space<vmem_shared>>
    %dma_start3A_152 = tpu.memref_slice %arg11[%dma_start3A_141] : memref<4x!tpu.dma_semaphore, #tpu.memory_space<semaphore_mem>> -> memref<1x!tpu.dma_semaphore, #tpu.memory_space<semaphore_mem>>
    %dma_start3A_153 = tpu.memref_squeeze %dma_start3A_152 : memref<1x!tpu.dma_semaphore, #tpu.memory_space<semaphore_mem>> -> memref<!tpu.dma_semaphore, #tpu.memory_space<semaphore_mem>>
    tpu.enqueue_indirect_dma source(%dma_start3A_145 : memref<125x64xf32, #tpu.memory_space<vmem>>) target(%dma_start3A_151 : memref<10240x64xf32, #tpu.memory_space<vmem_shared>>) offsets(%dma_start3A_148 : memref<125xi32, #tpu.memory_space<vmem>>) semaphore(%dma_start3A_153 : memref<!tpu.dma_semaphore, #tpu.memory_space<semaphore_mem>>) {add = true}
    %dma_wait3A_154 = arith.constant 1 : i32
    %dma_wait3A_155 = arith.constant 77 : i32
    %dma_wait3A_156 = arith.constant 1 : i32
    %dma_wait3A_157 = arith.constant 0 : i32
    %dma_wait3A_158 = arith.constant 0 : i32
    %dma_wait3A_159 = tpu.memref_slice %arg7[%dma_wait3A_154, %dma_wait3A_157, %dma_wait3A_158] : memref<4x125x64xf32, #tpu.memory_space<vmem>> -> memref<1x125x64xf32, #tpu.memory_space<vmem>>
    %dma_wait3A_160 = tpu.memref_squeeze %dma_wait3A_159 : memref<1x125x64xf32, #tpu.memory_space<vmem>> -> memref<125x64xf32, #tpu.memory_space<vmem>>
    %dma_wait3A_161 = arith.constant 0 : i32
    %dma_wait3A_162 = tpu.memref_slice %arg6[%dma_wait3A_155, %dma_wait3A_161] : memref<80x125xi32, #tpu.memory_space<vmem>> -> memref<1x125xi32, #tpu.memory_space<vmem>>
    %dma_wait3A_163 = tpu.memref_squeeze %dma_wait3A_162 : memref<1x125xi32, #tpu.memory_space<vmem>> -> memref<125xi32, #tpu.memory_space<vmem>>
    %dma_wait3A_164 = arith.constant 0 : i32
    %dma_wait3A_165 = arith.constant 0 : i32
    %dma_wait3A_166 = tpu.memref_slice %arg9[%dma_wait3A_164, %dma_wait3A_165] : memref<10240x64xf32, #tpu.memory_space<vmem_shared>> -> memref<10240x64xf32, #tpu.memory_space<vmem_shared>>
    %dma_wait3A_167 = tpu.memref_slice %arg11[%dma_wait3A_156] : memref<4x!tpu.dma_semaphore, #tpu.memory_space<semaphore_mem>> -> memref<1x!tpu.dma_semaphore, #tpu.memory_space<semaphore_mem>>
    %dma_wait3A_168 = tpu.memref_squeeze %dma_wait3A_167 : memref<1x!tpu.dma_semaphore, #tpu.memory_space<semaphore_mem>> -> memref<!tpu.dma_semaphore, #tpu.memory_space<semaphore_mem>>
    tpu.wait_indirect_dma semaphore(%dma_wait3A_168 : memref<!tpu.dma_semaphore, #tpu.memory_space<semaphore_mem>>) src(%dma_wait3A_160 : memref<125x64xf32, #tpu.memory_space<vmem>>) dst(%dma_wait3A_166 : memref<10240x64xf32, #tpu.memory_space<vmem_shared>>)
    %dma_wait3A_169 = arith.constant 78 : i32
    %dma_wait3A_170 = arith.constant 2 : i32
    %dma_wait3A_171 = arith.constant 2 : i32
    %dma_wait3A_172 = arith.constant 0 : i32
    %dma_wait3A_173 = arith.constant 0 : i32
    %dma_wait3A_174 = tpu.memref_slice %arg7[%dma_wait3A_170, %dma_wait3A_172, %dma_wait3A_173] : memref<4x125x64xf32, #tpu.memory_space<vmem>> -> memref<1x125x64xf32, #tpu.memory_space<vmem>>
    %dma_wait3A_175 = tpu.memref_squeeze %dma_wait3A_174 : memref<1x125x64xf32, #tpu.memory_space<vmem>> -> memref<125x64xf32, #tpu.memory_space<vmem>>
    %dma_wait3A_176 = arith.constant 0 : i32
    %dma_wait3A_177 = tpu.memref_slice %arg5[%dma_wait3A_169, %dma_wait3A_176] : memref<80x125xi32, #tpu.memory_space<vmem>> -> memref<1x125xi32, #tpu.memory_space<vmem>>
    %dma_wait3A_178 = tpu.memref_squeeze %dma_wait3A_177 : memref<1x125xi32, #tpu.memory_space<vmem>> -> memref<125xi32, #tpu.memory_space<vmem>>
    %dma_wait3A_179 = arith.constant 0 : i32
    %dma_wait3A_180 = arith.constant 0 : i32
    %dma_wait3A_181 = tpu.memref_slice %arg2[%dma_wait3A_179, %dma_wait3A_180] : memref<10000x64xf32, #tpu.memory_space<hbm>> -> memref<10000x64xf32, #tpu.memory_space<hbm>>
    %dma_wait3A_182 = tpu.memref_slice %arg10[%dma_wait3A_171] : memref<4x!tpu.dma_semaphore, #tpu.memory_space<semaphore_mem>> -> memref<1x!tpu.dma_semaphore, #tpu.memory_space<semaphore_mem>>
    %dma_wait3A_183 = tpu.memref_squeeze %dma_wait3A_182 : memref<1x!tpu.dma_semaphore, #tpu.memory_space<semaphore_mem>> -> memref<!tpu.dma_semaphore, #tpu.memory_space<semaphore_mem>>
    tpu.wait_indirect_dma semaphore(%dma_wait3A_183 : memref<!tpu.dma_semaphore, #tpu.memory_space<semaphore_mem>>) src(%dma_wait3A_181 : memref<10000x64xf32, #tpu.memory_space<hbm>>) dst(%dma_wait3A_175 : memref<125x64xf32, #tpu.memory_space<vmem>>)
    %dma_start3A_184 = arith.constant 2 : i32
    %dma_start3A_185 = arith.constant 78 : i32
    %dma_start3A_186 = arith.constant 2 : i32
    %dma_start3A_187 = arith.constant 0 : i32
    %dma_start3A_188 = arith.constant 0 : i32
    %dma_start3A_189 = tpu.memref_slice %arg7[%dma_start3A_184, %dma_start3A_187, %dma_start3A_188] : memref<4x125x64xf32, #tpu.memory_space<vmem>> -> memref<1x125x64xf32, #tpu.memory_space<vmem>>
    %dma_start3A_190 = tpu.memref_squeeze %dma_start3A_189 : memref<1x125x64xf32, #tpu.memory_space<vmem>> -> memref<125x64xf32, #tpu.memory_space<vmem>>
    %dma_start3A_191 = arith.constant 0 : i32
    %dma_start3A_192 = tpu.memref_slice %arg6[%dma_start3A_185, %dma_start3A_191] : memref<80x125xi32, #tpu.memory_space<vmem>> -> memref<1x125xi32, #tpu.memory_space<vmem>>
    %dma_start3A_193 = tpu.memref_squeeze %dma_start3A_192 : memref<1x125xi32, #tpu.memory_space<vmem>> -> memref<125xi32, #tpu.memory_space<vmem>>
    %dma_start3A_194 = arith.constant 0 : i32
    %dma_start3A_195 = arith.constant 0 : i32
    %dma_start3A_196 = tpu.memref_slice %arg9[%dma_start3A_194, %dma_start3A_195] : memref<10240x64xf32, #tpu.memory_space<vmem_shared>> -> memref<10240x64xf32, #tpu.memory_space<vmem_shared>>
    %dma_start3A_197 = tpu.memref_slice %arg11[%dma_start3A_186] : memref<4x!tpu.dma_semaphore, #tpu.memory_space<semaphore_mem>> -> memref<1x!tpu.dma_semaphore, #tpu.memory_space<semaphore_mem>>
    %dma_start3A_198 = tpu.memref_squeeze %dma_start3A_197 : memref<1x!tpu.dma_semaphore, #tpu.memory_space<semaphore_mem>> -> memref<!tpu.dma_semaphore, #tpu.memory_space<semaphore_mem>>
    tpu.enqueue_indirect_dma source(%dma_start3A_190 : memref<125x64xf32, #tpu.memory_space<vmem>>) target(%dma_start3A_196 : memref<10240x64xf32, #tpu.memory_space<vmem_shared>>) offsets(%dma_start3A_193 : memref<125xi32, #tpu.memory_space<vmem>>) semaphore(%dma_start3A_198 : memref<!tpu.dma_semaphore, #tpu.memory_space<semaphore_mem>>) {add = true}
    %dma_wait3A_199 = arith.constant 2 : i32
    %dma_wait3A_200 = arith.constant 78 : i32
    %dma_wait3A_201 = arith.constant 2 : i32
    %dma_wait3A_202 = arith.constant 0 : i32
    %dma_wait3A_203 = arith.constant 0 : i32
    %dma_wait3A_204 = tpu.memref_slice %arg7[%dma_wait3A_199, %dma_wait3A_202, %dma_wait3A_203] : memref<4x125x64xf32, #tpu.memory_space<vmem>> -> memref<1x125x64xf32, #tpu.memory_space<vmem>>
    %dma_wait3A_205 = tpu.memref_squeeze %dma_wait3A_204 : memref<1x125x64xf32, #tpu.memory_space<vmem>> -> memref<125x64xf32, #tpu.memory_space<vmem>>
    %dma_wait3A_206 = arith.constant 0 : i32
    %dma_wait3A_207 = tpu.memref_slice %arg6[%dma_wait3A_200, %dma_wait3A_206] : memref<80x125xi32, #tpu.memory_space<vmem>> -> memref<1x125xi32, #tpu.memory_space<vmem>>
    %dma_wait3A_208 = tpu.memref_squeeze %dma_wait3A_207 : memref<1x125xi32, #tpu.memory_space<vmem>> -> memref<125xi32, #tpu.memory_space<vmem>>
    %dma_wait3A_209 = arith.constant 0 : i32
    %dma_wait3A_210 = arith.constant 0 : i32
    %dma_wait3A_211 = tpu.memref_slice %arg9[%dma_wait3A_209, %dma_wait3A_210] : memref<10240x64xf32, #tpu.memory_space<vmem_shared>> -> memref<10240x64xf32, #tpu.memory_space<vmem_shared>>
    %dma_wait3A_212 = tpu.memref_slice %arg11[%dma_wait3A_201] : memref<4x!tpu.dma_semaphore, #tpu.memory_space<semaphore_mem>> -> memref<1x!tpu.dma_semaphore, #tpu.memory_space<semaphore_mem>>
    %dma_wait3A_213 = tpu.memref_squeeze %dma_wait3A_212 : memref<1x!tpu.dma_semaphore, #tpu.memory_space<semaphore_mem>> -> memref<!tpu.dma_semaphore, #tpu.memory_space<semaphore_mem>>
    tpu.wait_indirect_dma semaphore(%dma_wait3A_213 : memref<!tpu.dma_semaphore, #tpu.memory_space<semaphore_mem>>) src(%dma_wait3A_205 : memref<125x64xf32, #tpu.memory_space<vmem>>) dst(%dma_wait3A_211 : memref<10240x64xf32, #tpu.memory_space<vmem_shared>>)
    %dma_wait3A_214 = arith.constant 79 : i32
    %dma_wait3A_215 = arith.constant 3 : i32
    %dma_wait3A_216 = arith.constant 3 : i32
    %dma_wait3A_217 = arith.constant 0 : i32
    %dma_wait3A_218 = arith.constant 0 : i32
    %dma_wait3A_219 = tpu.memref_slice %arg7[%dma_wait3A_215, %dma_wait3A_217, %dma_wait3A_218] : memref<4x125x64xf32, #tpu.memory_space<vmem>> -> memref<1x125x64xf32, #tpu.memory_space<vmem>>
    %dma_wait3A_220 = tpu.memref_squeeze %dma_wait3A_219 : memref<1x125x64xf32, #tpu.memory_space<vmem>> -> memref<125x64xf32, #tpu.memory_space<vmem>>
    %dma_wait3A_221 = arith.constant 0 : i32
    %dma_wait3A_222 = tpu.memref_slice %arg5[%dma_wait3A_214, %dma_wait3A_221] : memref<80x125xi32, #tpu.memory_space<vmem>> -> memref<1x125xi32, #tpu.memory_space<vmem>>
    %dma_wait3A_223 = tpu.memref_squeeze %dma_wait3A_222 : memref<1x125xi32, #tpu.memory_space<vmem>> -> memref<125xi32, #tpu.memory_space<vmem>>
    %dma_wait3A_224 = arith.constant 0 : i32
    %dma_wait3A_225 = arith.constant 0 : i32
    %dma_wait3A_226 = tpu.memref_slice %arg2[%dma_wait3A_224, %dma_wait3A_225] : memref<10000x64xf32, #tpu.memory_space<hbm>> -> memref<10000x64xf32, #tpu.memory_space<hbm>>
    %dma_wait3A_227 = tpu.memref_slice %arg10[%dma_wait3A_216] : memref<4x!tpu.dma_semaphore, #tpu.memory_space<semaphore_mem>> -> memref<1x!tpu.dma_semaphore, #tpu.memory_space<semaphore_mem>>
    %dma_wait3A_228 = tpu.memref_squeeze %dma_wait3A_227 : memref<1x!tpu.dma_semaphore, #tpu.memory_space<semaphore_mem>> -> memref<!tpu.dma_semaphore, #tpu.memory_space<semaphore_mem>>
    tpu.wait_indirect_dma semaphore(%dma_wait3A_228 : memref<!tpu.dma_semaphore, #tpu.memory_space<semaphore_mem>>) src(%dma_wait3A_226 : memref<10000x64xf32, #tpu.memory_space<hbm>>) dst(%dma_wait3A_220 : memref<125x64xf32, #tpu.memory_space<vmem>>)
    %dma_start3A_229 = arith.constant 3 : i32
    %dma_start3A_230 = arith.constant 79 : i32
    %dma_start3A_231 = arith.constant 3 : i32
    %dma_start3A_232 = arith.constant 0 : i32
    %dma_start3A_233 = arith.constant 0 : i32
    %dma_start3A_234 = tpu.memref_slice %arg7[%dma_start3A_229, %dma_start3A_232, %dma_start3A_233] : memref<4x125x64xf32, #tpu.memory_space<vmem>> -> memref<1x125x64xf32, #tpu.memory_space<vmem>>
    %dma_start3A_235 = tpu.memref_squeeze %dma_start3A_234 : memref<1x125x64xf32, #tpu.memory_space<vmem>> -> memref<125x64xf32, #tpu.memory_space<vmem>>
    %dma_start3A_236 = arith.constant 0 : i32
    %dma_start3A_237 = tpu.memref_slice %arg6[%dma_start3A_230, %dma_start3A_236] : memref<80x125xi32, #tpu.memory_space<vmem>> -> memref<1x125xi32, #tpu.memory_space<vmem>>
    %dma_start3A_238 = tpu.memref_squeeze %dma_start3A_237 : memref<1x125xi32, #tpu.memory_space<vmem>> -> memref<125xi32, #tpu.memory_space<vmem>>
    %dma_start3A_239 = arith.constant 0 : i32
    %dma_start3A_240 = arith.constant 0 : i32
    %dma_start3A_241 = tpu.memref_slice %arg9[%dma_start3A_239, %dma_start3A_240] : memref<10240x64xf32, #tpu.memory_space<vmem_shared>> -> memref<10240x64xf32, #tpu.memory_space<vmem_shared>>
    %dma_start3A_242 = tpu.memref_slice %arg11[%dma_start3A_231] : memref<4x!tpu.dma_semaphore, #tpu.memory_space<semaphore_mem>> -> memref<1x!tpu.dma_semaphore, #tpu.memory_space<semaphore_mem>>
    %dma_start3A_243 = tpu.memref_squeeze %dma_start3A_242 : memref<1x!tpu.dma_semaphore, #tpu.memory_space<semaphore_mem>> -> memref<!tpu.dma_semaphore, #tpu.memory_space<semaphore_mem>>
    tpu.enqueue_indirect_dma source(%dma_start3A_235 : memref<125x64xf32, #tpu.memory_space<vmem>>) target(%dma_start3A_241 : memref<10240x64xf32, #tpu.memory_space<vmem_shared>>) offsets(%dma_start3A_238 : memref<125xi32, #tpu.memory_space<vmem>>) semaphore(%dma_start3A_243 : memref<!tpu.dma_semaphore, #tpu.memory_space<semaphore_mem>>) {add = true}
    %dma_wait3A_244 = arith.constant 3 : i32
    %dma_wait3A_245 = arith.constant 79 : i32
    %dma_wait3A_246 = arith.constant 3 : i32
    %dma_wait3A_247 = arith.constant 0 : i32
    %dma_wait3A_248 = arith.constant 0 : i32
    %dma_wait3A_249 = tpu.memref_slice %arg7[%dma_wait3A_244, %dma_wait3A_247, %dma_wait3A_248] : memref<4x125x64xf32, #tpu.memory_space<vmem>> -> memref<1x125x64xf32, #tpu.memory_space<vmem>>
    %dma_wait3A_250 = tpu.memref_squeeze %dma_wait3A_249 : memref<1x125x64xf32, #tpu.memory_space<vmem>> -> memref<125x64xf32, #tpu.memory_space<vmem>>
    %dma_wait3A_251 = arith.constant 0 : i32
    %dma_wait3A_252 = tpu.memref_slice %arg6[%dma_wait3A_245, %dma_wait3A_251] : memref<80x125xi32, #tpu.memory_space<vmem>> -> memref<1x125xi32, #tpu.memory_space<vmem>>
    %dma_wait3A_253 = tpu.memref_squeeze %dma_wait3A_252 : memref<1x125xi32, #tpu.memory_space<vmem>> -> memref<125xi32, #tpu.memory_space<vmem>>
    %dma_wait3A_254 = arith.constant 0 : i32
    %dma_wait3A_255 = arith.constant 0 : i32
    %dma_wait3A_256 = tpu.memref_slice %arg9[%dma_wait3A_254, %dma_wait3A_255] : memref<10240x64xf32, #tpu.memory_space<vmem_shared>> -> memref<10240x64xf32, #tpu.memory_space<vmem_shared>>
    %dma_wait3A_257 = tpu.memref_slice %arg11[%dma_wait3A_246] : memref<4x!tpu.dma_semaphore, #tpu.memory_space<semaphore_mem>> -> memref<1x!tpu.dma_semaphore, #tpu.memory_space<semaphore_mem>>
    %dma_wait3A_258 = tpu.memref_squeeze %dma_wait3A_257 : memref<1x!tpu.dma_semaphore, #tpu.memory_space<semaphore_mem>> -> memref<!tpu.dma_semaphore, #tpu.memory_space<semaphore_mem>>
    tpu.wait_indirect_dma semaphore(%dma_wait3A_258 : memref<!tpu.dma_semaphore, #tpu.memory_space<semaphore_mem>>) src(%dma_wait3A_250 : memref<125x64xf32, #tpu.memory_space<vmem>>) dst(%dma_wait3A_256 : memref<10240x64xf32, #tpu.memory_space<vmem_shared>>)
    %barrier3A_259 = arith.constant 0 : index
    tpu.barrier barrier_id(%barrier3A_259)
    %scan3A_260 = arith.constant 0 : i32
    %scan3A_261 = arith.constant 0 : i32
    %scan3A_262 = arith.constant 5 : i32
    %scan3A_263 = arith.addi %scan3A_261, %scan3A_262 : i32
    %scan3A_264 = arith.constant 1 : i32
    scf.for %scan3A_266 = %scan3A_261 to %scan3A_263 step %scan3A_264  : i32 {
      %mul3A_267 = arith.constant 640 : i32
      %mul3A_268 = arith.muli %arg1, %mul3A_267 : i32
      %mul3A_269 = arith.constant 128 : i32
      %mul3A_270 = arith.muli %scan3A_266, %mul3A_269 : i32
      %add3A_271 = arith.addi %mul3A_268, %mul3A_270 : i32
      "tpu.region"() ({
        %run_scoped3A = tpu.sem_alloc : memref<!tpu.dma_semaphore, #tpu.memory_space<semaphore_mem>>
        %dma_start3A_272 = arith.constant 0 : i32
        %dma_start3A_273 = tpu.memref_slice %arg9[%add3A_271, %dma_start3A_272] : memref<10240x64xf32, #tpu.memory_space<vmem_shared>> -> memref<128x64xf32, #tpu.memory_space<vmem_shared>>
        %dma_start3A_274 = arith.constant 0 : i32
        %dma_start3A_275 = tpu.memref_slice %arg9[%add3A_271, %dma_start3A_274] : memref<10240x64xf32, #tpu.memory_space<vmem_shared>> -> memref<128x64xf32, #tpu.memory_space<vmem_shared>>
        tpu.enqueue_dma source(%dma_start3A_275 : memref<128x64xf32, #tpu.memory_space<vmem_shared>>) target(%arg8 : memref<128x64xf32, #tpu.memory_space<vmem>>) target_semaphore(%run_scoped3A : memref<!tpu.dma_semaphore, #tpu.memory_space<semaphore_mem>>)
        %dma_wait3A_276 = arith.constant 0 : i32
        %dma_wait3A_277 = tpu.memref_slice %arg9[%add3A_271, %dma_wait3A_276] : memref<10240x64xf32, #tpu.memory_space<vmem_shared>> -> memref<128x64xf32, #tpu.memory_space<vmem_shared>>
        %dma_wait3A_278 = arith.constant 0 : i32
        %dma_wait3A_279 = tpu.memref_slice %arg9[%add3A_271, %dma_wait3A_278] : memref<10240x64xf32, #tpu.memory_space<vmem_shared>> -> memref<128x64xf32, #tpu.memory_space<vmem_shared>>
        tpu.wait_dma2 semaphore(%run_scoped3A : memref<!tpu.dma_semaphore, #tpu.memory_space<semaphore_mem>>) src(%dma_wait3A_279 : memref<128x64xf32, #tpu.memory_space<vmem_shared>>) dst(%arg8 : memref<128x64xf32, #tpu.memory_space<vmem>>)
        tpu.yield
      }) : () -> ()
      "tpu.region"() ({
        %run_scoped3A = tpu.sem_alloc : memref<!tpu.dma_semaphore, #tpu.memory_space<semaphore_mem>>
        %dma_start3A_272 = arith.constant 0 : i32
        %dma_start3A_273 = tpu.memref_slice %arg4[%arg0, %add3A_271, %dma_start3A_272] : memref<2x10240x64xf32, #tpu.memory_space<hbm>> -> memref<1x128x64xf32, #tpu.memory_space<hbm>>
        %dma_start3A_274 = tpu.memref_squeeze %dma_start3A_273 : memref<1x128x64xf32, #tpu.memory_space<hbm>> -> memref<128x64xf32, #tpu.memory_space<hbm>>
        %dma_start3A_275 = arith.constant 0 : i32
        %dma_start3A_276 = tpu.memref_slice %arg4[%arg0, %add3A_271, %dma_start3A_275] : memref<2x10240x64xf32, #tpu.memory_space<hbm>> -> memref<1x128x64xf32, #tpu.memory_space<hbm>>
        %dma_start3A_277 = tpu.memref_squeeze %dma_start3A_276 : memref<1x128x64xf32, #tpu.memory_space<hbm>> -> memref<128x64xf32, #tpu.memory_space<hbm>>
        tpu.enqueue_dma source(%arg8 : memref<128x64xf32, #tpu.memory_space<vmem>>) target(%dma_start3A_277 : memref<128x64xf32, #tpu.memory_space<hbm>>) target_semaphore(%run_scoped3A : memref<!tpu.dma_semaphore, #tpu.memory_space<semaphore_mem>>)
        %dma_wait3A_278 = arith.constant 0 : i32
        %dma_wait3A_279 = tpu.memref_slice %arg4[%arg0, %add3A_271, %dma_wait3A_278] : memref<2x10240x64xf32, #tpu.memory_space<hbm>> -> memref<1x128x64xf32, #tpu.memory_space<hbm>>
        %dma_wait3A_280 = tpu.memref_squeeze %dma_wait3A_279 : memref<1x128x64xf32, #tpu.memory_space<hbm>> -> memref<128x64xf32, #tpu.memory_space<hbm>>
        %dma_wait3A_281 = arith.constant 0 : i32
        %dma_wait3A_282 = tpu.memref_slice %arg4[%arg0, %add3A_271, %dma_wait3A_281] : memref<2x10240x64xf32, #tpu.memory_space<hbm>> -> memref<1x128x64xf32, #tpu.memory_space<hbm>>
        %dma_wait3A_283 = tpu.memref_squeeze %dma_wait3A_282 : memref<1x128x64xf32, #tpu.memory_space<hbm>> -> memref<128x64xf32, #tpu.memory_space<hbm>>
        tpu.wait_dma2 semaphore(%run_scoped3A : memref<!tpu.dma_semaphore, #tpu.memory_space<semaphore_mem>>) src(%arg8 : memref<128x64xf32, #tpu.memory_space<vmem>>) dst(%dma_wait3A_283 : memref<128x64xf32, #tpu.memory_space<hbm>>)
        tpu.yield
      }) : () -> ()
    }
    %scan3A_265 = arith.constant 5 : i32
    return
  }
}

#map = affine_map<(d0, d1) -> (0, 0)>
#map1 = affine_map<(d0, d1) -> (0, 0, 0)>
module attributes {stable_mosaic.version = 14 : i64} {
  func.func @_spmm_body(%arg0: i32, %arg1: i32, %arg2: memref<10000x64xf32, #tpu.memory_space<hbm>>, %arg3: memref<64x80x125xi32, #tpu.memory_space<hbm>>, %arg4: memref<2x10240x64xf32, #tpu.memory_space<hbm>>, %arg5: memref<80x125xi32, #tpu.memory_space<vmem>>, %arg6: memref<80x125xi32, #tpu.memory_space<vmem>>, %arg7: memref<4x125x64xf32, #tpu.memory_space<vmem>>, %arg8: memref<128x64xf32, #tpu.memory_space<vmem>>, %arg9: memref<10240x64xf32, #tpu.memory_space<vmem_shared>>, %arg10: memref<4x!tpu.dma_semaphore, #tpu.memory_space<semaphore_mem>>, %arg11: memref<4x!tpu.dma_semaphore, #tpu.memory_space<semaphore_mem>>) attributes {dimension_semantics = [#tpu.dimension_semantics<core_parallel>, #tpu.dimension_semantics<subcore_parallel>], iteration_bounds = array<i64: 2, 16>, scalar_prefetch = 0 : i64, scratch_operands = 7 : i64, tpu.core_type = #tpu.core_type<sc_vector_subcore>, window_params = [{transform_indices = #map}, {transform_indices = #map1}, {transform_indices = #map1}]} {
    %mul3A = arith.constant 2 : i32
    %mul3A_0 = arith.muli %arg1, %mul3A : i32
    %add3A = arith.addi %mul3A_0, %arg0 : i32
    %add3A_1 = arith.constant 32 : i32
    %add3A_2 = arith.addi %add3A_1, %add3A : i32
    "tpu.region"() ({
      %run_scoped3A = tpu.sem_alloc : memref<!tpu.dma_semaphore, #tpu.memory_space<semaphore_mem>>
      %dma_start3A_266 = arith.constant 0 : i32
      %dma_start3A_267 = arith.constant 0 : i32
      %dma_start3A_268 = tpu.memref_slice %arg3[%add3A_2, %dma_start3A_266, %dma_start3A_267] : memref<64x80x125xi32, #tpu.memory_space<hbm>> -> memref<1x80x125xi32, #tpu.memory_space<hbm>>
      %dma_start3A_269 = tpu.memref_squeeze %dma_start3A_268 : memref<1x80x125xi32, #tpu.memory_space<hbm>> -> memref<80x125xi32, #tpu.memory_space<hbm>>
      %dma_start3A_270 = arith.constant 0 : i32
      %dma_start3A_271 = arith.constant 0 : i32
      %dma_start3A_272 = tpu.memref_slice %arg3[%add3A_2, %dma_start3A_270, %dma_start3A_271] : memref<64x80x125xi32, #tpu.memory_space<hbm>> -> memref<1x80x125xi32, #tpu.memory_space<hbm>>
      %dma_start3A_273 = tpu.memref_squeeze %dma_start3A_272 : memref<1x80x125xi32, #tpu.memory_space<hbm>> -> memref<80x125xi32, #tpu.memory_space<hbm>>
      tpu.enqueue_dma source(%dma_start3A_273 : memref<80x125xi32, #tpu.memory_space<hbm>>) target(%arg5 : memref<80x125xi32, #tpu.memory_space<vmem>>) target_semaphore(%run_scoped3A : memref<!tpu.dma_semaphore, #tpu.memory_space<semaphore_mem>>)
      %dma_wait3A_274 = arith.constant 0 : i32
      %dma_wait3A_275 = arith.constant 0 : i32
      %dma_wait3A_276 = tpu.memref_slice %arg3[%add3A_2, %dma_wait3A_274, %dma_wait3A_275] : memref<64x80x125xi32, #tpu.memory_space<hbm>> -> memref<1x80x125xi32, #tpu.memory_space<hbm>>
      %dma_wait3A_277 = tpu.memref_squeeze %dma_wait3A_276 : memref<1x80x125xi32, #tpu.memory_space<hbm>> -> memref<80x125xi32, #tpu.memory_space<hbm>>
      %dma_wait3A_278 = arith.constant 0 : i32
      %dma_wait3A_279 = arith.constant 0 : i32
      %dma_wait3A_280 = tpu.memref_slice %arg3[%add3A_2, %dma_wait3A_278, %dma_wait3A_279] : memref<64x80x125xi32, #tpu.memory_space<hbm>> -> memref<1x80x125xi32, #tpu.memory_space<hbm>>
      %dma_wait3A_281 = tpu.memref_squeeze %dma_wait3A_280 : memref<1x80x125xi32, #tpu.memory_space<hbm>> -> memref<80x125xi32, #tpu.memory_space<hbm>>
      tpu.wait_dma2 semaphore(%run_scoped3A : memref<!tpu.dma_semaphore, #tpu.memory_space<semaphore_mem>>) src(%dma_wait3A_281 : memref<80x125xi32, #tpu.memory_space<hbm>>) dst(%arg5 : memref<80x125xi32, #tpu.memory_space<vmem>>)
      tpu.yield
    }) : () -> ()
    "tpu.region"() ({
      %run_scoped3A = tpu.sem_alloc : memref<!tpu.dma_semaphore, #tpu.memory_space<semaphore_mem>>
      %dma_start3A_266 = arith.constant 0 : i32
      %dma_start3A_267 = arith.constant 0 : i32
      %dma_start3A_268 = tpu.memref_slice %arg3[%add3A, %dma_start3A_266, %dma_start3A_267] : memref<64x80x125xi32, #tpu.memory_space<hbm>> -> memref<1x80x125xi32, #tpu.memory_space<hbm>>
      %dma_start3A_269 = tpu.memref_squeeze %dma_start3A_268 : memref<1x80x125xi32, #tpu.memory_space<hbm>> -> memref<80x125xi32, #tpu.memory_space<hbm>>
      %dma_start3A_270 = arith.constant 0 : i32
      %dma_start3A_271 = arith.constant 0 : i32
      %dma_start3A_272 = tpu.memref_slice %arg3[%add3A, %dma_start3A_270, %dma_start3A_271] : memref<64x80x125xi32, #tpu.memory_space<hbm>> -> memref<1x80x125xi32, #tpu.memory_space<hbm>>
      %dma_start3A_273 = tpu.memref_squeeze %dma_start3A_272 : memref<1x80x125xi32, #tpu.memory_space<hbm>> -> memref<80x125xi32, #tpu.memory_space<hbm>>
      tpu.enqueue_dma source(%dma_start3A_273 : memref<80x125xi32, #tpu.memory_space<hbm>>) target(%arg6 : memref<80x125xi32, #tpu.memory_space<vmem>>) target_semaphore(%run_scoped3A : memref<!tpu.dma_semaphore, #tpu.memory_space<semaphore_mem>>)
      %dma_wait3A_274 = arith.constant 0 : i32
      %dma_wait3A_275 = arith.constant 0 : i32
      %dma_wait3A_276 = tpu.memref_slice %arg3[%add3A, %dma_wait3A_274, %dma_wait3A_275] : memref<64x80x125xi32, #tpu.memory_space<hbm>> -> memref<1x80x125xi32, #tpu.memory_space<hbm>>
      %dma_wait3A_277 = tpu.memref_squeeze %dma_wait3A_276 : memref<1x80x125xi32, #tpu.memory_space<hbm>> -> memref<80x125xi32, #tpu.memory_space<hbm>>
      %dma_wait3A_278 = arith.constant 0 : i32
      %dma_wait3A_279 = arith.constant 0 : i32
      %dma_wait3A_280 = tpu.memref_slice %arg3[%add3A, %dma_wait3A_278, %dma_wait3A_279] : memref<64x80x125xi32, #tpu.memory_space<hbm>> -> memref<1x80x125xi32, #tpu.memory_space<hbm>>
      %dma_wait3A_281 = tpu.memref_squeeze %dma_wait3A_280 : memref<1x80x125xi32, #tpu.memory_space<hbm>> -> memref<80x125xi32, #tpu.memory_space<hbm>>
      tpu.wait_dma2 semaphore(%run_scoped3A : memref<!tpu.dma_semaphore, #tpu.memory_space<semaphore_mem>>) src(%dma_wait3A_281 : memref<80x125xi32, #tpu.memory_space<hbm>>) dst(%arg6 : memref<80x125xi32, #tpu.memory_space<vmem>>)
      tpu.yield
    }) : () -> ()
    %broadcast_in_dim3A = arith.constant 0.000000e+00 : f32
    %broadcast_in_dim3A_3 = vector.broadcast %broadcast_in_dim3A : f32 to vector<16xf32>
    %scan3A = arith.constant 0 : i32
    %scan3A_4 = arith.constant 0 : i32
    %scan3A_5 = arith.constant 512 : i32
    %scan3A_6 = arith.addi %scan3A_4, %scan3A_5 : i32
    %scan3A_7 = arith.constant 1 : i32
    scf.for %scan3A_266 = %scan3A_4 to %scan3A_6 step %scan3A_7  : i32 {
      %jit3A = arith.constant 4 : i32
      %div3A = arith.divsi %scan3A_266, %jit3A : i32
      %sign3A = arith.constant 0 : i32
      %sign3A_267 = arith.cmpi sgt, %scan3A_266, %sign3A : i32
      %sign3A_268 = arith.extui %sign3A_267 : i1 to i32
      %sign3A_269 = arith.constant 0 : i32
      %sign3A_270 = arith.cmpi slt, %scan3A_266, %sign3A_269 : i32
      %sign3A_271 = arith.extui %sign3A_270 : i1 to i32
      %sign3A_272 = arith.subi %sign3A_268, %sign3A_271 : i32
      %sign3A_273 = arith.constant 0 : i32
      %sign3A_274 = arith.cmpi sgt, %jit3A, %sign3A_273 : i32
      %sign3A_275 = arith.extui %sign3A_274 : i1 to i32
      %sign3A_276 = arith.constant 0 : i32
      %sign3A_277 = arith.cmpi slt, %jit3A, %sign3A_276 : i32
      %sign3A_278 = arith.extui %sign3A_277 : i1 to i32
      %sign3A_279 = arith.subi %sign3A_275, %sign3A_278 : i32
      %ne3A = arith.cmpi ne, %sign3A_272, %sign3A_279 : i32
      %rem3A = arith.remsi %scan3A_266, %jit3A : i32
      %ne3A_280 = arith.constant 0 : i32
      %ne3A_281 = arith.cmpi ne, %rem3A, %ne3A_280 : i32
      %and3A = arith.andi %ne3A, %ne3A_281 : i1
      %sub3A = arith.constant 1 : i32
      %sub3A_282 = arith.subi %div3A, %sub3A : i32
      %select_n3A = arith.select %and3A, %sub3A_282, %div3A : i32
      %jit3A_283 = arith.constant 4 : i32
      %eq3A = arith.constant 0 : i32
      %eq3A_284 = arith.cmpi eq, %jit3A_283, %eq3A : i32
      %jit3A_285 = arith.constant 1 : i32
      %select_n3A_286 = arith.select %eq3A_284, %jit3A_285, %jit3A_283 : i32
      %rem3A_287 = arith.remsi %scan3A_266, %select_n3A_286 : i32
      %ne3A_288 = arith.constant 0 : i32
      %ne3A_289 = arith.cmpi ne, %rem3A_287, %ne3A_288 : i32
      %lt3A = arith.constant 0 : i32
      %lt3A_290 = arith.cmpi slt, %rem3A_287, %lt3A : i32
      %lt3A_291 = arith.constant 0 : i32
      %lt3A_292 = arith.cmpi slt, %select_n3A_286, %lt3A_291 : i32
      %ne3A_293 = arith.xori %lt3A_290, %lt3A_292 : i1
      %and3A_294 = arith.andi %ne3A_293, %ne3A_289 : i1
      %add3A_295 = arith.addi %rem3A_287, %select_n3A_286 : i32
      %select_n3A_296 = arith.select %and3A_294, %add3A_295, %rem3A_287 : i32
      %mul3A_297 = arith.constant 16 : i32
      %mul3A_298 = arith.muli %select_n3A_296, %mul3A_297 : i32
      %swap3A = arith.index_cast %select_n3A : i32 to index
      %swap3A_299 = arith.index_cast %mul3A_298 : i32 to index
      %swap3A_300 = tpu.vector_load %arg8[%swap3A, %swap3A_299] {strides = array<i32>} : memref<128x64xf32, #tpu.memory_space<vmem>>, vector<1x16xf32>,
      %swap3A_301 = vector.shape_cast %swap3A_300 : vector<1x16xf32> to vector<16xf32>
      %swap3A_302 = vector.shape_cast %broadcast_in_dim3A_3 : vector<16xf32> to vector<1x16xf32>
      tpu.vector_store %arg8[%swap3A, %swap3A_299], %swap3A_302 {strides = array<i32>} : memref<128x64xf32, #tpu.memory_space<vmem>>, vector<1x16xf32>,
    }
    %scan3A_8 = arith.constant 512 : i32
    %scan3A_9 = arith.constant 0 : i32
    %scan3A_10 = arith.constant 0 : i32
    %scan3A_11 = arith.constant 5 : i32
    %scan3A_12 = arith.addi %scan3A_10, %scan3A_11 : i32
    %scan3A_13 = arith.constant 1 : i32
    scf.for %scan3A_266 = %scan3A_10 to %scan3A_12 step %scan3A_13  : i32 {
      %mul3A_267 = arith.constant 640 : i32
      %mul3A_268 = arith.muli %arg1, %mul3A_267 : i32
      %mul3A_269 = arith.constant 128 : i32
      %mul3A_270 = arith.muli %scan3A_266, %mul3A_269 : i32
      %add3A_271 = arith.addi %mul3A_268, %mul3A_270 : i32
      "tpu.region"() ({
        %run_scoped3A = tpu.sem_alloc : memref<!tpu.dma_semaphore, #tpu.memory_space<semaphore_mem>>
        %dma_start3A_272 = arith.constant 0 : i32
        %dma_start3A_273 = tpu.memref_slice %arg9[%add3A_271, %dma_start3A_272] : memref<10240x64xf32, #tpu.memory_space<vmem_shared>> -> memref<128x64xf32, #tpu.memory_space<vmem_shared>>
        %dma_start3A_274 = arith.constant 0 : i32
        %dma_start3A_275 = tpu.memref_slice %arg9[%add3A_271, %dma_start3A_274] : memref<10240x64xf32, #tpu.memory_space<vmem_shared>> -> memref<128x64xf32, #tpu.memory_space<vmem_shared>>
        tpu.enqueue_dma source(%arg8 : memref<128x64xf32, #tpu.memory_space<vmem>>) target(%dma_start3A_275 : memref<128x64xf32, #tpu.memory_space<vmem_shared>>) target_semaphore(%run_scoped3A : memref<!tpu.dma_semaphore, #tpu.memory_space<semaphore_mem>>)
        %dma_wait3A_276 = arith.constant 0 : i32
        %dma_wait3A_277 = tpu.memref_slice %arg9[%add3A_271, %dma_wait3A_276] : memref<10240x64xf32, #tpu.memory_space<vmem_shared>> -> memref<128x64xf32, #tpu.memory_space<vmem_shared>>
        %dma_wait3A_278 = arith.constant 0 : i32
        %dma_wait3A_279 = tpu.memref_slice %arg9[%add3A_271, %dma_wait3A_278] : memref<10240x64xf32, #tpu.memory_space<vmem_shared>> -> memref<128x64xf32, #tpu.memory_space<vmem_shared>>
        tpu.wait_dma2 semaphore(%run_scoped3A : memref<!tpu.dma_semaphore, #tpu.memory_space<semaphore_mem>>) src(%arg8 : memref<128x64xf32, #tpu.memory_space<vmem>>) dst(%dma_wait3A_279 : memref<128x64xf32, #tpu.memory_space<vmem_shared>>)
        tpu.yield
      }) : () -> ()
    }
    %scan3A_14 = arith.constant 5 : i32
    %barrier3A = arith.constant 0 : index
    tpu.barrier barrier_id(%barrier3A)
    %dma_start3A = arith.constant 0 : i32
    %dma_start3A_15 = arith.constant 0 : i32
    %dma_start3A_16 = arith.constant 0 : i32
    %dma_start3A_17 = arith.constant 0 : i32
    %dma_start3A_18 = arith.constant 0 : i32
    %dma_start3A_19 = tpu.memref_slice %arg7[%dma_start3A_15, %dma_start3A_17, %dma_start3A_18] : memref<4x125x64xf32, #tpu.memory_space<vmem>> -> memref<1x125x64xf32, #tpu.memory_space<vmem>>
    %dma_start3A_20 = tpu.memref_squeeze %dma_start3A_19 : memref<1x125x64xf32, #tpu.memory_space<vmem>> -> memref<125x64xf32, #tpu.memory_space<vmem>>
    %dma_start3A_21 = arith.constant 0 : i32
    %dma_start3A_22 = tpu.memref_slice %arg5[%dma_start3A, %dma_start3A_21] : memref<80x125xi32, #tpu.memory_space<vmem>> -> memref<1x125xi32, #tpu.memory_space<vmem>>
    %dma_start3A_23 = tpu.memref_squeeze %dma_start3A_22 : memref<1x125xi32, #tpu.memory_space<vmem>> -> memref<125xi32, #tpu.memory_space<vmem>>
    %dma_start3A_24 = arith.constant 0 : i32
    %dma_start3A_25 = arith.constant 0 : i32
    %dma_start3A_26 = tpu.memref_slice %arg2[%dma_start3A_24, %dma_start3A_25] : memref<10000x64xf32, #tpu.memory_space<hbm>> -> memref<10000x64xf32, #tpu.memory_space<hbm>>
    %dma_start3A_27 = tpu.memref_slice %arg10[%dma_start3A_16] : memref<4x!tpu.dma_semaphore, #tpu.memory_space<semaphore_mem>> -> memref<1x!tpu.dma_semaphore, #tpu.memory_space<semaphore_mem>>
    %dma_start3A_28 = tpu.memref_squeeze %dma_start3A_27 : memref<1x!tpu.dma_semaphore, #tpu.memory_space<semaphore_mem>> -> memref<!tpu.dma_semaphore, #tpu.memory_space<semaphore_mem>>
    tpu.enqueue_indirect_dma source(%dma_start3A_26 : memref<10000x64xf32, #tpu.memory_space<hbm>>) target(%dma_start3A_20 : memref<125x64xf32, #tpu.memory_space<vmem>>) offsets(%dma_start3A_23 : memref<125xi32, #tpu.memory_space<vmem>>) semaphore(%dma_start3A_28 : memref<!tpu.dma_semaphore, #tpu.memory_space<semaphore_mem>>)
    %dma_start3A_29 = arith.constant 1 : i32
    %dma_start3A_30 = arith.constant 1 : i32
    %dma_start3A_31 = arith.constant 1 : i32
    %dma_start3A_32 = arith.constant 0 : i32
    %dma_start3A_33 = arith.constant 0 : i32
    %dma_start3A_34 = tpu.memref_slice %arg7[%dma_start3A_30, %dma_start3A_32, %dma_start3A_33] : memref<4x125x64xf32, #tpu.memory_space<vmem>> -> memref<1x125x64xf32, #tpu.memory_space<vmem>>
    %dma_start3A_35 = tpu.memref_squeeze %dma_start3A_34 : memref<1x125x64xf32, #tpu.memory_space<vmem>> -> memref<125x64xf32, #tpu.memory_space<vmem>>
    %dma_start3A_36 = arith.constant 0 : i32
    %dma_start3A_37 = tpu.memref_slice %arg5[%dma_start3A_29, %dma_start3A_36] : memref<80x125xi32, #tpu.memory_space<vmem>> -> memref<1x125xi32, #tpu.memory_space<vmem>>
    %dma_start3A_38 = tpu.memref_squeeze %dma_start3A_37 : memref<1x125xi32, #tpu.memory_space<vmem>> -> memref<125xi32, #tpu.memory_space<vmem>>
    %dma_start3A_39 = arith.constant 0 : i32
    %dma_start3A_40 = arith.constant 0 : i32
    %dma_start3A_41 = tpu.memref_slice %arg2[%dma_start3A_39, %dma_start3A_40] : memref<10000x64xf32, #tpu.memory_space<hbm>> -> memref<10000x64xf32, #tpu.memory_space<hbm>>
    %dma_start3A_42 = tpu.memref_slice %arg10[%dma_start3A_31] : memref<4x!tpu.dma_semaphore, #tpu.memory_space<semaphore_mem>> -> memref<1x!tpu.dma_semaphore, #tpu.memory_space<semaphore_mem>>
    %dma_start3A_43 = tpu.memref_squeeze %dma_start3A_42 : memref<1x!tpu.dma_semaphore, #tpu.memory_space<semaphore_mem>> -> memref<!tpu.dma_semaphore, #tpu.memory_space<semaphore_mem>>
    tpu.enqueue_indirect_dma source(%dma_start3A_41 : memref<10000x64xf32, #tpu.memory_space<hbm>>) target(%dma_start3A_35 : memref<125x64xf32, #tpu.memory_space<vmem>>) offsets(%dma_start3A_38 : memref<125xi32, #tpu.memory_space<vmem>>) semaphore(%dma_start3A_43 : memref<!tpu.dma_semaphore, #tpu.memory_space<semaphore_mem>>)
    %dma_start3A_44 = arith.constant 2 : i32
    %dma_start3A_45 = arith.constant 2 : i32
    %dma_start3A_46 = arith.constant 2 : i32
    %dma_start3A_47 = arith.constant 0 : i32
    %dma_start3A_48 = arith.constant 0 : i32
    %dma_start3A_49 = tpu.memref_slice %arg7[%dma_start3A_45, %dma_start3A_47, %dma_start3A_48] : memref<4x125x64xf32, #tpu.memory_space<vmem>> -> memref<1x125x64xf32, #tpu.memory_space<vmem>>
    %dma_start3A_50 = tpu.memref_squeeze %dma_start3A_49 : memref<1x125x64xf32, #tpu.memory_space<vmem>> -> memref<125x64xf32, #tpu.memory_space<vmem>>
    %dma_start3A_51 = arith.constant 0 : i32
    %dma_start3A_52 = tpu.memref_slice %arg5[%dma_start3A_44, %dma_start3A_51] : memref<80x125xi32, #tpu.memory_space<vmem>> -> memref<1x125xi32, #tpu.memory_space<vmem>>
    %dma_start3A_53 = tpu.memref_squeeze %dma_start3A_52 : memref<1x125xi32, #tpu.memory_space<vmem>> -> memref<125xi32, #tpu.memory_space<vmem>>
    %dma_start3A_54 = arith.constant 0 : i32
    %dma_start3A_55 = arith.constant 0 : i32
    %dma_start3A_56 = tpu.memref_slice %arg2[%dma_start3A_54, %dma_start3A_55] : memref<10000x64xf32, #tpu.memory_space<hbm>> -> memref<10000x64xf32, #tpu.memory_space<hbm>>
    %dma_start3A_57 = tpu.memref_slice %arg10[%dma_start3A_46] : memref<4x!tpu.dma_semaphore, #tpu.memory_space<semaphore_mem>> -> memref<1x!tpu.dma_semaphore, #tpu.memory_space<semaphore_mem>>
    %dma_start3A_58 = tpu.memref_squeeze %dma_start3A_57 : memref<1x!tpu.dma_semaphore, #tpu.memory_space<semaphore_mem>> -> memref<!tpu.dma_semaphore, #tpu.memory_space<semaphore_mem>>
    tpu.enqueue_indirect_dma source(%dma_start3A_56 : memref<10000x64xf32, #tpu.memory_space<hbm>>) target(%dma_start3A_50 : memref<125x64xf32, #tpu.memory_space<vmem>>) offsets(%dma_start3A_53 : memref<125xi32, #tpu.memory_space<vmem>>) semaphore(%dma_start3A_58 : memref<!tpu.dma_semaphore, #tpu.memory_space<semaphore_mem>>)
    %dma_start3A_59 = arith.constant 3 : i32
    %dma_start3A_60 = arith.constant 3 : i32
    %dma_start3A_61 = arith.constant 3 : i32
    %dma_start3A_62 = arith.constant 0 : i32
    %dma_start3A_63 = arith.constant 0 : i32
    %dma_start3A_64 = tpu.memref_slice %arg7[%dma_start3A_60, %dma_start3A_62, %dma_start3A_63] : memref<4x125x64xf32, #tpu.memory_space<vmem>> -> memref<1x125x64xf32, #tpu.memory_space<vmem>>
    %dma_start3A_65 = tpu.memref_squeeze %dma_start3A_64 : memref<1x125x64xf32, #tpu.memory_space<vmem>> -> memref<125x64xf32, #tpu.memory_space<vmem>>
    %dma_start3A_66 = arith.constant 0 : i32
    %dma_start3A_67 = tpu.memref_slice %arg5[%dma_start3A_59, %dma_start3A_66] : memref<80x125xi32, #tpu.memory_space<vmem>> -> memref<1x125xi32, #tpu.memory_space<vmem>>
    %dma_start3A_68 = tpu.memref_squeeze %dma_start3A_67 : memref<1x125xi32, #tpu.memory_space<vmem>> -> memref<125xi32, #tpu.memory_space<vmem>>
    %dma_start3A_69 = arith.constant 0 : i32
    %dma_start3A_70 = arith.constant 0 : i32
    %dma_start3A_71 = tpu.memref_slice %arg2[%dma_start3A_69, %dma_start3A_70] : memref<10000x64xf32, #tpu.memory_space<hbm>> -> memref<10000x64xf32, #tpu.memory_space<hbm>>
    %dma_start3A_72 = tpu.memref_slice %arg10[%dma_start3A_61] : memref<4x!tpu.dma_semaphore, #tpu.memory_space<semaphore_mem>> -> memref<1x!tpu.dma_semaphore, #tpu.memory_space<semaphore_mem>>
    %dma_start3A_73 = tpu.memref_squeeze %dma_start3A_72 : memref<1x!tpu.dma_semaphore, #tpu.memory_space<semaphore_mem>> -> memref<!tpu.dma_semaphore, #tpu.memory_space<semaphore_mem>>
    tpu.enqueue_indirect_dma source(%dma_start3A_71 : memref<10000x64xf32, #tpu.memory_space<hbm>>) target(%dma_start3A_65 : memref<125x64xf32, #tpu.memory_space<vmem>>) offsets(%dma_start3A_68 : memref<125xi32, #tpu.memory_space<vmem>>) semaphore(%dma_start3A_73 : memref<!tpu.dma_semaphore, #tpu.memory_space<semaphore_mem>>)
    %scan3A_74 = arith.constant 0 : i32
    %scan3A_75 = arith.constant 0 : i32
    %scan3A_76 = arith.constant 19 : i32
    %scan3A_77 = arith.addi %scan3A_75, %scan3A_76 : i32
    %scan3A_78 = arith.constant 1 : i32
    scf.for %scan3A_266 = %scan3A_75 to %scan3A_77 step %scan3A_78  : i32 {
      %mul3A_267 = arith.constant 4 : i32
      %mul3A_268 = arith.muli %scan3A_266, %mul3A_267 : i32
      %add3A_269 = arith.constant 0 : i32
      %add3A_270 = arith.addi %mul3A_268, %add3A_269 : i32
      %dma_wait3A_271 = arith.constant 0 : i32
      %dma_wait3A_272 = arith.constant 0 : i32
      %dma_wait3A_273 = arith.constant 0 : i32
      %dma_wait3A_274 = arith.constant 0 : i32
      %dma_wait3A_275 = tpu.memref_slice %arg7[%dma_wait3A_271, %dma_wait3A_273, %dma_wait3A_274] : memref<4x125x64xf32, #tpu.memory_space<vmem>> -> memref<1x125x64xf32, #tpu.memory_space<vmem>>
      %dma_wait3A_276 = tpu.memref_squeeze %dma_wait3A_275 : memref<1x125x64xf32, #tpu.memory_space<vmem>> -> memref<125x64xf32, #tpu.memory_space<vmem>>
      %dma_wait3A_277 = arith.constant 0 : i32
      %dma_wait3A_278 = tpu.memref_slice %arg5[%add3A_270, %dma_wait3A_277] : memref<80x125xi32, #tpu.memory_space<vmem>> -> memref<1x125xi32, #tpu.memory_space<vmem>>
      %dma_wait3A_279 = tpu.memref_squeeze %dma_wait3A_278 : memref<1x125xi32, #tpu.memory_space<vmem>> -> memref<125xi32, #tpu.memory_space<vmem>>
      %dma_wait3A_280 = arith.constant 0 : i32
      %dma_wait3A_281 = arith.constant 0 : i32
      %dma_wait3A_282 = tpu.memref_slice %arg2[%dma_wait3A_280, %dma_wait3A_281] : memref<10000x64xf32, #tpu.memory_space<hbm>> -> memref<10000x64xf32, #tpu.memory_space<hbm>>
      %dma_wait3A_283 = tpu.memref_slice %arg10[%dma_wait3A_272] : memref<4x!tpu.dma_semaphore, #tpu.memory_space<semaphore_mem>> -> memref<1x!tpu.dma_semaphore, #tpu.memory_space<semaphore_mem>>
      %dma_wait3A_284 = tpu.memref_squeeze %dma_wait3A_283 : memref<1x!tpu.dma_semaphore, #tpu.memory_space<semaphore_mem>> -> memref<!tpu.dma_semaphore, #tpu.memory_space<semaphore_mem>>
      tpu.wait_indirect_dma semaphore(%dma_wait3A_284 : memref<!tpu.dma_semaphore, #tpu.memory_space<semaphore_mem>>) src(%dma_wait3A_282 : memref<10000x64xf32, #tpu.memory_space<hbm>>) dst(%dma_wait3A_276 : memref<125x64xf32, #tpu.memory_space<vmem>>)
      %dma_start3A_285 = arith.constant 0 : i32
      %dma_start3A_286 = arith.constant 0 : i32
      %dma_start3A_287 = arith.constant 0 : i32
      %dma_start3A_288 = arith.constant 0 : i32
      %dma_start3A_289 = tpu.memref_slice %arg7[%dma_start3A_285, %dma_start3A_287, %dma_start3A_288] : memref<4x125x64xf32, #tpu.memory_space<vmem>> -> memref<1x125x64xf32, #tpu.memory_space<vmem>>
      %dma_start3A_290 = tpu.memref_squeeze %dma_start3A_289 : memref<1x125x64xf32, #tpu.memory_space<vmem>> -> memref<125x64xf32, #tpu.memory_space<vmem>>
      %dma_start3A_291 = arith.constant 0 : i32
      %dma_start3A_292 = tpu.memref_slice %arg6[%add3A_270, %dma_start3A_291] : memref<80x125xi32, #tpu.memory_space<vmem>> -> memref<1x125xi32, #tpu.memory_space<vmem>>
      %dma_start3A_293 = tpu.memref_squeeze %dma_start3A_292 : memref<1x125xi32, #tpu.memory_space<vmem>> -> memref<125xi32, #tpu.memory_space<vmem>>
      %dma_start3A_294 = arith.constant 0 : i32
      %dma_start3A_295 = arith.constant 0 : i32
      %dma_start3A_296 = tpu.memref_slice %arg9[%dma_start3A_294, %dma_start3A_295] : memref<10240x64xf32, #tpu.memory_space<vmem_shared>> -> memref<10240x64xf32, #tpu.memory_space<vmem_shared>>
      %dma_start3A_297 = tpu.memref_slice %arg11[%dma_start3A_286] : memref<4x!tpu.dma_semaphore, #tpu.memory_space<semaphore_mem>> -> memref<1x!tpu.dma_semaphore, #tpu.memory_space<semaphore_mem>>
      %dma_start3A_298 = tpu.memref_squeeze %dma_start3A_297 : memref<1x!tpu.dma_semaphore, #tpu.memory_space<semaphore_mem>> -> memref<!tpu.dma_semaphore, #tpu.memory_space<semaphore_mem>>
      tpu.enqueue_indirect_dma source(%dma_start3A_290 : memref<125x64xf32, #tpu.memory_space<vmem>>) target(%dma_start3A_296 : memref<10240x64xf32, #tpu.memory_space<vmem_shared>>) offsets(%dma_start3A_293 : memref<125xi32, #tpu.memory_space<vmem>>) semaphore(%dma_start3A_298 : memref<!tpu.dma_semaphore, #tpu.memory_space<semaphore_mem>>) {add = true}
      %dma_wait3A_299 = arith.constant 0 : i32
      %dma_wait3A_300 = arith.constant 0 : i32
      %dma_wait3A_301 = arith.constant 0 : i32
      %dma_wait3A_302 = arith.constant 0 : i32
      %dma_wait3A_303 = tpu.memref_slice %arg7[%dma_wait3A_299, %dma_wait3A_301, %dma_wait3A_302] : memref<4x125x64xf32, #tpu.memory_space<vmem>> -> memref<1x125x64xf32, #tpu.memory_space<vmem>>
      %dma_wait3A_304 = tpu.memref_squeeze %dma_wait3A_303 : memref<1x125x64xf32, #tpu.memory_space<vmem>> -> memref<125x64xf32, #tpu.memory_space<vmem>>
      %dma_wait3A_305 = arith.constant 0 : i32
      %dma_wait3A_306 = tpu.memref_slice %arg6[%add3A_270, %dma_wait3A_305] : memref<80x125xi32, #tpu.memory_space<vmem>> -> memref<1x125xi32, #tpu.memory_space<vmem>>
      %dma_wait3A_307 = tpu.memref_squeeze %dma_wait3A_306 : memref<1x125xi32, #tpu.memory_space<vmem>> -> memref<125xi32, #tpu.memory_space<vmem>>
      %dma_wait3A_308 = arith.constant 0 : i32
      %dma_wait3A_309 = arith.constant 0 : i32
      %dma_wait3A_310 = tpu.memref_slice %arg9[%dma_wait3A_308, %dma_wait3A_309] : memref<10240x64xf32, #tpu.memory_space<vmem_shared>> -> memref<10240x64xf32, #tpu.memory_space<vmem_shared>>
      %dma_wait3A_311 = tpu.memref_slice %arg11[%dma_wait3A_300] : memref<4x!tpu.dma_semaphore, #tpu.memory_space<semaphore_mem>> -> memref<1x!tpu.dma_semaphore, #tpu.memory_space<semaphore_mem>>
      %dma_wait3A_312 = tpu.memref_squeeze %dma_wait3A_311 : memref<1x!tpu.dma_semaphore, #tpu.memory_space<semaphore_mem>> -> memref<!tpu.dma_semaphore, #tpu.memory_space<semaphore_mem>>
      tpu.wait_indirect_dma semaphore(%dma_wait3A_312 : memref<!tpu.dma_semaphore, #tpu.memory_space<semaphore_mem>>) src(%dma_wait3A_304 : memref<125x64xf32, #tpu.memory_space<vmem>>) dst(%dma_wait3A_310 : memref<10240x64xf32, #tpu.memory_space<vmem_shared>>)
      %add3A_313 = arith.constant 4 : i32
      %add3A_314 = arith.addi %add3A_270, %add3A_313 : i32
      %dma_start3A_315 = arith.constant 0 : i32
      %dma_start3A_316 = arith.constant 0 : i32
      %dma_start3A_317 = arith.constant 0 : i32
      %dma_start3A_318 = arith.constant 0 : i32
      %dma_start3A_319 = tpu.memref_slice %arg7[%dma_start3A_315, %dma_start3A_317, %dma_start3A_318] : memref<4x125x64xf32, #tpu.memory_space<vmem>> -> memref<1x125x64xf32, #tpu.memory_space<vmem>>
      %dma_start3A_320 = tpu.memref_squeeze %dma_start3A_319 : memref<1x125x64xf32, #tpu.memory_space<vmem>> -> memref<125x64xf32, #tpu.memory_space<vmem>>
      %dma_start3A_321 = arith.constant 0 : i32
      %dma_start3A_322 = tpu.memref_slice %arg5[%add3A_314, %dma_start3A_321] : memref<80x125xi32, #tpu.memory_space<vmem>> -> memref<1x125xi32, #tpu.memory_space<vmem>>
      %dma_start3A_323 = tpu.memref_squeeze %dma_start3A_322 : memref<1x125xi32, #tpu.memory_space<vmem>> -> memref<125xi32, #tpu.memory_space<vmem>>
      %dma_start3A_324 = arith.constant 0 : i32
      %dma_start3A_325 = arith.constant 0 : i32
      %dma_start3A_326 = tpu.memref_slice %arg2[%dma_start3A_324, %dma_start3A_325] : memref<10000x64xf32, #tpu.memory_space<hbm>> -> memref<10000x64xf32, #tpu.memory_space<hbm>>
      %dma_start3A_327 = tpu.memref_slice %arg10[%dma_start3A_316] : memref<4x!tpu.dma_semaphore, #tpu.memory_space<semaphore_mem>> -> memref<1x!tpu.dma_semaphore, #tpu.memory_space<semaphore_mem>>
      %dma_start3A_328 = tpu.memref_squeeze %dma_start3A_327 : memref<1x!tpu.dma_semaphore, #tpu.memory_space<semaphore_mem>> -> memref<!tpu.dma_semaphore, #tpu.memory_space<semaphore_mem>>
      tpu.enqueue_indirect_dma source(%dma_start3A_326 : memref<10000x64xf32, #tpu.memory_space<hbm>>) target(%dma_start3A_320 : memref<125x64xf32, #tpu.memory_space<vmem>>) offsets(%dma_start3A_323 : memref<125xi32, #tpu.memory_space<vmem>>) semaphore(%dma_start3A_328 : memref<!tpu.dma_semaphore, #tpu.memory_space<semaphore_mem>>)
      %mul3A_329 = arith.constant 4 : i32
      %mul3A_330 = arith.muli %scan3A_266, %mul3A_329 : i32
      %add3A_331 = arith.constant 1 : i32
      %add3A_332 = arith.addi %mul3A_330, %add3A_331 : i32
      %dma_wait3A_333 = arith.constant 1 : i32
      %dma_wait3A_334 = arith.constant 1 : i32
      %dma_wait3A_335 = arith.constant 0 : i32
      %dma_wait3A_336 = arith.constant 0 : i32
      %dma_wait3A_337 = tpu.memref_slice %arg7[%dma_wait3A_333, %dma_wait3A_335, %dma_wait3A_336] : memref<4x125x64xf32, #tpu.memory_space<vmem>> -> memref<1x125x64xf32, #tpu.memory_space<vmem>>
      %dma_wait3A_338 = tpu.memref_squeeze %dma_wait3A_337 : memref<1x125x64xf32, #tpu.memory_space<vmem>> -> memref<125x64xf32, #tpu.memory_space<vmem>>
      %dma_wait3A_339 = arith.constant 0 : i32
      %dma_wait3A_340 = tpu.memref_slice %arg5[%add3A_332, %dma_wait3A_339] : memref<80x125xi32, #tpu.memory_space<vmem>> -> memref<1x125xi32, #tpu.memory_space<vmem>>
      %dma_wait3A_341 = tpu.memref_squeeze %dma_wait3A_340 : memref<1x125xi32, #tpu.memory_space<vmem>> -> memref<125xi32, #tpu.memory_space<vmem>>
      %dma_wait3A_342 = arith.constant 0 : i32
      %dma_wait3A_343 = arith.constant 0 : i32
      %dma_wait3A_344 = tpu.memref_slice %arg2[%dma_wait3A_342, %dma_wait3A_343] : memref<10000x64xf32, #tpu.memory_space<hbm>> -> memref<10000x64xf32, #tpu.memory_space<hbm>>
      %dma_wait3A_345 = tpu.memref_slice %arg10[%dma_wait3A_334] : memref<4x!tpu.dma_semaphore, #tpu.memory_space<semaphore_mem>> -> memref<1x!tpu.dma_semaphore, #tpu.memory_space<semaphore_mem>>
      %dma_wait3A_346 = tpu.memref_squeeze %dma_wait3A_345 : memref<1x!tpu.dma_semaphore, #tpu.memory_space<semaphore_mem>> -> memref<!tpu.dma_semaphore, #tpu.memory_space<semaphore_mem>>
      tpu.wait_indirect_dma semaphore(%dma_wait3A_346 : memref<!tpu.dma_semaphore, #tpu.memory_space<semaphore_mem>>) src(%dma_wait3A_344 : memref<10000x64xf32, #tpu.memory_space<hbm>>) dst(%dma_wait3A_338 : memref<125x64xf32, #tpu.memory_space<vmem>>)
      %dma_start3A_347 = arith.constant 1 : i32
      %dma_start3A_348 = arith.constant 1 : i32
      %dma_start3A_349 = arith.constant 0 : i32
      %dma_start3A_350 = arith.constant 0 : i32
      %dma_start3A_351 = tpu.memref_slice %arg7[%dma_start3A_347, %dma_start3A_349, %dma_start3A_350] : memref<4x125x64xf32, #tpu.memory_space<vmem>> -> memref<1x125x64xf32, #tpu.memory_space<vmem>>
      %dma_start3A_352 = tpu.memref_squeeze %dma_start3A_351 : memref<1x125x64xf32, #tpu.memory_space<vmem>> -> memref<125x64xf32, #tpu.memory_space<vmem>>
      %dma_start3A_353 = arith.constant 0 : i32
      %dma_start3A_354 = tpu.memref_slice %arg6[%add3A_332, %dma_start3A_353] : memref<80x125xi32, #tpu.memory_space<vmem>> -> memref<1x125xi32, #tpu.memory_space<vmem>>
      %dma_start3A_355 = tpu.memref_squeeze %dma_start3A_354 : memref<1x125xi32, #tpu.memory_space<vmem>> -> memref<125xi32, #tpu.memory_space<vmem>>
      %dma_start3A_356 = arith.constant 0 : i32
      %dma_start3A_357 = arith.constant 0 : i32
      %dma_start3A_358 = tpu.memref_slice %arg9[%dma_start3A_356, %dma_start3A_357] : memref<10240x64xf32, #tpu.memory_space<vmem_shared>> -> memref<10240x64xf32, #tpu.memory_space<vmem_shared>>
      %dma_start3A_359 = tpu.memref_slice %arg11[%dma_start3A_348] : memref<4x!tpu.dma_semaphore, #tpu.memory_space<semaphore_mem>> -> memref<1x!tpu.dma_semaphore, #tpu.memory_space<semaphore_mem>>
      %dma_start3A_360 = tpu.memref_squeeze %dma_start3A_359 : memref<1x!tpu.dma_semaphore, #tpu.memory_space<semaphore_mem>> -> memref<!tpu.dma_semaphore, #tpu.memory_space<semaphore_mem>>
      tpu.enqueue_indirect_dma source(%dma_start3A_352 : memref<125x64xf32, #tpu.memory_space<vmem>>) target(%dma_start3A_358 : memref<10240x64xf32, #tpu.memory_space<vmem_shared>>) offsets(%dma_start3A_355 : memref<125xi32, #tpu.memory_space<vmem>>) semaphore(%dma_start3A_360 : memref<!tpu.dma_semaphore, #tpu.memory_space<semaphore_mem>>) {add = true}
      %dma_wait3A_361 = arith.constant 1 : i32
      %dma_wait3A_362 = arith.constant 1 : i32
      %dma_wait3A_363 = arith.constant 0 : i32
      %dma_wait3A_364 = arith.constant 0 : i32
      %dma_wait3A_365 = tpu.memref_slice %arg7[%dma_wait3A_361, %dma_wait3A_363, %dma_wait3A_364] : memref<4x125x64xf32, #tpu.memory_space<vmem>> -> memref<1x125x64xf32, #tpu.memory_space<vmem>>
      %dma_wait3A_366 = tpu.memref_squeeze %dma_wait3A_365 : memref<1x125x64xf32, #tpu.memory_space<vmem>> -> memref<125x64xf32, #tpu.memory_space<vmem>>
      %dma_wait3A_367 = arith.constant 0 : i32
      %dma_wait3A_368 = tpu.memref_slice %arg6[%add3A_332, %dma_wait3A_367] : memref<80x125xi32, #tpu.memory_space<vmem>> -> memref<1x125xi32, #tpu.memory_space<vmem>>
      %dma_wait3A_369 = tpu.memref_squeeze %dma_wait3A_368 : memref<1x125xi32, #tpu.memory_space<vmem>> -> memref<125xi32, #tpu.memory_space<vmem>>
      %dma_wait3A_370 = arith.constant 0 : i32
      %dma_wait3A_371 = arith.constant 0 : i32
      %dma_wait3A_372 = tpu.memref_slice %arg9[%dma_wait3A_370, %dma_wait3A_371] : memref<10240x64xf32, #tpu.memory_space<vmem_shared>> -> memref<10240x64xf32, #tpu.memory_space<vmem_shared>>
      %dma_wait3A_373 = tpu.memref_slice %arg11[%dma_wait3A_362] : memref<4x!tpu.dma_semaphore, #tpu.memory_space<semaphore_mem>> -> memref<1x!tpu.dma_semaphore, #tpu.memory_space<semaphore_mem>>
      %dma_wait3A_374 = tpu.memref_squeeze %dma_wait3A_373 : memref<1x!tpu.dma_semaphore, #tpu.memory_space<semaphore_mem>> -> memref<!tpu.dma_semaphore, #tpu.memory_space<semaphore_mem>>
      tpu.wait_indirect_dma semaphore(%dma_wait3A_374 : memref<!tpu.dma_semaphore, #tpu.memory_space<semaphore_mem>>) src(%dma_wait3A_366 : memref<125x64xf32, #tpu.memory_space<vmem>>) dst(%dma_wait3A_372 : memref<10240x64xf32, #tpu.memory_space<vmem_shared>>)
      %add3A_375 = arith.constant 4 : i32
      %add3A_376 = arith.addi %add3A_332, %add3A_375 : i32
      %dma_start3A_377 = arith.constant 1 : i32
      %dma_start3A_378 = arith.constant 1 : i32
      %dma_start3A_379 = arith.constant 0 : i32
      %dma_start3A_380 = arith.constant 0 : i32
      %dma_start3A_381 = tpu.memref_slice %arg7[%dma_start3A_377, %dma_start3A_379, %dma_start3A_380] : memref<4x125x64xf32, #tpu.memory_space<vmem>> -> memref<1x125x64xf32, #tpu.memory_space<vmem>>
      %dma_start3A_382 = tpu.memref_squeeze %dma_start3A_381 : memref<1x125x64xf32, #tpu.memory_space<vmem>> -> memref<125x64xf32, #tpu.memory_space<vmem>>
      %dma_start3A_383 = arith.constant 0 : i32
      %dma_start3A_384 = tpu.memref_slice %arg5[%add3A_376, %dma_start3A_383] : memref<80x125xi32, #tpu.memory_space<vmem>> -> memref<1x125xi32, #tpu.memory_space<vmem>>
      %dma_start3A_385 = tpu.memref_squeeze %dma_start3A_384 : memref<1x125xi32, #tpu.memory_space<vmem>> -> memref<125xi32, #tpu.memory_space<vmem>>
      %dma_start3A_386 = arith.constant 0 : i32
      %dma_start3A_387 = arith.constant 0 : i32
      %dma_start3A_388 = tpu.memref_slice %arg2[%dma_start3A_386, %dma_start3A_387] : memref<10000x64xf32, #tpu.memory_space<hbm>> -> memref<10000x64xf32, #tpu.memory_space<hbm>>
      %dma_start3A_389 = tpu.memref_slice %arg10[%dma_start3A_378] : memref<4x!tpu.dma_semaphore, #tpu.memory_space<semaphore_mem>> -> memref<1x!tpu.dma_semaphore, #tpu.memory_space<semaphore_mem>>
      %dma_start3A_390 = tpu.memref_squeeze %dma_start3A_389 : memref<1x!tpu.dma_semaphore, #tpu.memory_space<semaphore_mem>> -> memref<!tpu.dma_semaphore, #tpu.memory_space<semaphore_mem>>
      tpu.enqueue_indirect_dma source(%dma_start3A_388 : memref<10000x64xf32, #tpu.memory_space<hbm>>) target(%dma_start3A_382 : memref<125x64xf32, #tpu.memory_space<vmem>>) offsets(%dma_start3A_385 : memref<125xi32, #tpu.memory_space<vmem>>) semaphore(%dma_start3A_390 : memref<!tpu.dma_semaphore, #tpu.memory_space<semaphore_mem>>)
      %mul3A_391 = arith.constant 4 : i32
      %mul3A_392 = arith.muli %scan3A_266, %mul3A_391 : i32
      %add3A_393 = arith.constant 2 : i32
      %add3A_394 = arith.addi %mul3A_392, %add3A_393 : i32
      %dma_wait3A_395 = arith.constant 2 : i32
      %dma_wait3A_396 = arith.constant 2 : i32
      %dma_wait3A_397 = arith.constant 0 : i32
      %dma_wait3A_398 = arith.constant 0 : i32
      %dma_wait3A_399 = tpu.memref_slice %arg7[%dma_wait3A_395, %dma_wait3A_397, %dma_wait3A_398] : memref<4x125x64xf32, #tpu.memory_space<vmem>> -> memref<1x125x64xf32, #tpu.memory_space<vmem>>
      %dma_wait3A_400 = tpu.memref_squeeze %dma_wait3A_399 : memref<1x125x64xf32, #tpu.memory_space<vmem>> -> memref<125x64xf32, #tpu.memory_space<vmem>>
      %dma_wait3A_401 = arith.constant 0 : i32
      %dma_wait3A_402 = tpu.memref_slice %arg5[%add3A_394, %dma_wait3A_401] : memref<80x125xi32, #tpu.memory_space<vmem>> -> memref<1x125xi32, #tpu.memory_space<vmem>>
      %dma_wait3A_403 = tpu.memref_squeeze %dma_wait3A_402 : memref<1x125xi32, #tpu.memory_space<vmem>> -> memref<125xi32, #tpu.memory_space<vmem>>
      %dma_wait3A_404 = arith.constant 0 : i32
      %dma_wait3A_405 = arith.constant 0 : i32
      %dma_wait3A_406 = tpu.memref_slice %arg2[%dma_wait3A_404, %dma_wait3A_405] : memref<10000x64xf32, #tpu.memory_space<hbm>> -> memref<10000x64xf32, #tpu.memory_space<hbm>>
      %dma_wait3A_407 = tpu.memref_slice %arg10[%dma_wait3A_396] : memref<4x!tpu.dma_semaphore, #tpu.memory_space<semaphore_mem>> -> memref<1x!tpu.dma_semaphore, #tpu.memory_space<semaphore_mem>>
      %dma_wait3A_408 = tpu.memref_squeeze %dma_wait3A_407 : memref<1x!tpu.dma_semaphore, #tpu.memory_space<semaphore_mem>> -> memref<!tpu.dma_semaphore, #tpu.memory_space<semaphore_mem>>
      tpu.wait_indirect_dma semaphore(%dma_wait3A_408 : memref<!tpu.dma_semaphore, #tpu.memory_space<semaphore_mem>>) src(%dma_wait3A_406 : memref<10000x64xf32, #tpu.memory_space<hbm>>) dst(%dma_wait3A_400 : memref<125x64xf32, #tpu.memory_space<vmem>>)
      %dma_start3A_409 = arith.constant 2 : i32
      %dma_start3A_410 = arith.constant 2 : i32
      %dma_start3A_411 = arith.constant 0 : i32
      %dma_start3A_412 = arith.constant 0 : i32
      %dma_start3A_413 = tpu.memref_slice %arg7[%dma_start3A_409, %dma_start3A_411, %dma_start3A_412] : memref<4x125x64xf32, #tpu.memory_space<vmem>> -> memref<1x125x64xf32, #tpu.memory_space<vmem>>
      %dma_start3A_414 = tpu.memref_squeeze %dma_start3A_413 : memref<1x125x64xf32, #tpu.memory_space<vmem>> -> memref<125x64xf32, #tpu.memory_space<vmem>>
      %dma_start3A_415 = arith.constant 0 : i32
      %dma_start3A_416 = tpu.memref_slice %arg6[%add3A_394, %dma_start3A_415] : memref<80x125xi32, #tpu.memory_space<vmem>> -> memref<1x125xi32, #tpu.memory_space<vmem>>
      %dma_start3A_417 = tpu.memref_squeeze %dma_start3A_416 : memref<1x125xi32, #tpu.memory_space<vmem>> -> memref<125xi32, #tpu.memory_space<vmem>>
      %dma_start3A_418 = arith.constant 0 : i32
      %dma_start3A_419 = arith.constant 0 : i32
      %dma_start3A_420 = tpu.memref_slice %arg9[%dma_start3A_418, %dma_start3A_419] : memref<10240x64xf32, #tpu.memory_space<vmem_shared>> -> memref<10240x64xf32, #tpu.memory_space<vmem_shared>>
      %dma_start3A_421 = tpu.memref_slice %arg11[%dma_start3A_410] : memref<4x!tpu.dma_semaphore, #tpu.memory_space<semaphore_mem>> -> memref<1x!tpu.dma_semaphore, #tpu.memory_space<semaphore_mem>>
      %dma_start3A_422 = tpu.memref_squeeze %dma_start3A_421 : memref<1x!tpu.dma_semaphore, #tpu.memory_space<semaphore_mem>> -> memref<!tpu.dma_semaphore, #tpu.memory_space<semaphore_mem>>
      tpu.enqueue_indirect_dma source(%dma_start3A_414 : memref<125x64xf32, #tpu.memory_space<vmem>>) target(%dma_start3A_420 : memref<10240x64xf32, #tpu.memory_space<vmem_shared>>) offsets(%dma_start3A_417 : memref<125xi32, #tpu.memory_space<vmem>>) semaphore(%dma_start3A_422 : memref<!tpu.dma_semaphore, #tpu.memory_space<semaphore_mem>>) {add = true}
      %dma_wait3A_423 = arith.constant 2 : i32
      %dma_wait3A_424 = arith.constant 2 : i32
      %dma_wait3A_425 = arith.constant 0 : i32
      %dma_wait3A_426 = arith.constant 0 : i32
      %dma_wait3A_427 = tpu.memref_slice %arg7[%dma_wait3A_423, %dma_wait3A_425, %dma_wait3A_426] : memref<4x125x64xf32, #tpu.memory_space<vmem>> -> memref<1x125x64xf32, #tpu.memory_space<vmem>>
      %dma_wait3A_428 = tpu.memref_squeeze %dma_wait3A_427 : memref<1x125x64xf32, #tpu.memory_space<vmem>> -> memref<125x64xf32, #tpu.memory_space<vmem>>
      %dma_wait3A_429 = arith.constant 0 : i32
      %dma_wait3A_430 = tpu.memref_slice %arg6[%add3A_394, %dma_wait3A_429] : memref<80x125xi32, #tpu.memory_space<vmem>> -> memref<1x125xi32, #tpu.memory_space<vmem>>
      %dma_wait3A_431 = tpu.memref_squeeze %dma_wait3A_430 : memref<1x125xi32, #tpu.memory_space<vmem>> -> memref<125xi32, #tpu.memory_space<vmem>>
      %dma_wait3A_432 = arith.constant 0 : i32
      %dma_wait3A_433 = arith.constant 0 : i32
      %dma_wait3A_434 = tpu.memref_slice %arg9[%dma_wait3A_432, %dma_wait3A_433] : memref<10240x64xf32, #tpu.memory_space<vmem_shared>> -> memref<10240x64xf32, #tpu.memory_space<vmem_shared>>
      %dma_wait3A_435 = tpu.memref_slice %arg11[%dma_wait3A_424] : memref<4x!tpu.dma_semaphore, #tpu.memory_space<semaphore_mem>> -> memref<1x!tpu.dma_semaphore, #tpu.memory_space<semaphore_mem>>
      %dma_wait3A_436 = tpu.memref_squeeze %dma_wait3A_435 : memref<1x!tpu.dma_semaphore, #tpu.memory_space<semaphore_mem>> -> memref<!tpu.dma_semaphore, #tpu.memory_space<semaphore_mem>>
      tpu.wait_indirect_dma semaphore(%dma_wait3A_436 : memref<!tpu.dma_semaphore, #tpu.memory_space<semaphore_mem>>) src(%dma_wait3A_428 : memref<125x64xf32, #tpu.memory_space<vmem>>) dst(%dma_wait3A_434 : memref<10240x64xf32, #tpu.memory_space<vmem_shared>>)
      %add3A_437 = arith.constant 4 : i32
      %add3A_438 = arith.addi %add3A_394, %add3A_437 : i32
      %dma_start3A_439 = arith.constant 2 : i32
      %dma_start3A_440 = arith.constant 2 : i32
      %dma_start3A_441 = arith.constant 0 : i32
      %dma_start3A_442 = arith.constant 0 : i32
      %dma_start3A_443 = tpu.memref_slice %arg7[%dma_start3A_439, %dma_start3A_441, %dma_start3A_442] : memref<4x125x64xf32, #tpu.memory_space<vmem>> -> memref<1x125x64xf32, #tpu.memory_space<vmem>>
      %dma_start3A_444 = tpu.memref_squeeze %dma_start3A_443 : memref<1x125x64xf32, #tpu.memory_space<vmem>> -> memref<125x64xf32, #tpu.memory_space<vmem>>
      %dma_start3A_445 = arith.constant 0 : i32
      %dma_start3A_446 = tpu.memref_slice %arg5[%add3A_438, %dma_start3A_445] : memref<80x125xi32, #tpu.memory_space<vmem>> -> memref<1x125xi32, #tpu.memory_space<vmem>>
      %dma_start3A_447 = tpu.memref_squeeze %dma_start3A_446 : memref<1x125xi32, #tpu.memory_space<vmem>> -> memref<125xi32, #tpu.memory_space<vmem>>
      %dma_start3A_448 = arith.constant 0 : i32
      %dma_start3A_449 = arith.constant 0 : i32
      %dma_start3A_450 = tpu.memref_slice %arg2[%dma_start3A_448, %dma_start3A_449] : memref<10000x64xf32, #tpu.memory_space<hbm>> -> memref<10000x64xf32, #tpu.memory_space<hbm>>
      %dma_start3A_451 = tpu.memref_slice %arg10[%dma_start3A_440] : memref<4x!tpu.dma_semaphore, #tpu.memory_space<semaphore_mem>> -> memref<1x!tpu.dma_semaphore, #tpu.memory_space<semaphore_mem>>
      %dma_start3A_452 = tpu.memref_squeeze %dma_start3A_451 : memref<1x!tpu.dma_semaphore, #tpu.memory_space<semaphore_mem>> -> memref<!tpu.dma_semaphore, #tpu.memory_space<semaphore_mem>>
      tpu.enqueue_indirect_dma source(%dma_start3A_450 : memref<10000x64xf32, #tpu.memory_space<hbm>>) target(%dma_start3A_444 : memref<125x64xf32, #tpu.memory_space<vmem>>) offsets(%dma_start3A_447 : memref<125xi32, #tpu.memory_space<vmem>>) semaphore(%dma_start3A_452 : memref<!tpu.dma_semaphore, #tpu.memory_space<semaphore_mem>>)
      %mul3A_453 = arith.constant 4 : i32
      %mul3A_454 = arith.muli %scan3A_266, %mul3A_453 : i32
      %add3A_455 = arith.constant 3 : i32
      %add3A_456 = arith.addi %mul3A_454, %add3A_455 : i32
      %dma_wait3A_457 = arith.constant 3 : i32
      %dma_wait3A_458 = arith.constant 3 : i32
      %dma_wait3A_459 = arith.constant 0 : i32
      %dma_wait3A_460 = arith.constant 0 : i32
      %dma_wait3A_461 = tpu.memref_slice %arg7[%dma_wait3A_457, %dma_wait3A_459, %dma_wait3A_460] : memref<4x125x64xf32, #tpu.memory_space<vmem>> -> memref<1x125x64xf32, #tpu.memory_space<vmem>>
      %dma_wait3A_462 = tpu.memref_squeeze %dma_wait3A_461 : memref<1x125x64xf32, #tpu.memory_space<vmem>> -> memref<125x64xf32, #tpu.memory_space<vmem>>
      %dma_wait3A_463 = arith.constant 0 : i32
      %dma_wait3A_464 = tpu.memref_slice %arg5[%add3A_456, %dma_wait3A_463] : memref<80x125xi32, #tpu.memory_space<vmem>> -> memref<1x125xi32, #tpu.memory_space<vmem>>
      %dma_wait3A_465 = tpu.memref_squeeze %dma_wait3A_464 : memref<1x125xi32, #tpu.memory_space<vmem>> -> memref<125xi32, #tpu.memory_space<vmem>>
      %dma_wait3A_466 = arith.constant 0 : i32
      %dma_wait3A_467 = arith.constant 0 : i32
      %dma_wait3A_468 = tpu.memref_slice %arg2[%dma_wait3A_466, %dma_wait3A_467] : memref<10000x64xf32, #tpu.memory_space<hbm>> -> memref<10000x64xf32, #tpu.memory_space<hbm>>
      %dma_wait3A_469 = tpu.memref_slice %arg10[%dma_wait3A_458] : memref<4x!tpu.dma_semaphore, #tpu.memory_space<semaphore_mem>> -> memref<1x!tpu.dma_semaphore, #tpu.memory_space<semaphore_mem>>
      %dma_wait3A_470 = tpu.memref_squeeze %dma_wait3A_469 : memref<1x!tpu.dma_semaphore, #tpu.memory_space<semaphore_mem>> -> memref<!tpu.dma_semaphore, #tpu.memory_space<semaphore_mem>>
      tpu.wait_indirect_dma semaphore(%dma_wait3A_470 : memref<!tpu.dma_semaphore, #tpu.memory_space<semaphore_mem>>) src(%dma_wait3A_468 : memref<10000x64xf32, #tpu.memory_space<hbm>>) dst(%dma_wait3A_462 : memref<125x64xf32, #tpu.memory_space<vmem>>)
      %dma_start3A_471 = arith.constant 3 : i32
      %dma_start3A_472 = arith.constant 3 : i32
      %dma_start3A_473 = arith.constant 0 : i32
      %dma_start3A_474 = arith.constant 0 : i32
      %dma_start3A_475 = tpu.memref_slice %arg7[%dma_start3A_471, %dma_start3A_473, %dma_start3A_474] : memref<4x125x64xf32, #tpu.memory_space<vmem>> -> memref<1x125x64xf32, #tpu.memory_space<vmem>>
      %dma_start3A_476 = tpu.memref_squeeze %dma_start3A_475 : memref<1x125x64xf32, #tpu.memory_space<vmem>> -> memref<125x64xf32, #tpu.memory_space<vmem>>
      %dma_start3A_477 = arith.constant 0 : i32
      %dma_start3A_478 = tpu.memref_slice %arg6[%add3A_456, %dma_start3A_477] : memref<80x125xi32, #tpu.memory_space<vmem>> -> memref<1x125xi32, #tpu.memory_space<vmem>>
      %dma_start3A_479 = tpu.memref_squeeze %dma_start3A_478 : memref<1x125xi32, #tpu.memory_space<vmem>> -> memref<125xi32, #tpu.memory_space<vmem>>
      %dma_start3A_480 = arith.constant 0 : i32
      %dma_start3A_481 = arith.constant 0 : i32
      %dma_start3A_482 = tpu.memref_slice %arg9[%dma_start3A_480, %dma_start3A_481] : memref<10240x64xf32, #tpu.memory_space<vmem_shared>> -> memref<10240x64xf32, #tpu.memory_space<vmem_shared>>
      %dma_start3A_483 = tpu.memref_slice %arg11[%dma_start3A_472] : memref<4x!tpu.dma_semaphore, #tpu.memory_space<semaphore_mem>> -> memref<1x!tpu.dma_semaphore, #tpu.memory_space<semaphore_mem>>
      %dma_start3A_484 = tpu.memref_squeeze %dma_start3A_483 : memref<1x!tpu.dma_semaphore, #tpu.memory_space<semaphore_mem>> -> memref<!tpu.dma_semaphore, #tpu.memory_space<semaphore_mem>>
      tpu.enqueue_indirect_dma source(%dma_start3A_476 : memref<125x64xf32, #tpu.memory_space<vmem>>) target(%dma_start3A_482 : memref<10240x64xf32, #tpu.memory_space<vmem_shared>>) offsets(%dma_start3A_479 : memref<125xi32, #tpu.memory_space<vmem>>) semaphore(%dma_start3A_484 : memref<!tpu.dma_semaphore, #tpu.memory_space<semaphore_mem>>) {add = true}
      %dma_wait3A_485 = arith.constant 3 : i32
      %dma_wait3A_486 = arith.constant 3 : i32
      %dma_wait3A_487 = arith.constant 0 : i32
      %dma_wait3A_488 = arith.constant 0 : i32
      %dma_wait3A_489 = tpu.memref_slice %arg7[%dma_wait3A_485, %dma_wait3A_487, %dma_wait3A_488] : memref<4x125x64xf32, #tpu.memory_space<vmem>> -> memref<1x125x64xf32, #tpu.memory_space<vmem>>
      %dma_wait3A_490 = tpu.memref_squeeze %dma_wait3A_489 : memref<1x125x64xf32, #tpu.memory_space<vmem>> -> memref<125x64xf32, #tpu.memory_space<vmem>>
      %dma_wait3A_491 = arith.constant 0 : i32
      %dma_wait3A_492 = tpu.memref_slice %arg6[%add3A_456, %dma_wait3A_491] : memref<80x125xi32, #tpu.memory_space<vmem>> -> memref<1x125xi32, #tpu.memory_space<vmem>>
      %dma_wait3A_493 = tpu.memref_squeeze %dma_wait3A_492 : memref<1x125xi32, #tpu.memory_space<vmem>> -> memref<125xi32, #tpu.memory_space<vmem>>
      %dma_wait3A_494 = arith.constant 0 : i32
      %dma_wait3A_495 = arith.constant 0 : i32
      %dma_wait3A_496 = tpu.memref_slice %arg9[%dma_wait3A_494, %dma_wait3A_495] : memref<10240x64xf32, #tpu.memory_space<vmem_shared>> -> memref<10240x64xf32, #tpu.memory_space<vmem_shared>>
      %dma_wait3A_497 = tpu.memref_slice %arg11[%dma_wait3A_486] : memref<4x!tpu.dma_semaphore, #tpu.memory_space<semaphore_mem>> -> memref<1x!tpu.dma_semaphore, #tpu.memory_space<semaphore_mem>>
      %dma_wait3A_498 = tpu.memref_squeeze %dma_wait3A_497 : memref<1x!tpu.dma_semaphore, #tpu.memory_space<semaphore_mem>> -> memref<!tpu.dma_semaphore, #tpu.memory_space<semaphore_mem>>
      tpu.wait_indirect_dma semaphore(%dma_wait3A_498 : memref<!tpu.dma_semaphore, #tpu.memory_space<semaphore_mem>>) src(%dma_wait3A_490 : memref<125x64xf32, #tpu.memory_space<vmem>>) dst(%dma_wait3A_496 : memref<10240x64xf32, #tpu.memory_space<vmem_shared>>)
      %add3A_499 = arith.constant 4 : i32
      %add3A_500 = arith.addi %add3A_456, %add3A_499 : i32
      %dma_start3A_501 = arith.constant 3 : i32
      %dma_start3A_502 = arith.constant 3 : i32
      %dma_start3A_503 = arith.constant 0 : i32
      %dma_start3A_504 = arith.constant 0 : i32
      %dma_start3A_505 = tpu.memref_slice %arg7[%dma_start3A_501, %dma_start3A_503, %dma_start3A_504] : memref<4x125x64xf32, #tpu.memory_space<vmem>> -> memref<1x125x64xf32, #tpu.memory_space<vmem>>
      %dma_start3A_506 = tpu.memref_squeeze %dma_start3A_505 : memref<1x125x64xf32, #tpu.memory_space<vmem>> -> memref<125x64xf32, #tpu.memory_space<vmem>>
      %dma_start3A_507 = arith.constant 0 : i32
      %dma_start3A_508 = tpu.memref_slice %arg5[%add3A_500, %dma_start3A_507] : memref<80x125xi32, #tpu.memory_space<vmem>> -> memref<1x125xi32, #tpu.memory_space<vmem>>
      %dma_start3A_509 = tpu.memref_squeeze %dma_start3A_508 : memref<1x125xi32, #tpu.memory_space<vmem>> -> memref<125xi32, #tpu.memory_space<vmem>>
      %dma_start3A_510 = arith.constant 0 : i32
      %dma_start3A_511 = arith.constant 0 : i32
      %dma_start3A_512 = tpu.memref_slice %arg2[%dma_start3A_510, %dma_start3A_511] : memref<10000x64xf32, #tpu.memory_space<hbm>> -> memref<10000x64xf32, #tpu.memory_space<hbm>>
      %dma_start3A_513 = tpu.memref_slice %arg10[%dma_start3A_502] : memref<4x!tpu.dma_semaphore, #tpu.memory_space<semaphore_mem>> -> memref<1x!tpu.dma_semaphore, #tpu.memory_space<semaphore_mem>>
      %dma_start3A_514 = tpu.memref_squeeze %dma_start3A_513 : memref<1x!tpu.dma_semaphore, #tpu.memory_space<semaphore_mem>> -> memref<!tpu.dma_semaphore, #tpu.memory_space<semaphore_mem>>
      tpu.enqueue_indirect_dma source(%dma_start3A_512 : memref<10000x64xf32, #tpu.memory_space<hbm>>) target(%dma_start3A_506 : memref<125x64xf32, #tpu.memory_space<vmem>>) offsets(%dma_start3A_509 : memref<125xi32, #tpu.memory_space<vmem>>) semaphore(%dma_start3A_514 : memref<!tpu.dma_semaphore, #tpu.memory_space<semaphore_mem>>)
    }
    %scan3A_79 = arith.constant 19 : i32
    %dma_wait3A = arith.constant 76 : i32
    %dma_wait3A_80 = arith.constant 0 : i32
    %dma_wait3A_81 = arith.constant 0 : i32
    %dma_wait3A_82 = arith.constant 0 : i32
    %dma_wait3A_83 = arith.constant 0 : i32
    %dma_wait3A_84 = tpu.memref_slice %arg7[%dma_wait3A_80, %dma_wait3A_82, %dma_wait3A_83] : memref<4x125x64xf32, #tpu.memory_space<vmem>> -> memref<1x125x64xf32, #tpu.memory_space<vmem>>
    %dma_wait3A_85 = tpu.memref_squeeze %dma_wait3A_84 : memref<1x125x64xf32, #tpu.memory_space<vmem>> -> memref<125x64xf32, #tpu.memory_space<vmem>>
    %dma_wait3A_86 = arith.constant 0 : i32
    %dma_wait3A_87 = tpu.memref_slice %arg5[%dma_wait3A, %dma_wait3A_86] : memref<80x125xi32, #tpu.memory_space<vmem>> -> memref<1x125xi32, #tpu.memory_space<vmem>>
    %dma_wait3A_88 = tpu.memref_squeeze %dma_wait3A_87 : memref<1x125xi32, #tpu.memory_space<vmem>> -> memref<125xi32, #tpu.memory_space<vmem>>
    %dma_wait3A_89 = arith.constant 0 : i32
    %dma_wait3A_90 = arith.constant 0 : i32
    %dma_wait3A_91 = tpu.memref_slice %arg2[%dma_wait3A_89, %dma_wait3A_90] : memref<10000x64xf32, #tpu.memory_space<hbm>> -> memref<10000x64xf32, #tpu.memory_space<hbm>>
    %dma_wait3A_92 = tpu.memref_slice %arg10[%dma_wait3A_81] : memref<4x!tpu.dma_semaphore, #tpu.memory_space<semaphore_mem>> -> memref<1x!tpu.dma_semaphore, #tpu.memory_space<semaphore_mem>>
    %dma_wait3A_93 = tpu.memref_squeeze %dma_wait3A_92 : memref<1x!tpu.dma_semaphore, #tpu.memory_space<semaphore_mem>> -> memref<!tpu.dma_semaphore, #tpu.memory_space<semaphore_mem>>
    tpu.wait_indirect_dma semaphore(%dma_wait3A_93 : memref<!tpu.dma_semaphore, #tpu.memory_space<semaphore_mem>>) src(%dma_wait3A_91 : memref<10000x64xf32, #tpu.memory_space<hbm>>) dst(%dma_wait3A_85 : memref<125x64xf32, #tpu.memory_space<vmem>>)
    %dma_start3A_94 = arith.constant 0 : i32
    %dma_start3A_95 = arith.constant 76 : i32
    %dma_start3A_96 = arith.constant 0 : i32
    %dma_start3A_97 = arith.constant 0 : i32
    %dma_start3A_98 = arith.constant 0 : i32
    %dma_start3A_99 = tpu.memref_slice %arg7[%dma_start3A_94, %dma_start3A_97, %dma_start3A_98] : memref<4x125x64xf32, #tpu.memory_space<vmem>> -> memref<1x125x64xf32, #tpu.memory_space<vmem>>
    %dma_start3A_100 = tpu.memref_squeeze %dma_start3A_99 : memref<1x125x64xf32, #tpu.memory_space<vmem>> -> memref<125x64xf32, #tpu.memory_space<vmem>>
    %dma_start3A_101 = arith.constant 0 : i32
    %dma_start3A_102 = tpu.memref_slice %arg6[%dma_start3A_95, %dma_start3A_101] : memref<80x125xi32, #tpu.memory_space<vmem>> -> memref<1x125xi32, #tpu.memory_space<vmem>>
    %dma_start3A_103 = tpu.memref_squeeze %dma_start3A_102 : memref<1x125xi32, #tpu.memory_space<vmem>> -> memref<125xi32, #tpu.memory_space<vmem>>
    %dma_start3A_104 = arith.constant 0 : i32
    %dma_start3A_105 = arith.constant 0 : i32
    %dma_start3A_106 = tpu.memref_slice %arg9[%dma_start3A_104, %dma_start3A_105] : memref<10240x64xf32, #tpu.memory_space<vmem_shared>> -> memref<10240x64xf32, #tpu.memory_space<vmem_shared>>
    %dma_start3A_107 = tpu.memref_slice %arg11[%dma_start3A_96] : memref<4x!tpu.dma_semaphore, #tpu.memory_space<semaphore_mem>> -> memref<1x!tpu.dma_semaphore, #tpu.memory_space<semaphore_mem>>
    %dma_start3A_108 = tpu.memref_squeeze %dma_start3A_107 : memref<1x!tpu.dma_semaphore, #tpu.memory_space<semaphore_mem>> -> memref<!tpu.dma_semaphore, #tpu.memory_space<semaphore_mem>>
    tpu.enqueue_indirect_dma source(%dma_start3A_100 : memref<125x64xf32, #tpu.memory_space<vmem>>) target(%dma_start3A_106 : memref<10240x64xf32, #tpu.memory_space<vmem_shared>>) offsets(%dma_start3A_103 : memref<125xi32, #tpu.memory_space<vmem>>) semaphore(%dma_start3A_108 : memref<!tpu.dma_semaphore, #tpu.memory_space<semaphore_mem>>) {add = true}
    %dma_wait3A_109 = arith.constant 0 : i32
    %dma_wait3A_110 = arith.constant 76 : i32
    %dma_wait3A_111 = arith.constant 0 : i32
    %dma_wait3A_112 = arith.constant 0 : i32
    %dma_wait3A_113 = arith.constant 0 : i32
    %dma_wait3A_114 = tpu.memref_slice %arg7[%dma_wait3A_109, %dma_wait3A_112, %dma_wait3A_113] : memref<4x125x64xf32, #tpu.memory_space<vmem>> -> memref<1x125x64xf32, #tpu.memory_space<vmem>>
    %dma_wait3A_115 = tpu.memref_squeeze %dma_wait3A_114 : memref<1x125x64xf32, #tpu.memory_space<vmem>> -> memref<125x64xf32, #tpu.memory_space<vmem>>
    %dma_wait3A_116 = arith.constant 0 : i32
    %dma_wait3A_117 = tpu.memref_slice %arg6[%dma_wait3A_110, %dma_wait3A_116] : memref<80x125xi32, #tpu.memory_space<vmem>> -> memref<1x125xi32, #tpu.memory_space<vmem>>
    %dma_wait3A_118 = tpu.memref_squeeze %dma_wait3A_117 : memref<1x125xi32, #tpu.memory_space<vmem>> -> memref<125xi32, #tpu.memory_space<vmem>>
    %dma_wait3A_119 = arith.constant 0 : i32
    %dma_wait3A_120 = arith.constant 0 : i32
    %dma_wait3A_121 = tpu.memref_slice %arg9[%dma_wait3A_119, %dma_wait3A_120] : memref<10240x64xf32, #tpu.memory_space<vmem_shared>> -> memref<10240x64xf32, #tpu.memory_space<vmem_shared>>
    %dma_wait3A_122 = tpu.memref_slice %arg11[%dma_wait3A_111] : memref<4x!tpu.dma_semaphore, #tpu.memory_space<semaphore_mem>> -> memref<1x!tpu.dma_semaphore, #tpu.memory_space<semaphore_mem>>
    %dma_wait3A_123 = tpu.memref_squeeze %dma_wait3A_122 : memref<1x!tpu.dma_semaphore, #tpu.memory_space<semaphore_mem>> -> memref<!tpu.dma_semaphore, #tpu.memory_space<semaphore_mem>>
    tpu.wait_indirect_dma semaphore(%dma_wait3A_123 : memref<!tpu.dma_semaphore, #tpu.memory_space<semaphore_mem>>) src(%dma_wait3A_115 : memref<125x64xf32, #tpu.memory_space<vmem>>) dst(%dma_wait3A_121 : memref<10240x64xf32, #tpu.memory_space<vmem_shared>>)
    %dma_wait3A_124 = arith.constant 77 : i32
    %dma_wait3A_125 = arith.constant 1 : i32
    %dma_wait3A_126 = arith.constant 1 : i32
    %dma_wait3A_127 = arith.constant 0 : i32
    %dma_wait3A_128 = arith.constant 0 : i32
    %dma_wait3A_129 = tpu.memref_slice %arg7[%dma_wait3A_125, %dma_wait3A_127, %dma_wait3A_128] : memref<4x125x64xf32, #tpu.memory_space<vmem>> -> memref<1x125x64xf32, #tpu.memory_space<vmem>>
    %dma_wait3A_130 = tpu.memref_squeeze %dma_wait3A_129 : memref<1x125x64xf32, #tpu.memory_space<vmem>> -> memref<125x64xf32, #tpu.memory_space<vmem>>
    %dma_wait3A_131 = arith.constant 0 : i32
    %dma_wait3A_132 = tpu.memref_slice %arg5[%dma_wait3A_124, %dma_wait3A_131] : memref<80x125xi32, #tpu.memory_space<vmem>> -> memref<1x125xi32, #tpu.memory_space<vmem>>
    %dma_wait3A_133 = tpu.memref_squeeze %dma_wait3A_132 : memref<1x125xi32, #tpu.memory_space<vmem>> -> memref<125xi32, #tpu.memory_space<vmem>>
    %dma_wait3A_134 = arith.constant 0 : i32
    %dma_wait3A_135 = arith.constant 0 : i32
    %dma_wait3A_136 = tpu.memref_slice %arg2[%dma_wait3A_134, %dma_wait3A_135] : memref<10000x64xf32, #tpu.memory_space<hbm>> -> memref<10000x64xf32, #tpu.memory_space<hbm>>
    %dma_wait3A_137 = tpu.memref_slice %arg10[%dma_wait3A_126] : memref<4x!tpu.dma_semaphore, #tpu.memory_space<semaphore_mem>> -> memref<1x!tpu.dma_semaphore, #tpu.memory_space<semaphore_mem>>
    %dma_wait3A_138 = tpu.memref_squeeze %dma_wait3A_137 : memref<1x!tpu.dma_semaphore, #tpu.memory_space<semaphore_mem>> -> memref<!tpu.dma_semaphore, #tpu.memory_space<semaphore_mem>>
    tpu.wait_indirect_dma semaphore(%dma_wait3A_138 : memref<!tpu.dma_semaphore, #tpu.memory_space<semaphore_mem>>) src(%dma_wait3A_136 : memref<10000x64xf32, #tpu.memory_space<hbm>>) dst(%dma_wait3A_130 : memref<125x64xf32, #tpu.memory_space<vmem>>)
    %dma_start3A_139 = arith.constant 1 : i32
    %dma_start3A_140 = arith.constant 77 : i32
    %dma_start3A_141 = arith.constant 1 : i32
    %dma_start3A_142 = arith.constant 0 : i32
    %dma_start3A_143 = arith.constant 0 : i32
    %dma_start3A_144 = tpu.memref_slice %arg7[%dma_start3A_139, %dma_start3A_142, %dma_start3A_143] : memref<4x125x64xf32, #tpu.memory_space<vmem>> -> memref<1x125x64xf32, #tpu.memory_space<vmem>>
    %dma_start3A_145 = tpu.memref_squeeze %dma_start3A_144 : memref<1x125x64xf32, #tpu.memory_space<vmem>> -> memref<125x64xf32, #tpu.memory_space<vmem>>
    %dma_start3A_146 = arith.constant 0 : i32
    %dma_start3A_147 = tpu.memref_slice %arg6[%dma_start3A_140, %dma_start3A_146] : memref<80x125xi32, #tpu.memory_space<vmem>> -> memref<1x125xi32, #tpu.memory_space<vmem>>
    %dma_start3A_148 = tpu.memref_squeeze %dma_start3A_147 : memref<1x125xi32, #tpu.memory_space<vmem>> -> memref<125xi32, #tpu.memory_space<vmem>>
    %dma_start3A_149 = arith.constant 0 : i32
    %dma_start3A_150 = arith.constant 0 : i32
    %dma_start3A_151 = tpu.memref_slice %arg9[%dma_start3A_149, %dma_start3A_150] : memref<10240x64xf32, #tpu.memory_space<vmem_shared>> -> memref<10240x64xf32, #tpu.memory_space<vmem_shared>>
    %dma_start3A_152 = tpu.memref_slice %arg11[%dma_start3A_141] : memref<4x!tpu.dma_semaphore, #tpu.memory_space<semaphore_mem>> -> memref<1x!tpu.dma_semaphore, #tpu.memory_space<semaphore_mem>>
    %dma_start3A_153 = tpu.memref_squeeze %dma_start3A_152 : memref<1x!tpu.dma_semaphore, #tpu.memory_space<semaphore_mem>> -> memref<!tpu.dma_semaphore, #tpu.memory_space<semaphore_mem>>
    tpu.enqueue_indirect_dma source(%dma_start3A_145 : memref<125x64xf32, #tpu.memory_space<vmem>>) target(%dma_start3A_151 : memref<10240x64xf32, #tpu.memory_space<vmem_shared>>) offsets(%dma_start3A_148 : memref<125xi32, #tpu.memory_space<vmem>>) semaphore(%dma_start3A_153 : memref<!tpu.dma_semaphore, #tpu.memory_space<semaphore_mem>>) {add = true}
    %dma_wait3A_154 = arith.constant 1 : i32
    %dma_wait3A_155 = arith.constant 77 : i32
    %dma_wait3A_156 = arith.constant 1 : i32
    %dma_wait3A_157 = arith.constant 0 : i32
    %dma_wait3A_158 = arith.constant 0 : i32
    %dma_wait3A_159 = tpu.memref_slice %arg7[%dma_wait3A_154, %dma_wait3A_157, %dma_wait3A_158] : memref<4x125x64xf32, #tpu.memory_space<vmem>> -> memref<1x125x64xf32, #tpu.memory_space<vmem>>
    %dma_wait3A_160 = tpu.memref_squeeze %dma_wait3A_159 : memref<1x125x64xf32, #tpu.memory_space<vmem>> -> memref<125x64xf32, #tpu.memory_space<vmem>>
    %dma_wait3A_161 = arith.constant 0 : i32
    %dma_wait3A_162 = tpu.memref_slice %arg6[%dma_wait3A_155, %dma_wait3A_161] : memref<80x125xi32, #tpu.memory_space<vmem>> -> memref<1x125xi32, #tpu.memory_space<vmem>>
    %dma_wait3A_163 = tpu.memref_squeeze %dma_wait3A_162 : memref<1x125xi32, #tpu.memory_space<vmem>> -> memref<125xi32, #tpu.memory_space<vmem>>
    %dma_wait3A_164 = arith.constant 0 : i32
    %dma_wait3A_165 = arith.constant 0 : i32
    %dma_wait3A_166 = tpu.memref_slice %arg9[%dma_wait3A_164, %dma_wait3A_165] : memref<10240x64xf32, #tpu.memory_space<vmem_shared>> -> memref<10240x64xf32, #tpu.memory_space<vmem_shared>>
    %dma_wait3A_167 = tpu.memref_slice %arg11[%dma_wait3A_156] : memref<4x!tpu.dma_semaphore, #tpu.memory_space<semaphore_mem>> -> memref<1x!tpu.dma_semaphore, #tpu.memory_space<semaphore_mem>>
    %dma_wait3A_168 = tpu.memref_squeeze %dma_wait3A_167 : memref<1x!tpu.dma_semaphore, #tpu.memory_space<semaphore_mem>> -> memref<!tpu.dma_semaphore, #tpu.memory_space<semaphore_mem>>
    tpu.wait_indirect_dma semaphore(%dma_wait3A_168 : memref<!tpu.dma_semaphore, #tpu.memory_space<semaphore_mem>>) src(%dma_wait3A_160 : memref<125x64xf32, #tpu.memory_space<vmem>>) dst(%dma_wait3A_166 : memref<10240x64xf32, #tpu.memory_space<vmem_shared>>)
    %dma_wait3A_169 = arith.constant 78 : i32
    %dma_wait3A_170 = arith.constant 2 : i32
    %dma_wait3A_171 = arith.constant 2 : i32
    %dma_wait3A_172 = arith.constant 0 : i32
    %dma_wait3A_173 = arith.constant 0 : i32
    %dma_wait3A_174 = tpu.memref_slice %arg7[%dma_wait3A_170, %dma_wait3A_172, %dma_wait3A_173] : memref<4x125x64xf32, #tpu.memory_space<vmem>> -> memref<1x125x64xf32, #tpu.memory_space<vmem>>
    %dma_wait3A_175 = tpu.memref_squeeze %dma_wait3A_174 : memref<1x125x64xf32, #tpu.memory_space<vmem>> -> memref<125x64xf32, #tpu.memory_space<vmem>>
    %dma_wait3A_176 = arith.constant 0 : i32
    %dma_wait3A_177 = tpu.memref_slice %arg5[%dma_wait3A_169, %dma_wait3A_176] : memref<80x125xi32, #tpu.memory_space<vmem>> -> memref<1x125xi32, #tpu.memory_space<vmem>>
    %dma_wait3A_178 = tpu.memref_squeeze %dma_wait3A_177 : memref<1x125xi32, #tpu.memory_space<vmem>> -> memref<125xi32, #tpu.memory_space<vmem>>
    %dma_wait3A_179 = arith.constant 0 : i32
    %dma_wait3A_180 = arith.constant 0 : i32
    %dma_wait3A_181 = tpu.memref_slice %arg2[%dma_wait3A_179, %dma_wait3A_180] : memref<10000x64xf32, #tpu.memory_space<hbm>> -> memref<10000x64xf32, #tpu.memory_space<hbm>>
    %dma_wait3A_182 = tpu.memref_slice %arg10[%dma_wait3A_171] : memref<4x!tpu.dma_semaphore, #tpu.memory_space<semaphore_mem>> -> memref<1x!tpu.dma_semaphore, #tpu.memory_space<semaphore_mem>>
    %dma_wait3A_183 = tpu.memref_squeeze %dma_wait3A_182 : memref<1x!tpu.dma_semaphore, #tpu.memory_space<semaphore_mem>> -> memref<!tpu.dma_semaphore, #tpu.memory_space<semaphore_mem>>
    tpu.wait_indirect_dma semaphore(%dma_wait3A_183 : memref<!tpu.dma_semaphore, #tpu.memory_space<semaphore_mem>>) src(%dma_wait3A_181 : memref<10000x64xf32, #tpu.memory_space<hbm>>) dst(%dma_wait3A_175 : memref<125x64xf32, #tpu.memory_space<vmem>>)
    %dma_start3A_184 = arith.constant 2 : i32
    %dma_start3A_185 = arith.constant 78 : i32
    %dma_start3A_186 = arith.constant 2 : i32
    %dma_start3A_187 = arith.constant 0 : i32
    %dma_start3A_188 = arith.constant 0 : i32
    %dma_start3A_189 = tpu.memref_slice %arg7[%dma_start3A_184, %dma_start3A_187, %dma_start3A_188] : memref<4x125x64xf32, #tpu.memory_space<vmem>> -> memref<1x125x64xf32, #tpu.memory_space<vmem>>
    %dma_start3A_190 = tpu.memref_squeeze %dma_start3A_189 : memref<1x125x64xf32, #tpu.memory_space<vmem>> -> memref<125x64xf32, #tpu.memory_space<vmem>>
    %dma_start3A_191 = arith.constant 0 : i32
    %dma_start3A_192 = tpu.memref_slice %arg6[%dma_start3A_185, %dma_start3A_191] : memref<80x125xi32, #tpu.memory_space<vmem>> -> memref<1x125xi32, #tpu.memory_space<vmem>>
    %dma_start3A_193 = tpu.memref_squeeze %dma_start3A_192 : memref<1x125xi32, #tpu.memory_space<vmem>> -> memref<125xi32, #tpu.memory_space<vmem>>
    %dma_start3A_194 = arith.constant 0 : i32
    %dma_start3A_195 = arith.constant 0 : i32
    %dma_start3A_196 = tpu.memref_slice %arg9[%dma_start3A_194, %dma_start3A_195] : memref<10240x64xf32, #tpu.memory_space<vmem_shared>> -> memref<10240x64xf32, #tpu.memory_space<vmem_shared>>
    %dma_start3A_197 = tpu.memref_slice %arg11[%dma_start3A_186] : memref<4x!tpu.dma_semaphore, #tpu.memory_space<semaphore_mem>> -> memref<1x!tpu.dma_semaphore, #tpu.memory_space<semaphore_mem>>
    %dma_start3A_198 = tpu.memref_squeeze %dma_start3A_197 : memref<1x!tpu.dma_semaphore, #tpu.memory_space<semaphore_mem>> -> memref<!tpu.dma_semaphore, #tpu.memory_space<semaphore_mem>>
    tpu.enqueue_indirect_dma source(%dma_start3A_190 : memref<125x64xf32, #tpu.memory_space<vmem>>) target(%dma_start3A_196 : memref<10240x64xf32, #tpu.memory_space<vmem_shared>>) offsets(%dma_start3A_193 : memref<125xi32, #tpu.memory_space<vmem>>) semaphore(%dma_start3A_198 : memref<!tpu.dma_semaphore, #tpu.memory_space<semaphore_mem>>) {add = true}
    %dma_wait3A_199 = arith.constant 2 : i32
    %dma_wait3A_200 = arith.constant 78 : i32
    %dma_wait3A_201 = arith.constant 2 : i32
    %dma_wait3A_202 = arith.constant 0 : i32
    %dma_wait3A_203 = arith.constant 0 : i32
    %dma_wait3A_204 = tpu.memref_slice %arg7[%dma_wait3A_199, %dma_wait3A_202, %dma_wait3A_203] : memref<4x125x64xf32, #tpu.memory_space<vmem>> -> memref<1x125x64xf32, #tpu.memory_space<vmem>>
    %dma_wait3A_205 = tpu.memref_squeeze %dma_wait3A_204 : memref<1x125x64xf32, #tpu.memory_space<vmem>> -> memref<125x64xf32, #tpu.memory_space<vmem>>
    %dma_wait3A_206 = arith.constant 0 : i32
    %dma_wait3A_207 = tpu.memref_slice %arg6[%dma_wait3A_200, %dma_wait3A_206] : memref<80x125xi32, #tpu.memory_space<vmem>> -> memref<1x125xi32, #tpu.memory_space<vmem>>
    %dma_wait3A_208 = tpu.memref_squeeze %dma_wait3A_207 : memref<1x125xi32, #tpu.memory_space<vmem>> -> memref<125xi32, #tpu.memory_space<vmem>>
    %dma_wait3A_209 = arith.constant 0 : i32
    %dma_wait3A_210 = arith.constant 0 : i32
    %dma_wait3A_211 = tpu.memref_slice %arg9[%dma_wait3A_209, %dma_wait3A_210] : memref<10240x64xf32, #tpu.memory_space<vmem_shared>> -> memref<10240x64xf32, #tpu.memory_space<vmem_shared>>
    %dma_wait3A_212 = tpu.memref_slice %arg11[%dma_wait3A_201] : memref<4x!tpu.dma_semaphore, #tpu.memory_space<semaphore_mem>> -> memref<1x!tpu.dma_semaphore, #tpu.memory_space<semaphore_mem>>
    %dma_wait3A_213 = tpu.memref_squeeze %dma_wait3A_212 : memref<1x!tpu.dma_semaphore, #tpu.memory_space<semaphore_mem>> -> memref<!tpu.dma_semaphore, #tpu.memory_space<semaphore_mem>>
    tpu.wait_indirect_dma semaphore(%dma_wait3A_213 : memref<!tpu.dma_semaphore, #tpu.memory_space<semaphore_mem>>) src(%dma_wait3A_205 : memref<125x64xf32, #tpu.memory_space<vmem>>) dst(%dma_wait3A_211 : memref<10240x64xf32, #tpu.memory_space<vmem_shared>>)
    %dma_wait3A_214 = arith.constant 79 : i32
    %dma_wait3A_215 = arith.constant 3 : i32
    %dma_wait3A_216 = arith.constant 3 : i32
    %dma_wait3A_217 = arith.constant 0 : i32
    %dma_wait3A_218 = arith.constant 0 : i32
    %dma_wait3A_219 = tpu.memref_slice %arg7[%dma_wait3A_215, %dma_wait3A_217, %dma_wait3A_218] : memref<4x125x64xf32, #tpu.memory_space<vmem>> -> memref<1x125x64xf32, #tpu.memory_space<vmem>>
    %dma_wait3A_220 = tpu.memref_squeeze %dma_wait3A_219 : memref<1x125x64xf32, #tpu.memory_space<vmem>> -> memref<125x64xf32, #tpu.memory_space<vmem>>
    %dma_wait3A_221 = arith.constant 0 : i32
    %dma_wait3A_222 = tpu.memref_slice %arg5[%dma_wait3A_214, %dma_wait3A_221] : memref<80x125xi32, #tpu.memory_space<vmem>> -> memref<1x125xi32, #tpu.memory_space<vmem>>
    %dma_wait3A_223 = tpu.memref_squeeze %dma_wait3A_222 : memref<1x125xi32, #tpu.memory_space<vmem>> -> memref<125xi32, #tpu.memory_space<vmem>>
    %dma_wait3A_224 = arith.constant 0 : i32
    %dma_wait3A_225 = arith.constant 0 : i32
    %dma_wait3A_226 = tpu.memref_slice %arg2[%dma_wait3A_224, %dma_wait3A_225] : memref<10000x64xf32, #tpu.memory_space<hbm>> -> memref<10000x64xf32, #tpu.memory_space<hbm>>
    %dma_wait3A_227 = tpu.memref_slice %arg10[%dma_wait3A_216] : memref<4x!tpu.dma_semaphore, #tpu.memory_space<semaphore_mem>> -> memref<1x!tpu.dma_semaphore, #tpu.memory_space<semaphore_mem>>
    %dma_wait3A_228 = tpu.memref_squeeze %dma_wait3A_227 : memref<1x!tpu.dma_semaphore, #tpu.memory_space<semaphore_mem>> -> memref<!tpu.dma_semaphore, #tpu.memory_space<semaphore_mem>>
    tpu.wait_indirect_dma semaphore(%dma_wait3A_228 : memref<!tpu.dma_semaphore, #tpu.memory_space<semaphore_mem>>) src(%dma_wait3A_226 : memref<10000x64xf32, #tpu.memory_space<hbm>>) dst(%dma_wait3A_220 : memref<125x64xf32, #tpu.memory_space<vmem>>)
    %dma_start3A_229 = arith.constant 3 : i32
    %dma_start3A_230 = arith.constant 79 : i32
    %dma_start3A_231 = arith.constant 3 : i32
    %dma_start3A_232 = arith.constant 0 : i32
    %dma_start3A_233 = arith.constant 0 : i32
    %dma_start3A_234 = tpu.memref_slice %arg7[%dma_start3A_229, %dma_start3A_232, %dma_start3A_233] : memref<4x125x64xf32, #tpu.memory_space<vmem>> -> memref<1x125x64xf32, #tpu.memory_space<vmem>>
    %dma_start3A_235 = tpu.memref_squeeze %dma_start3A_234 : memref<1x125x64xf32, #tpu.memory_space<vmem>> -> memref<125x64xf32, #tpu.memory_space<vmem>>
    %dma_start3A_236 = arith.constant 0 : i32
    %dma_start3A_237 = tpu.memref_slice %arg6[%dma_start3A_230, %dma_start3A_236] : memref<80x125xi32, #tpu.memory_space<vmem>> -> memref<1x125xi32, #tpu.memory_space<vmem>>
    %dma_start3A_238 = tpu.memref_squeeze %dma_start3A_237 : memref<1x125xi32, #tpu.memory_space<vmem>> -> memref<125xi32, #tpu.memory_space<vmem>>
    %dma_start3A_239 = arith.constant 0 : i32
    %dma_start3A_240 = arith.constant 0 : i32
    %dma_start3A_241 = tpu.memref_slice %arg9[%dma_start3A_239, %dma_start3A_240] : memref<10240x64xf32, #tpu.memory_space<vmem_shared>> -> memref<10240x64xf32, #tpu.memory_space<vmem_shared>>
    %dma_start3A_242 = tpu.memref_slice %arg11[%dma_start3A_231] : memref<4x!tpu.dma_semaphore, #tpu.memory_space<semaphore_mem>> -> memref<1x!tpu.dma_semaphore, #tpu.memory_space<semaphore_mem>>
    %dma_start3A_243 = tpu.memref_squeeze %dma_start3A_242 : memref<1x!tpu.dma_semaphore, #tpu.memory_space<semaphore_mem>> -> memref<!tpu.dma_semaphore, #tpu.memory_space<semaphore_mem>>
    tpu.enqueue_indirect_dma source(%dma_start3A_235 : memref<125x64xf32, #tpu.memory_space<vmem>>) target(%dma_start3A_241 : memref<10240x64xf32, #tpu.memory_space<vmem_shared>>) offsets(%dma_start3A_238 : memref<125xi32, #tpu.memory_space<vmem>>) semaphore(%dma_start3A_243 : memref<!tpu.dma_semaphore, #tpu.memory_space<semaphore_mem>>) {add = true}
    %dma_wait3A_244 = arith.constant 3 : i32
    %dma_wait3A_245 = arith.constant 79 : i32
    %dma_wait3A_246 = arith.constant 3 : i32
    %dma_wait3A_247 = arith.constant 0 : i32
    %dma_wait3A_248 = arith.constant 0 : i32
    %dma_wait3A_249 = tpu.memref_slice %arg7[%dma_wait3A_244, %dma_wait3A_247, %dma_wait3A_248] : memref<4x125x64xf32, #tpu.memory_space<vmem>> -> memref<1x125x64xf32, #tpu.memory_space<vmem>>
    %dma_wait3A_250 = tpu.memref_squeeze %dma_wait3A_249 : memref<1x125x64xf32, #tpu.memory_space<vmem>> -> memref<125x64xf32, #tpu.memory_space<vmem>>
    %dma_wait3A_251 = arith.constant 0 : i32
    %dma_wait3A_252 = tpu.memref_slice %arg6[%dma_wait3A_245, %dma_wait3A_251] : memref<80x125xi32, #tpu.memory_space<vmem>> -> memref<1x125xi32, #tpu.memory_space<vmem>>
    %dma_wait3A_253 = tpu.memref_squeeze %dma_wait3A_252 : memref<1x125xi32, #tpu.memory_space<vmem>> -> memref<125xi32, #tpu.memory_space<vmem>>
    %dma_wait3A_254 = arith.constant 0 : i32
    %dma_wait3A_255 = arith.constant 0 : i32
    %dma_wait3A_256 = tpu.memref_slice %arg9[%dma_wait3A_254, %dma_wait3A_255] : memref<10240x64xf32, #tpu.memory_space<vmem_shared>> -> memref<10240x64xf32, #tpu.memory_space<vmem_shared>>
    %dma_wait3A_257 = tpu.memref_slice %arg11[%dma_wait3A_246] : memref<4x!tpu.dma_semaphore, #tpu.memory_space<semaphore_mem>> -> memref<1x!tpu.dma_semaphore, #tpu.memory_space<semaphore_mem>>
    %dma_wait3A_258 = tpu.memref_squeeze %dma_wait3A_257 : memref<1x!tpu.dma_semaphore, #tpu.memory_space<semaphore_mem>> -> memref<!tpu.dma_semaphore, #tpu.memory_space<semaphore_mem>>
    tpu.wait_indirect_dma semaphore(%dma_wait3A_258 : memref<!tpu.dma_semaphore, #tpu.memory_space<semaphore_mem>>) src(%dma_wait3A_250 : memref<125x64xf32, #tpu.memory_space<vmem>>) dst(%dma_wait3A_256 : memref<10240x64xf32, #tpu.memory_space<vmem_shared>>)
    %barrier3A_259 = arith.constant 0 : index
    tpu.barrier barrier_id(%barrier3A_259)
    %scan3A_260 = arith.constant 0 : i32
    %scan3A_261 = arith.constant 0 : i32
    %scan3A_262 = arith.constant 5 : i32
    %scan3A_263 = arith.addi %scan3A_261, %scan3A_262 : i32
    %scan3A_264 = arith.constant 1 : i32
    scf.for %scan3A_266 = %scan3A_261 to %scan3A_263 step %scan3A_264  : i32 {
      %mul3A_267 = arith.constant 640 : i32
      %mul3A_268 = arith.muli %arg1, %mul3A_267 : i32
      %mul3A_269 = arith.constant 128 : i32
      %mul3A_270 = arith.muli %scan3A_266, %mul3A_269 : i32
      %add3A_271 = arith.addi %mul3A_268, %mul3A_270 : i32
      "tpu.region"() ({
        %run_scoped3A = tpu.sem_alloc : memref<!tpu.dma_semaphore, #tpu.memory_space<semaphore_mem>>
        %dma_start3A_272 = arith.constant 0 : i32
        %dma_start3A_273 = tpu.memref_slice %arg9[%add3A_271, %dma_start3A_272] : memref<10240x64xf32, #tpu.memory_space<vmem_shared>> -> memref<128x64xf32, #tpu.memory_space<vmem_shared>>
        %dma_start3A_274 = arith.constant 0 : i32
        %dma_start3A_275 = tpu.memref_slice %arg9[%add3A_271, %dma_start3A_274] : memref<10240x64xf32, #tpu.memory_space<vmem_shared>> -> memref<128x64xf32, #tpu.memory_space<vmem_shared>>
        tpu.enqueue_dma source(%dma_start3A_275 : memref<128x64xf32, #tpu.memory_space<vmem_shared>>) target(%arg8 : memref<128x64xf32, #tpu.memory_space<vmem>>) target_semaphore(%run_scoped3A : memref<!tpu.dma_semaphore, #tpu.memory_space<semaphore_mem>>)
        %dma_wait3A_276 = arith.constant 0 : i32
        %dma_wait3A_277 = tpu.memref_slice %arg9[%add3A_271, %dma_wait3A_276] : memref<10240x64xf32, #tpu.memory_space<vmem_shared>> -> memref<128x64xf32, #tpu.memory_space<vmem_shared>>
        %dma_wait3A_278 = arith.constant 0 : i32
        %dma_wait3A_279 = tpu.memref_slice %arg9[%add3A_271, %dma_wait3A_278] : memref<10240x64xf32, #tpu.memory_space<vmem_shared>> -> memref<128x64xf32, #tpu.memory_space<vmem_shared>>
        tpu.wait_dma2 semaphore(%run_scoped3A : memref<!tpu.dma_semaphore, #tpu.memory_space<semaphore_mem>>) src(%dma_wait3A_279 : memref<128x64xf32, #tpu.memory_space<vmem_shared>>) dst(%arg8 : memref<128x64xf32, #tpu.memory_space<vmem>>)
        tpu.yield
      }) : () -> ()
      "tpu.region"() ({
        %run_scoped3A = tpu.sem_alloc : memref<!tpu.dma_semaphore, #tpu.memory_space<semaphore_mem>>
        %dma_start3A_272 = arith.constant 0 : i32
        %dma_start3A_273 = tpu.memref_slice %arg4[%arg0, %add3A_271, %dma_start3A_272] : memref<2x10240x64xf32, #tpu.memory_space<hbm>> -> memref<1x128x64xf32, #tpu.memory_space<hbm>>
        %dma_start3A_274 = tpu.memref_squeeze %dma_start3A_273 : memref<1x128x64xf32, #tpu.memory_space<hbm>> -> memref<128x64xf32, #tpu.memory_space<hbm>>
        %dma_start3A_275 = arith.constant 0 : i32
        %dma_start3A_276 = tpu.memref_slice %arg4[%arg0, %add3A_271, %dma_start3A_275] : memref<2x10240x64xf32, #tpu.memory_space<hbm>> -> memref<1x128x64xf32, #tpu.memory_space<hbm>>
        %dma_start3A_277 = tpu.memref_squeeze %dma_start3A_276 : memref<1x128x64xf32, #tpu.memory_space<hbm>> -> memref<128x64xf32, #tpu.memory_space<hbm>>
        tpu.enqueue_dma source(%arg8 : memref<128x64xf32, #tpu.memory_space<vmem>>) target(%dma_start3A_277 : memref<128x64xf32, #tpu.memory_space<hbm>>) target_semaphore(%run_scoped3A : memref<!tpu.dma_semaphore, #tpu.memory_space<semaphore_mem>>)
        %dma_wait3A_278 = arith.constant 0 : i32
        %dma_wait3A_279 = tpu.memref_slice %arg4[%arg0, %add3A_271, %dma_wait3A_278] : memref<2x10240x64xf32, #tpu.memory_space<hbm>> -> memref<1x128x64xf32, #tpu.memory_space<hbm>>
        %dma_wait3A_280 = tpu.memref_squeeze %dma_wait3A_279 : memref<1x128x64xf32, #tpu.memory_space<hbm>> -> memref<128x64xf32, #tpu.memory_space<hbm>>
        %dma_wait3A_281 = arith.constant 0 : i32
        %dma_wait3A_282 = tpu.memref_slice %arg4[%arg0, %add3A_271, %dma_wait3A_281] : memref<2x10240x64xf32, #tpu.memory_space<hbm>> -> memref<1x128x64xf32, #tpu.memory_space<hbm>>
        %dma_wait3A_283 = tpu.memref_squeeze %dma_wait3A_282 : memref<1x128x64xf32, #tpu.memory_space<hbm>> -> memref<128x64xf32, #tpu.memory_space<hbm>>
        tpu.wait_dma2 semaphore(%run_scoped3A : memref<!tpu.dma_semaphore, #tpu.memory_space<semaphore_mem>>) src(%arg8 : memref<128x64xf32, #tpu.memory_space<vmem>>) dst(%dma_wait3A_283 : memref<128x64xf32, #tpu.memory_space<hbm>>)
        tpu.yield
      }) : () -> ()
    }
    %scan3A_265 = arith.constant 5 : i32
    return
  }
}

#map = affine_map<(d0, d1) -> (0)>
#map1 = affine_map<(d0, d1) -> (0, 0, 0)>
module attributes {stable_mosaic.version = 14 : i64} {
  func.func @_hist_sc(%arg0: i32, %arg1: i32, %arg2: memref<640000xi32, #tpu.memory_space<hbm>>, %arg3: memref<16x5x128xf32, #tpu.memory_space<hbm>>, %arg4: memref<20000xi32, #tpu.memory_space<vmem>>, %arg5: memref<80x128xf32, #tpu.memory_space<vmem>>, %arg6: memref<5x128xf32, #tpu.memory_space<vmem>>, %arg7: memref<80xi32, #tpu.memory_space<vmem>>, %arg8: memref<80x128xf32, #tpu.memory_space<vmem_shared>>) attributes {dimension_semantics = [#tpu.dimension_semantics<core_parallel>, #tpu.dimension_semantics<subcore_parallel>], iteration_bounds = array<i64: 2, 16>, scalar_prefetch = 0 : i64, scratch_operands = 5 : i64, tpu.core_type = #tpu.core_type<sc_vector_subcore>, window_params = [{transform_indices = #map}, {transform_indices = #map1}]} {
    %eq3A = arith.constant 0 : i32
    %eq3A_0 = arith.cmpi eq, %arg0, %eq3A : i32
    %convert_element_type3A = arith.extui %eq3A_0 : i1 to i32
    %cond3A = arith.constant 0 : i32
    %cond3A_1 = arith.cmpi ne, %convert_element_type3A, %cond3A : i32
    scf.if %cond3A_1 {
      %mul3A = arith.constant 20000 : i32
      %mul3A_2 = arith.muli %arg1, %mul3A : i32
      %add3A = arith.constant 320000 : i32
      %add3A_3 = arith.addi %add3A, %mul3A_2 : i32
      "tpu.region"() ({
        %run_scoped3A = tpu.sem_alloc : memref<!tpu.dma_semaphore, #tpu.memory_space<semaphore_mem>>
        %dma_start3A = tpu.memref_slice %arg2[%add3A_3] : memref<640000xi32, #tpu.memory_space<hbm>> -> memref<20000xi32, #tpu.memory_space<hbm>>
        %dma_start3A_207 = tpu.memref_slice %arg2[%add3A_3] : memref<640000xi32, #tpu.memory_space<hbm>> -> memref<20000xi32, #tpu.memory_space<hbm>>
        tpu.enqueue_dma source(%dma_start3A_207 : memref<20000xi32, #tpu.memory_space<hbm>>) target(%arg4 : memref<20000xi32, #tpu.memory_space<vmem>>) target_semaphore(%run_scoped3A : memref<!tpu.dma_semaphore, #tpu.memory_space<semaphore_mem>>)
        %dma_wait3A = tpu.memref_slice %arg2[%add3A_3] : memref<640000xi32, #tpu.memory_space<hbm>> -> memref<20000xi32, #tpu.memory_space<hbm>>
        %dma_wait3A_208 = tpu.memref_slice %arg2[%add3A_3] : memref<640000xi32, #tpu.memory_space<hbm>> -> memref<20000xi32, #tpu.memory_space<hbm>>
        tpu.wait_dma2 semaphore(%run_scoped3A : memref<!tpu.dma_semaphore, #tpu.memory_space<semaphore_mem>>) src(%dma_wait3A_208 : memref<20000xi32, #tpu.memory_space<hbm>>) dst(%arg4 : memref<20000xi32, #tpu.memory_space<vmem>>)
        tpu.yield
      }) : () -> ()
      %broadcast_in_dim3A = arith.constant 0.000000e+00 : f32
      %broadcast_in_dim3A_4 = vector.broadcast %broadcast_in_dim3A : f32 to vector<16xf32>
      %broadcast_in_dim3A_5 = arith.constant 1.000000e+00 : f32
      %broadcast_in_dim3A_6 = vector.broadcast %broadcast_in_dim3A_5 : f32 to vector<16xf32>
      %iota3A = tpu.iota {dimensions = array<i32: 0>} : vector<16xi32>
      %scan3A = arith.constant 0 : i32
      %scan3A_7 = arith.constant 0 : i32
      %scan3A_8 = arith.constant 640 : i32
      %scan3A_9 = arith.addi %scan3A_7, %scan3A_8 : i32
      %scan3A_10 = arith.constant 1 : i32
      scf.for %scan3A_207 = %scan3A_7 to %scan3A_9 step %scan3A_10  : i32 {
        %jit3A = arith.constant 8 : i32
        %div3A = arith.divsi %scan3A_207, %jit3A : i32
        %sign3A = arith.constant 0 : i32
        %sign3A_208 = arith.cmpi sgt, %scan3A_207, %sign3A : i32
        %sign3A_209 = arith.extui %sign3A_208 : i1 to i32
        %sign3A_210 = arith.constant 0 : i32
        %sign3A_211 = arith.cmpi slt, %scan3A_207, %sign3A_210 : i32
        %sign3A_212 = arith.extui %sign3A_211 : i1 to i32
        %sign3A_213 = arith.subi %sign3A_209, %sign3A_212 : i32
        %sign3A_214 = arith.constant 0 : i32
        %sign3A_215 = arith.cmpi sgt, %jit3A, %sign3A_214 : i32
        %sign3A_216 = arith.extui %sign3A_215 : i1 to i32
        %sign3A_217 = arith.constant 0 : i32
        %sign3A_218 = arith.cmpi slt, %jit3A, %sign3A_217 : i32
        %sign3A_219 = arith.extui %sign3A_218 : i1 to i32
        %sign3A_220 = arith.subi %sign3A_216, %sign3A_219 : i32
        %ne3A = arith.cmpi ne, %sign3A_213, %sign3A_220 : i32
        %rem3A = arith.remsi %scan3A_207, %jit3A : i32
        %ne3A_221 = arith.constant 0 : i32
        %ne3A_222 = arith.cmpi ne, %rem3A, %ne3A_221 : i32
        %and3A = arith.andi %ne3A, %ne3A_222 : i1
        %sub3A = arith.constant 1 : i32
        %sub3A_223 = arith.subi %div3A, %sub3A : i32
        %select_n3A = arith.select %and3A, %sub3A_223, %div3A : i32
        %jit3A_224 = arith.constant 8 : i32
        %eq3A_225 = arith.constant 0 : i32
        %eq3A_226 = arith.cmpi eq, %jit3A_224, %eq3A_225 : i32
        %jit3A_227 = arith.constant 1 : i32
        %select_n3A_228 = arith.select %eq3A_226, %jit3A_227, %jit3A_224 : i32
        %rem3A_229 = arith.remsi %scan3A_207, %select_n3A_228 : i32
        %ne3A_230 = arith.constant 0 : i32
        %ne3A_231 = arith.cmpi ne, %rem3A_229, %ne3A_230 : i32
        %lt3A = arith.constant 0 : i32
        %lt3A_232 = arith.cmpi slt, %rem3A_229, %lt3A : i32
        %lt3A_233 = arith.constant 0 : i32
        %lt3A_234 = arith.cmpi slt, %select_n3A_228, %lt3A_233 : i32
        %ne3A_235 = arith.xori %lt3A_232, %lt3A_234 : i1
        %and3A_236 = arith.andi %ne3A_235, %ne3A_231 : i1
        %add3A_237 = arith.addi %rem3A_229, %select_n3A_228 : i32
        %select_n3A_238 = arith.select %and3A_236, %add3A_237, %rem3A_229 : i32
        %mul3A_239 = arith.constant 16 : i32
        %mul3A_240 = arith.muli %select_n3A_238, %mul3A_239 : i32
        %swap3A_241 = arith.index_cast %select_n3A : i32 to index
        %swap3A_242 = arith.index_cast %mul3A_240 : i32 to index
        %swap3A_243 = tpu.vector_load %arg5[%swap3A_241, %swap3A_242] {strides = array<i32>} : memref<80x128xf32, #tpu.memory_space<vmem>>, vector<16xf32>,
        tpu.vector_store %arg5[%swap3A_241, %swap3A_242], %broadcast_in_dim3A_4 {strides = array<i32>} : memref<80x128xf32, #tpu.memory_space<vmem>>, vector<16xf32>,
      }
      %scan3A_11 = arith.constant 640 : i32
      %swap3A = arith.constant 0 : i32
      %swap3A_12 = arith.index_cast %swap3A : i32 to index
      %swap3A_13 = arith.constant 0 : index
      %swap3A_14 = tpu.vector_load %arg6[%swap3A_12, %swap3A_13] {strides = array<i32>} : memref<5x128xf32, #tpu.memory_space<vmem>>, vector<16xf32>,
      tpu.vector_store %arg6[%swap3A_12, %swap3A_13], %broadcast_in_dim3A_4 {strides = array<i32>} : memref<5x128xf32, #tpu.memory_space<vmem>>, vector<16xf32>,
      %swap3A_15 = arith.constant 0 : i32
      %swap3A_16 = arith.index_cast %swap3A_15 : i32 to index
      %swap3A_17 = arith.constant 16 : index
      %swap3A_18 = tpu.vector_load %arg6[%swap3A_16, %swap3A_17] {strides = array<i32>} : memref<5x128xf32, #tpu.memory_space<vmem>>, vector<16xf32>,
      tpu.vector_store %arg6[%swap3A_16, %swap3A_17], %broadcast_in_dim3A_4 {strides = array<i32>} : memref<5x128xf32, #tpu.memory_space<vmem>>, vector<16xf32>,
      %swap3A_19 = arith.constant 0 : i32
      %swap3A_20 = arith.index_cast %swap3A_19 : i32 to index
      %swap3A_21 = arith.constant 32 : index
      %swap3A_22 = tpu.vector_load %arg6[%swap3A_20, %swap3A_21] {strides = array<i32>} : memref<5x128xf32, #tpu.memory_space<vmem>>, vector<16xf32>,
      tpu.vector_store %arg6[%swap3A_20, %swap3A_21], %broadcast_in_dim3A_4 {strides = array<i32>} : memref<5x128xf32, #tpu.memory_space<vmem>>, vector<16xf32>,
      %swap3A_23 = arith.constant 0 : i32
      %swap3A_24 = arith.index_cast %swap3A_23 : i32 to index
      %swap3A_25 = arith.constant 48 : index
      %swap3A_26 = tpu.vector_load %arg6[%swap3A_24, %swap3A_25] {strides = array<i32>} : memref<5x128xf32, #tpu.memory_space<vmem>>, vector<16xf32>,
      tpu.vector_store %arg6[%swap3A_24, %swap3A_25], %broadcast_in_dim3A_4 {strides = array<i32>} : memref<5x128xf32, #tpu.memory_space<vmem>>, vector<16xf32>,
      %swap3A_27 = arith.constant 0 : i32
      %swap3A_28 = arith.index_cast %swap3A_27 : i32 to index
      %swap3A_29 = arith.constant 64 : index
      %swap3A_30 = tpu.vector_load %arg6[%swap3A_28, %swap3A_29] {strides = array<i32>} : memref<5x128xf32, #tpu.memory_space<vmem>>, vector<16xf32>,
      tpu.vector_store %arg6[%swap3A_28, %swap3A_29], %broadcast_in_dim3A_4 {strides = array<i32>} : memref<5x128xf32, #tpu.memory_space<vmem>>, vector<16xf32>,
      %swap3A_31 = arith.constant 0 : i32
      %swap3A_32 = arith.index_cast %swap3A_31 : i32 to index
      %swap3A_33 = arith.constant 80 : index
      %swap3A_34 = tpu.vector_load %arg6[%swap3A_32, %swap3A_33] {strides = array<i32>} : memref<5x128xf32, #tpu.memory_space<vmem>>, vector<16xf32>,
      tpu.vector_store %arg6[%swap3A_32, %swap3A_33], %broadcast_in_dim3A_4 {strides = array<i32>} : memref<5x128xf32, #tpu.memory_space<vmem>>, vector<16xf32>,
      %swap3A_35 = arith.constant 0 : i32
      %swap3A_36 = arith.index_cast %swap3A_35 : i32 to index
      %swap3A_37 = arith.constant 96 : index
      %swap3A_38 = tpu.vector_load %arg6[%swap3A_36, %swap3A_37] {strides = array<i32>} : memref<5x128xf32, #tpu.memory_space<vmem>>, vector<16xf32>,
      tpu.vector_store %arg6[%swap3A_36, %swap3A_37], %broadcast_in_dim3A_4 {strides = array<i32>} : memref<5x128xf32, #tpu.memory_space<vmem>>, vector<16xf32>,
      %swap3A_39 = arith.constant 0 : i32
      %swap3A_40 = arith.index_cast %swap3A_39 : i32 to index
      %swap3A_41 = arith.constant 112 : index
      %swap3A_42 = tpu.vector_load %arg6[%swap3A_40, %swap3A_41] {strides = array<i32>} : memref<5x128xf32, #tpu.memory_space<vmem>>, vector<16xf32>,
      tpu.vector_store %arg6[%swap3A_40, %swap3A_41], %broadcast_in_dim3A_4 {strides = array<i32>} : memref<5x128xf32, #tpu.memory_space<vmem>>, vector<16xf32>,
      %swap3A_43 = arith.constant 1 : i32
      %swap3A_44 = arith.index_cast %swap3A_43 : i32 to index
      %swap3A_45 = arith.constant 0 : index
      %swap3A_46 = tpu.vector_load %arg6[%swap3A_44, %swap3A_45] {strides = array<i32>} : memref<5x128xf32, #tpu.memory_space<vmem>>, vector<16xf32>,
      tpu.vector_store %arg6[%swap3A_44, %swap3A_45], %broadcast_in_dim3A_4 {strides = array<i32>} : memref<5x128xf32, #tpu.memory_space<vmem>>, vector<16xf32>,
      %swap3A_47 = arith.constant 1 : i32
      %swap3A_48 = arith.index_cast %swap3A_47 : i32 to index
      %swap3A_49 = arith.constant 16 : index
      %swap3A_50 = tpu.vector_load %arg6[%swap3A_48, %swap3A_49] {strides = array<i32>} : memref<5x128xf32, #tpu.memory_space<vmem>>, vector<16xf32>,
      tpu.vector_store %arg6[%swap3A_48, %swap3A_49], %broadcast_in_dim3A_4 {strides = array<i32>} : memref<5x128xf32, #tpu.memory_space<vmem>>, vector<16xf32>,
      %swap3A_51 = arith.constant 1 : i32
      %swap3A_52 = arith.index_cast %swap3A_51 : i32 to index
      %swap3A_53 = arith.constant 32 : index
      %swap3A_54 = tpu.vector_load %arg6[%swap3A_52, %swap3A_53] {strides = array<i32>} : memref<5x128xf32, #tpu.memory_space<vmem>>, vector<16xf32>,
      tpu.vector_store %arg6[%swap3A_52, %swap3A_53], %broadcast_in_dim3A_4 {strides = array<i32>} : memref<5x128xf32, #tpu.memory_space<vmem>>, vector<16xf32>,
      %swap3A_55 = arith.constant 1 : i32
      %swap3A_56 = arith.index_cast %swap3A_55 : i32 to index
      %swap3A_57 = arith.constant 48 : index
      %swap3A_58 = tpu.vector_load %arg6[%swap3A_56, %swap3A_57] {strides = array<i32>} : memref<5x128xf32, #tpu.memory_space<vmem>>, vector<16xf32>,
      tpu.vector_store %arg6[%swap3A_56, %swap3A_57], %broadcast_in_dim3A_4 {strides = array<i32>} : memref<5x128xf32, #tpu.memory_space<vmem>>, vector<16xf32>,
      %swap3A_59 = arith.constant 1 : i32
      %swap3A_60 = arith.index_cast %swap3A_59 : i32 to index
      %swap3A_61 = arith.constant 64 : index
      %swap3A_62 = tpu.vector_load %arg6[%swap3A_60, %swap3A_61] {strides = array<i32>} : memref<5x128xf32, #tpu.memory_space<vmem>>, vector<16xf32>,
      tpu.vector_store %arg6[%swap3A_60, %swap3A_61], %broadcast_in_dim3A_4 {strides = array<i32>} : memref<5x128xf32, #tpu.memory_space<vmem>>, vector<16xf32>,
      %swap3A_63 = arith.constant 1 : i32
      %swap3A_64 = arith.index_cast %swap3A_63 : i32 to index
      %swap3A_65 = arith.constant 80 : index
      %swap3A_66 = tpu.vector_load %arg6[%swap3A_64, %swap3A_65] {strides = array<i32>} : memref<5x128xf32, #tpu.memory_space<vmem>>, vector<16xf32>,
      tpu.vector_store %arg6[%swap3A_64, %swap3A_65], %broadcast_in_dim3A_4 {strides = array<i32>} : memref<5x128xf32, #tpu.memory_space<vmem>>, vector<16xf32>,
      %swap3A_67 = arith.constant 1 : i32
      %swap3A_68 = arith.index_cast %swap3A_67 : i32 to index
      %swap3A_69 = arith.constant 96 : index
      %swap3A_70 = tpu.vector_load %arg6[%swap3A_68, %swap3A_69] {strides = array<i32>} : memref<5x128xf32, #tpu.memory_space<vmem>>, vector<16xf32>,
      tpu.vector_store %arg6[%swap3A_68, %swap3A_69], %broadcast_in_dim3A_4 {strides = array<i32>} : memref<5x128xf32, #tpu.memory_space<vmem>>, vector<16xf32>,
      %swap3A_71 = arith.constant 1 : i32
      %swap3A_72 = arith.index_cast %swap3A_71 : i32 to index
      %swap3A_73 = arith.constant 112 : index
      %swap3A_74 = tpu.vector_load %arg6[%swap3A_72, %swap3A_73] {strides = array<i32>} : memref<5x128xf32, #tpu.memory_space<vmem>>, vector<16xf32>,
      tpu.vector_store %arg6[%swap3A_72, %swap3A_73], %broadcast_in_dim3A_4 {strides = array<i32>} : memref<5x128xf32, #tpu.memory_space<vmem>>, vector<16xf32>,
      %swap3A_75 = arith.constant 2 : i32
      %swap3A_76 = arith.index_cast %swap3A_75 : i32 to index
      %swap3A_77 = arith.constant 0 : index
      %swap3A_78 = tpu.vector_load %arg6[%swap3A_76, %swap3A_77] {strides = array<i32>} : memref<5x128xf32, #tpu.memory_space<vmem>>, vector<16xf32>,
      tpu.vector_store %arg6[%swap3A_76, %swap3A_77], %broadcast_in_dim3A_4 {strides = array<i32>} : memref<5x128xf32, #tpu.memory_space<vmem>>, vector<16xf32>,
      %swap3A_79 = arith.constant 2 : i32
      %swap3A_80 = arith.index_cast %swap3A_79 : i32 to index
      %swap3A_81 = arith.constant 16 : index
      %swap3A_82 = tpu.vector_load %arg6[%swap3A_80, %swap3A_81] {strides = array<i32>} : memref<5x128xf32, #tpu.memory_space<vmem>>, vector<16xf32>,
      tpu.vector_store %arg6[%swap3A_80, %swap3A_81], %broadcast_in_dim3A_4 {strides = array<i32>} : memref<5x128xf32, #tpu.memory_space<vmem>>, vector<16xf32>,
      %swap3A_83 = arith.constant 2 : i32
      %swap3A_84 = arith.index_cast %swap3A_83 : i32 to index
      %swap3A_85 = arith.constant 32 : index
      %swap3A_86 = tpu.vector_load %arg6[%swap3A_84, %swap3A_85] {strides = array<i32>} : memref<5x128xf32, #tpu.memory_space<vmem>>, vector<16xf32>,
      tpu.vector_store %arg6[%swap3A_84, %swap3A_85], %broadcast_in_dim3A_4 {strides = array<i32>} : memref<5x128xf32, #tpu.memory_space<vmem>>, vector<16xf32>,
      %swap3A_87 = arith.constant 2 : i32
      %swap3A_88 = arith.index_cast %swap3A_87 : i32 to index
      %swap3A_89 = arith.constant 48 : index
      %swap3A_90 = tpu.vector_load %arg6[%swap3A_88, %swap3A_89] {strides = array<i32>} : memref<5x128xf32, #tpu.memory_space<vmem>>, vector<16xf32>,
      tpu.vector_store %arg6[%swap3A_88, %swap3A_89], %broadcast_in_dim3A_4 {strides = array<i32>} : memref<5x128xf32, #tpu.memory_space<vmem>>, vector<16xf32>,
      %swap3A_91 = arith.constant 2 : i32
      %swap3A_92 = arith.index_cast %swap3A_91 : i32 to index
      %swap3A_93 = arith.constant 64 : index
      %swap3A_94 = tpu.vector_load %arg6[%swap3A_92, %swap3A_93] {strides = array<i32>} : memref<5x128xf32, #tpu.memory_space<vmem>>, vector<16xf32>,
      tpu.vector_store %arg6[%swap3A_92, %swap3A_93], %broadcast_in_dim3A_4 {strides = array<i32>} : memref<5x128xf32, #tpu.memory_space<vmem>>, vector<16xf32>,
      %swap3A_95 = arith.constant 2 : i32
      %swap3A_96 = arith.index_cast %swap3A_95 : i32 to index
      %swap3A_97 = arith.constant 80 : index
      %swap3A_98 = tpu.vector_load %arg6[%swap3A_96, %swap3A_97] {strides = array<i32>} : memref<5x128xf32, #tpu.memory_space<vmem>>, vector<16xf32>,
      tpu.vector_store %arg6[%swap3A_96, %swap3A_97], %broadcast_in_dim3A_4 {strides = array<i32>} : memref<5x128xf32, #tpu.memory_space<vmem>>, vector<16xf32>,
      %swap3A_99 = arith.constant 2 : i32
      %swap3A_100 = arith.index_cast %swap3A_99 : i32 to index
      %swap3A_101 = arith.constant 96 : index
      %swap3A_102 = tpu.vector_load %arg6[%swap3A_100, %swap3A_101] {strides = array<i32>} : memref<5x128xf32, #tpu.memory_space<vmem>>, vector<16xf32>,
      tpu.vector_store %arg6[%swap3A_100, %swap3A_101], %broadcast_in_dim3A_4 {strides = array<i32>} : memref<5x128xf32, #tpu.memory_space<vmem>>, vector<16xf32>,
      %swap3A_103 = arith.constant 2 : i32
      %swap3A_104 = arith.index_cast %swap3A_103 : i32 to index
      %swap3A_105 = arith.constant 112 : index
      %swap3A_106 = tpu.vector_load %arg6[%swap3A_104, %swap3A_105] {strides = array<i32>} : memref<5x128xf32, #tpu.memory_space<vmem>>, vector<16xf32>,
      tpu.vector_store %arg6[%swap3A_104, %swap3A_105], %broadcast_in_dim3A_4 {strides = array<i32>} : memref<5x128xf32, #tpu.memory_space<vmem>>, vector<16xf32>,
      %swap3A_107 = arith.constant 3 : i32
      %swap3A_108 = arith.index_cast %swap3A_107 : i32 to index
      %swap3A_109 = arith.constant 0 : index
      %swap3A_110 = tpu.vector_load %arg6[%swap3A_108, %swap3A_109] {strides = array<i32>} : memref<5x128xf32, #tpu.memory_space<vmem>>, vector<16xf32>,
      tpu.vector_store %arg6[%swap3A_108, %swap3A_109], %broadcast_in_dim3A_4 {strides = array<i32>} : memref<5x128xf32, #tpu.memory_space<vmem>>, vector<16xf32>,
      %swap3A_111 = arith.constant 3 : i32
      %swap3A_112 = arith.index_cast %swap3A_111 : i32 to index
      %swap3A_113 = arith.constant 16 : index
      %swap3A_114 = tpu.vector_load %arg6[%swap3A_112, %swap3A_113] {strides = array<i32>} : memref<5x128xf32, #tpu.memory_space<vmem>>, vector<16xf32>,
      tpu.vector_store %arg6[%swap3A_112, %swap3A_113], %broadcast_in_dim3A_4 {strides = array<i32>} : memref<5x128xf32, #tpu.memory_space<vmem>>, vector<16xf32>,
      %swap3A_115 = arith.constant 3 : i32
      %swap3A_116 = arith.index_cast %swap3A_115 : i32 to index
      %swap3A_117 = arith.constant 32 : index
      %swap3A_118 = tpu.vector_load %arg6[%swap3A_116, %swap3A_117] {strides = array<i32>} : memref<5x128xf32, #tpu.memory_space<vmem>>, vector<16xf32>,
      tpu.vector_store %arg6[%swap3A_116, %swap3A_117], %broadcast_in_dim3A_4 {strides = array<i32>} : memref<5x128xf32, #tpu.memory_space<vmem>>, vector<16xf32>,
      %swap3A_119 = arith.constant 3 : i32
      %swap3A_120 = arith.index_cast %swap3A_119 : i32 to index
      %swap3A_121 = arith.constant 48 : index
      %swap3A_122 = tpu.vector_load %arg6[%swap3A_120, %swap3A_121] {strides = array<i32>} : memref<5x128xf32, #tpu.memory_space<vmem>>, vector<16xf32>,
      tpu.vector_store %arg6[%swap3A_120, %swap3A_121], %broadcast_in_dim3A_4 {strides = array<i32>} : memref<5x128xf32, #tpu.memory_space<vmem>>, vector<16xf32>,
      %swap3A_123 = arith.constant 3 : i32
      %swap3A_124 = arith.index_cast %swap3A_123 : i32 to index
      %swap3A_125 = arith.constant 64 : index
      %swap3A_126 = tpu.vector_load %arg6[%swap3A_124, %swap3A_125] {strides = array<i32>} : memref<5x128xf32, #tpu.memory_space<vmem>>, vector<16xf32>,
      tpu.vector_store %arg6[%swap3A_124, %swap3A_125], %broadcast_in_dim3A_4 {strides = array<i32>} : memref<5x128xf32, #tpu.memory_space<vmem>>, vector<16xf32>,
      %swap3A_127 = arith.constant 3 : i32
      %swap3A_128 = arith.index_cast %swap3A_127 : i32 to index
      %swap3A_129 = arith.constant 80 : index
      %swap3A_130 = tpu.vector_load %arg6[%swap3A_128, %swap3A_129] {strides = array<i32>} : memref<5x128xf32, #tpu.memory_space<vmem>>, vector<16xf32>,
      tpu.vector_store %arg6[%swap3A_128, %swap3A_129], %broadcast_in_dim3A_4 {strides = array<i32>} : memref<5x128xf32, #tpu.memory_space<vmem>>, vector<16xf32>,
      %swap3A_131 = arith.constant 3 : i32
      %swap3A_132 = arith.index_cast %swap3A_131 : i32 to index
      %swap3A_133 = arith.constant 96 : index
      %swap3A_134 = tpu.vector_load %arg6[%swap3A_132, %swap3A_133] {strides = array<i32>} : memref<5x128xf32, #tpu.memory_space<vmem>>, vector<16xf32>,
      tpu.vector_store %arg6[%swap3A_132, %swap3A_133], %broadcast_in_dim3A_4 {strides = array<i32>} : memref<5x128xf32, #tpu.memory_space<vmem>>, vector<16xf32>,
      %swap3A_135 = arith.constant 3 : i32
      %swap3A_136 = arith.index_cast %swap3A_135 : i32 to index
      %swap3A_137 = arith.constant 112 : index
      %swap3A_138 = tpu.vector_load %arg6[%swap3A_136, %swap3A_137] {strides = array<i32>} : memref<5x128xf32, #tpu.memory_space<vmem>>, vector<16xf32>,
      tpu.vector_store %arg6[%swap3A_136, %swap3A_137], %broadcast_in_dim3A_4 {strides = array<i32>} : memref<5x128xf32, #tpu.memory_space<vmem>>, vector<16xf32>,
      %swap3A_139 = arith.constant 4 : i32
      %swap3A_140 = arith.index_cast %swap3A_139 : i32 to index
      %swap3A_141 = arith.constant 0 : index
      %swap3A_142 = tpu.vector_load %arg6[%swap3A_140, %swap3A_141] {strides = array<i32>} : memref<5x128xf32, #tpu.memory_space<vmem>>, vector<16xf32>,
      tpu.vector_store %arg6[%swap3A_140, %swap3A_141], %broadcast_in_dim3A_4 {strides = array<i32>} : memref<5x128xf32, #tpu.memory_space<vmem>>, vector<16xf32>,
      %swap3A_143 = arith.constant 4 : i32
      %swap3A_144 = arith.index_cast %swap3A_143 : i32 to index
      %swap3A_145 = arith.constant 16 : index
      %swap3A_146 = tpu.vector_load %arg6[%swap3A_144, %swap3A_145] {strides = array<i32>} : memref<5x128xf32, #tpu.memory_space<vmem>>, vector<16xf32>,
      tpu.vector_store %arg6[%swap3A_144, %swap3A_145], %broadcast_in_dim3A_4 {strides = array<i32>} : memref<5x128xf32, #tpu.memory_space<vmem>>, vector<16xf32>,
      %swap3A_147 = arith.constant 4 : i32
      %swap3A_148 = arith.index_cast %swap3A_147 : i32 to index
      %swap3A_149 = arith.constant 32 : index
      %swap3A_150 = tpu.vector_load %arg6[%swap3A_148, %swap3A_149] {strides = array<i32>} : memref<5x128xf32, #tpu.memory_space<vmem>>, vector<16xf32>,
      tpu.vector_store %arg6[%swap3A_148, %swap3A_149], %broadcast_in_dim3A_4 {strides = array<i32>} : memref<5x128xf32, #tpu.memory_space<vmem>>, vector<16xf32>,
      %swap3A_151 = arith.constant 4 : i32
      %swap3A_152 = arith.index_cast %swap3A_151 : i32 to index
      %swap3A_153 = arith.constant 48 : index
      %swap3A_154 = tpu.vector_load %arg6[%swap3A_152, %swap3A_153] {strides = array<i32>} : memref<5x128xf32, #tpu.memory_space<vmem>>, vector<16xf32>,
      tpu.vector_store %arg6[%swap3A_152, %swap3A_153], %broadcast_in_dim3A_4 {strides = array<i32>} : memref<5x128xf32, #tpu.memory_space<vmem>>, vector<16xf32>,
      %swap3A_155 = arith.constant 4 : i32
      %swap3A_156 = arith.index_cast %swap3A_155 : i32 to index
      %swap3A_157 = arith.constant 64 : index
      %swap3A_158 = tpu.vector_load %arg6[%swap3A_156, %swap3A_157] {strides = array<i32>} : memref<5x128xf32, #tpu.memory_space<vmem>>, vector<16xf32>,
      tpu.vector_store %arg6[%swap3A_156, %swap3A_157], %broadcast_in_dim3A_4 {strides = array<i32>} : memref<5x128xf32, #tpu.memory_space<vmem>>, vector<16xf32>,
      %swap3A_159 = arith.constant 4 : i32
      %swap3A_160 = arith.index_cast %swap3A_159 : i32 to index
      %swap3A_161 = arith.constant 80 : index
      %swap3A_162 = tpu.vector_load %arg6[%swap3A_160, %swap3A_161] {strides = array<i32>} : memref<5x128xf32, #tpu.memory_space<vmem>>, vector<16xf32>,
      tpu.vector_store %arg6[%swap3A_160, %swap3A_161], %broadcast_in_dim3A_4 {strides = array<i32>} : memref<5x128xf32, #tpu.memory_space<vmem>>, vector<16xf32>,
      %swap3A_163 = arith.constant 4 : i32
      %swap3A_164 = arith.index_cast %swap3A_163 : i32 to index
      %swap3A_165 = arith.constant 96 : index
      %swap3A_166 = tpu.vector_load %arg6[%swap3A_164, %swap3A_165] {strides = array<i32>} : memref<5x128xf32, #tpu.memory_space<vmem>>, vector<16xf32>,
      tpu.vector_store %arg6[%swap3A_164, %swap3A_165], %broadcast_in_dim3A_4 {strides = array<i32>} : memref<5x128xf32, #tpu.memory_space<vmem>>, vector<16xf32>,
      %swap3A_167 = arith.constant 4 : i32
      %swap3A_168 = arith.index_cast %swap3A_167 : i32 to index
      %swap3A_169 = arith.constant 112 : index
      %swap3A_170 = tpu.vector_load %arg6[%swap3A_168, %swap3A_169] {strides = array<i32>} : memref<5x128xf32, #tpu.memory_space<vmem>>, vector<16xf32>,
      tpu.vector_store %arg6[%swap3A_168, %swap3A_169], %broadcast_in_dim3A_4 {strides = array<i32>} : memref<5x128xf32, #tpu.memory_space<vmem>>, vector<16xf32>,
      %add3A_171 = arith.constant 0 : i32
      %add3A_172 = vector.broadcast %add3A_171 : i32 to vector<16xi32>
      %add3A_173 = arith.addi %iota3A, %add3A_172 : vector<16xi32>
      %swap3A_174 = arith.constant 0 : index
      %swap3A_175 = tpu.vector_load %arg7[%swap3A_174] {strides = array<i32>} : memref<80xi32, #tpu.memory_space<vmem>>, vector<16xi32>,
      tpu.vector_store %arg7[%swap3A_174], %add3A_173 {strides = array<i32>} : memref<80xi32, #tpu.memory_space<vmem>>, vector<16xi32>,
      %add3A_176 = arith.constant 16 : i32
      %add3A_177 = vector.broadcast %add3A_176 : i32 to vector<16xi32>
      %add3A_178 = arith.addi %iota3A, %add3A_177 : vector<16xi32>
      %swap3A_179 = arith.constant 16 : index
      %swap3A_180 = tpu.vector_load %arg7[%swap3A_179] {strides = array<i32>} : memref<80xi32, #tpu.memory_space<vmem>>, vector<16xi32>,
      tpu.vector_store %arg7[%swap3A_179], %add3A_178 {strides = array<i32>} : memref<80xi32, #tpu.memory_space<vmem>>, vector<16xi32>,
      %add3A_181 = arith.constant 32 : i32
      %add3A_182 = vector.broadcast %add3A_181 : i32 to vector<16xi32>
      %add3A_183 = arith.addi %iota3A, %add3A_182 : vector<16xi32>
      %swap3A_184 = arith.constant 32 : index
      %swap3A_185 = tpu.vector_load %arg7[%swap3A_184] {strides = array<i32>} : memref<80xi32, #tpu.memory_space<vmem>>, vector<16xi32>,
      tpu.vector_store %arg7[%swap3A_184], %add3A_183 {strides = array<i32>} : memref<80xi32, #tpu.memory_space<vmem>>, vector<16xi32>,
      %add3A_186 = arith.constant 48 : i32
      %add3A_187 = vector.broadcast %add3A_186 : i32 to vector<16xi32>
      %add3A_188 = arith.addi %iota3A, %add3A_187 : vector<16xi32>
      %swap3A_189 = arith.constant 48 : index
      %swap3A_190 = tpu.vector_load %arg7[%swap3A_189] {strides = array<i32>} : memref<80xi32, #tpu.memory_space<vmem>>, vector<16xi32>,
      tpu.vector_store %arg7[%swap3A_189], %add3A_188 {strides = array<i32>} : memref<80xi32, #tpu.memory_space<vmem>>, vector<16xi32>,
      %add3A_191 = arith.constant 64 : i32
      %add3A_192 = vector.broadcast %add3A_191 : i32 to vector<16xi32>
      %add3A_193 = arith.addi %iota3A, %add3A_192 : vector<16xi32>
      %swap3A_194 = arith.constant 64 : index
      %swap3A_195 = tpu.vector_load %arg7[%swap3A_194] {strides = array<i32>} : memref<80xi32, #tpu.memory_space<vmem>>, vector<16xi32>,
      tpu.vector_store %arg7[%swap3A_194], %add3A_193 {strides = array<i32>} : memref<80xi32, #tpu.memory_space<vmem>>, vector<16xi32>,
      %scan3A_196 = arith.constant 0 : i32
      %scan3A_197 = arith.constant 0 : i32
      %scan3A_198 = arith.constant 1250 : i32
      %scan3A_199 = arith.addi %scan3A_197, %scan3A_198 : i32
      %scan3A_200 = arith.constant 1 : i32
      scf.for %scan3A_207 = %scan3A_197 to %scan3A_199 step %scan3A_200  : i32 {
        %mul3A_208 = arith.constant 16 : i32
        %mul3A_209 = arith.muli %scan3A_207, %mul3A_208 : i32
        %get3A = arith.index_cast %mul3A_209 : i32 to index
        %get3A_210 = tpu.vector_load %arg4[%get3A] {strides = array<i32>} : memref<20000xi32, #tpu.memory_space<vmem>>, vector<16xi32>,
        %shift_right_logical3A = arith.constant 7 : i32
        %shift_right_logical3A_211 = vector.broadcast %shift_right_logical3A : i32 to vector<16xi32>
        %shift_right_logical3A_212 = arith.shrui %get3A_210, %shift_right_logical3A_211 : vector<16xi32>
        %and3A = arith.constant 127 : i32
        %and3A_213 = vector.broadcast %and3A : i32 to vector<16xi32>
        %and3A_214 = arith.andi %get3A_210, %and3A_213 : vector<16xi32>
        tpu.vector_store_idx %arg5[%shift_right_logical3A_212, %and3A_214], %broadcast_in_dim3A_6 {add = true} : memref<80x128xf32, #tpu.memory_space<vmem>>[vector<16xi32>, vector<16xi32>], vector<16xf32>,
      }
      %scan3A_201 = arith.constant 1250 : i32
      %mul3A_202 = arith.constant 5 : i32
      %mul3A_203 = arith.muli %arg1, %mul3A_202 : i32
      "tpu.region"() ({
        %run_scoped3A = tpu.sem_alloc : memref<!tpu.dma_semaphore, #tpu.memory_space<semaphore_mem>>
        %dma_start3A = arith.constant 0 : i32
        %dma_start3A_207 = tpu.memref_slice %arg8[%mul3A_203, %dma_start3A] : memref<80x128xf32, #tpu.memory_space<vmem_shared>> -> memref<5x128xf32, #tpu.memory_space<vmem_shared>>
        %dma_start3A_208 = arith.constant 0 : i32
        %dma_start3A_209 = tpu.memref_slice %arg8[%mul3A_203, %dma_start3A_208] : memref<80x128xf32, #tpu.memory_space<vmem_shared>> -> memref<5x128xf32, #tpu.memory_space<vmem_shared>>
        tpu.enqueue_dma source(%arg6 : memref<5x128xf32, #tpu.memory_space<vmem>>) target(%dma_start3A_209 : memref<5x128xf32, #tpu.memory_space<vmem_shared>>) target_semaphore(%run_scoped3A : memref<!tpu.dma_semaphore, #tpu.memory_space<semaphore_mem>>)
        %dma_wait3A = arith.constant 0 : i32
        %dma_wait3A_210 = tpu.memref_slice %arg8[%mul3A_203, %dma_wait3A] : memref<80x128xf32, #tpu.memory_space<vmem_shared>> -> memref<5x128xf32, #tpu.memory_space<vmem_shared>>
        %dma_wait3A_211 = arith.constant 0 : i32
        %dma_wait3A_212 = tpu.memref_slice %arg8[%mul3A_203, %dma_wait3A_211] : memref<80x128xf32, #tpu.memory_space<vmem_shared>> -> memref<5x128xf32, #tpu.memory_space<vmem_shared>>
        tpu.wait_dma2 semaphore(%run_scoped3A : memref<!tpu.dma_semaphore, #tpu.memory_space<semaphore_mem>>) src(%arg6 : memref<5x128xf32, #tpu.memory_space<vmem>>) dst(%dma_wait3A_212 : memref<5x128xf32, #tpu.memory_space<vmem_shared>>)
        tpu.yield
      }) : () -> ()
      %barrier3A = arith.constant 0 : index
      tpu.barrier barrier_id(%barrier3A)
      "tpu.region"() ({
        %run_scoped3A = tpu.sem_alloc : memref<!tpu.dma_semaphore, #tpu.memory_space<semaphore_mem>>
        %dma_start3A = arith.constant 0 : i32
        %dma_start3A_207 = arith.constant 0 : i32
        %dma_start3A_208 = tpu.memref_slice %arg8[%dma_start3A, %dma_start3A_207] : memref<80x128xf32, #tpu.memory_space<vmem_shared>> -> memref<80x128xf32, #tpu.memory_space<vmem_shared>>
        tpu.enqueue_indirect_dma source(%arg5 : memref<80x128xf32, #tpu.memory_space<vmem>>) target(%dma_start3A_208 : memref<80x128xf32, #tpu.memory_space<vmem_shared>>) offsets(%arg7 : memref<80xi32, #tpu.memory_space<vmem>>) semaphore(%run_scoped3A : memref<!tpu.dma_semaphore, #tpu.memory_space<semaphore_mem>>) {add = true}
        %dma_wait3A = arith.constant 0 : i32
        %dma_wait3A_209 = arith.constant 0 : i32
        %dma_wait3A_210 = tpu.memref_slice %arg8[%dma_wait3A, %dma_wait3A_209] : memref<80x128xf32, #tpu.memory_space<vmem_shared>> -> memref<80x128xf32, #tpu.memory_space<vmem_shared>>
        tpu.wait_indirect_dma semaphore(%run_scoped3A : memref<!tpu.dma_semaphore, #tpu.memory_space<semaphore_mem>>) src(%arg5 : memref<80x128xf32, #tpu.memory_space<vmem>>) dst(%dma_wait3A_210 : memref<80x128xf32, #tpu.memory_space<vmem_shared>>)
        tpu.yield
      }) : () -> ()
      %barrier3A_204 = arith.constant 0 : index
      tpu.barrier barrier_id(%barrier3A_204)
      %mul3A_205 = arith.constant 5 : i32
      %mul3A_206 = arith.muli %arg1, %mul3A_205 : i32
      "tpu.region"() ({
        %run_scoped3A = tpu.sem_alloc : memref<!tpu.dma_semaphore, #tpu.memory_space<semaphore_mem>>
        %dma_start3A = arith.constant 0 : i32
        %dma_start3A_207 = tpu.memref_slice %arg8[%mul3A_206, %dma_start3A] : memref<80x128xf32, #tpu.memory_space<vmem_shared>> -> memref<5x128xf32, #tpu.memory_space<vmem_shared>>
        %dma_start3A_208 = arith.constant 0 : i32
        %dma_start3A_209 = tpu.memref_slice %arg8[%mul3A_206, %dma_start3A_208] : memref<80x128xf32, #tpu.memory_space<vmem_shared>> -> memref<5x128xf32, #tpu.memory_space<vmem_shared>>
        tpu.enqueue_dma source(%dma_start3A_209 : memref<5x128xf32, #tpu.memory_space<vmem_shared>>) target(%arg6 : memref<5x128xf32, #tpu.memory_space<vmem>>) target_semaphore(%run_scoped3A : memref<!tpu.dma_semaphore, #tpu.memory_space<semaphore_mem>>)
        %dma_wait3A = arith.constant 0 : i32
        %dma_wait3A_210 = tpu.memref_slice %arg8[%mul3A_206, %dma_wait3A] : memref<80x128xf32, #tpu.memory_space<vmem_shared>> -> memref<5x128xf32, #tpu.memory_space<vmem_shared>>
        %dma_wait3A_211 = arith.constant 0 : i32
        %dma_wait3A_212 = tpu.memref_slice %arg8[%mul3A_206, %dma_wait3A_211] : memref<80x128xf32, #tpu.memory_space<vmem_shared>> -> memref<5x128xf32, #tpu.memory_space<vmem_shared>>
        tpu.wait_dma2 semaphore(%run_scoped3A : memref<!tpu.dma_semaphore, #tpu.memory_space<semaphore_mem>>) src(%dma_wait3A_212 : memref<5x128xf32, #tpu.memory_space<vmem_shared>>) dst(%arg6 : memref<5x128xf32, #tpu.memory_space<vmem>>)
        tpu.yield
      }) : () -> ()
      "tpu.region"() ({
        %run_scoped3A = tpu.sem_alloc : memref<!tpu.dma_semaphore, #tpu.memory_space<semaphore_mem>>
        %dma_start3A = arith.constant 0 : i32
        %dma_start3A_207 = arith.constant 0 : i32
        %dma_start3A_208 = tpu.memref_slice %arg3[%arg1, %dma_start3A, %dma_start3A_207] : memref<16x5x128xf32, #tpu.memory_space<hbm>> -> memref<1x5x128xf32, #tpu.memory_space<hbm>>
        %dma_start3A_209 = tpu.memref_squeeze %dma_start3A_208 : memref<1x5x128xf32, #tpu.memory_space<hbm>> -> memref<5x128xf32, #tpu.memory_space<hbm>>
        %dma_start3A_210 = arith.constant 0 : i32
        %dma_start3A_211 = arith.constant 0 : i32
        %dma_start3A_212 = tpu.memref_slice %arg3[%arg1, %dma_start3A_210, %dma_start3A_211] : memref<16x5x128xf32, #tpu.memory_space<hbm>> -> memref<1x5x128xf32, #tpu.memory_space<hbm>>
        %dma_start3A_213 = tpu.memref_squeeze %dma_start3A_212 : memref<1x5x128xf32, #tpu.memory_space<hbm>> -> memref<5x128xf32, #tpu.memory_space<hbm>>
        tpu.enqueue_dma source(%arg6 : memref<5x128xf32, #tpu.memory_space<vmem>>) target(%dma_start3A_213 : memref<5x128xf32, #tpu.memory_space<hbm>>) target_semaphore(%run_scoped3A : memref<!tpu.dma_semaphore, #tpu.memory_space<semaphore_mem>>)
        %dma_wait3A = arith.constant 0 : i32
        %dma_wait3A_214 = arith.constant 0 : i32
        %dma_wait3A_215 = tpu.memref_slice %arg3[%arg1, %dma_wait3A, %dma_wait3A_214] : memref<16x5x128xf32, #tpu.memory_space<hbm>> -> memref<1x5x128xf32, #tpu.memory_space<hbm>>
        %dma_wait3A_216 = tpu.memref_squeeze %dma_wait3A_215 : memref<1x5x128xf32, #tpu.memory_space<hbm>> -> memref<5x128xf32, #tpu.memory_space<hbm>>
        %dma_wait3A_217 = arith.constant 0 : i32
        %dma_wait3A_218 = arith.constant 0 : i32
        %dma_wait3A_219 = tpu.memref_slice %arg3[%arg1, %dma_wait3A_217, %dma_wait3A_218] : memref<16x5x128xf32, #tpu.memory_space<hbm>> -> memref<1x5x128xf32, #tpu.memory_space<hbm>>
        %dma_wait3A_220 = tpu.memref_squeeze %dma_wait3A_219 : memref<1x5x128xf32, #tpu.memory_space<hbm>> -> memref<5x128xf32, #tpu.memory_space<hbm>>
        tpu.wait_dma2 semaphore(%run_scoped3A : memref<!tpu.dma_semaphore, #tpu.memory_space<semaphore_mem>>) src(%arg6 : memref<5x128xf32, #tpu.memory_space<vmem>>) dst(%dma_wait3A_220 : memref<5x128xf32, #tpu.memory_space<hbm>>)
        tpu.yield
      }) : () -> ()
    } else {
    }
    return
  }
}

module attributes {stable_mosaic.version = 14 : i64} {
  func.func @_scale_body(%arg0: i32, %arg1: memref<1000x128xf32, #tpu.memory_space<vmem>>, %arg2: memref<1000x1xf32, #tpu.memory_space<vmem>>, %arg3: memref<1000x64xf32, #tpu.memory_space<vmem>>, %arg4: memref<1000x64xf32, #tpu.memory_space<vmem>>) attributes {dimension_semantics = [#tpu.dimension_semantics<arbitrary>], iteration_bounds = array<i64: 10>, scalar_prefetch = 0 : i64, scratch_operands = 0 : i64, tpu.core_type = #tpu.core_type<tc>, window_params = [{transform_indices = @transform_0, window_bounds = array<i64: 1000, 128>}, {transform_indices = @transform_1, window_bounds = array<i64: 1000, 1>}, {transform_indices = @transform_2, window_bounds = array<i64: 1000, 64>}, {transform_indices = @transform_3, window_bounds = array<i64: 1000, 64>}]} {
    %get3A = arith.constant 0 : index
    %get3A_0 = arith.constant 0 : index
    %get3A_1 = vector.load %arg1[%get3A, %get3A_0] : memref<1000x128xf32, #tpu.memory_space<vmem>>, vector<1000x128xf32>
    %get3A_2 = arith.constant 0 : index
    %get3A_3 = arith.constant 0 : index
    %get3A_4 = vector.load %arg2[%get3A_2, %get3A_3] : memref<1000x1xf32, #tpu.memory_space<vmem>>, vector<1000x1xf32>
    %gt3A = arith.constant 0.000000e+00 : f32
    %gt3A_5 = vector.broadcast %gt3A : f32 to vector<1000x1xf32>
    %gt3A_6 = arith.cmpf ogt, %get3A_4, %gt3A_5 : vector<1000x1xf32>
    %rsqrt3A = math.rsqrt %get3A_4 : vector<1000x1xf32>
    %jit3A = arith.constant 0.000000e+00 : f32
    %broadcast_in_dim3A = vector.broadcast %jit3A : f32 to vector<1000x1xf32>
    %select_n3A = arith.select %gt3A_6, %rsqrt3A, %broadcast_in_dim3A : vector<1000x1xi1>, vector<1000x1xf32>
    %mul3A = vector.broadcast %select_n3A : vector<1000x1xf32> to vector<1000x128xf32>
    %mul3A_7 = arith.mulf %get3A_1, %mul3A : vector<1000x128xf32>
    %slice3A = vector.extract_strided_slice %mul3A_7 {offsets = [0, 0], sizes = [1000, 64], strides = [1, 1]} : vector<1000x128xf32> to vector<1000x64xf32>
    %swap3A = arith.constant 0 : index
    %swap3A_8 = arith.constant 0 : index
    %swap3A_9 = vector.load %arg3[%swap3A, %swap3A_8] : memref<1000x64xf32, #tpu.memory_space<vmem>>, vector<1000x64xf32>
    tpu.vector_store %arg3[%swap3A, %swap3A_8], %slice3A {strides = array<i32>} : memref<1000x64xf32, #tpu.memory_space<vmem>>, vector<1000x64xf32>,
    %slice3A_10 = vector.extract_strided_slice %mul3A_7 {offsets = [0, 64], sizes = [1000, 64], strides = [1, 1]} : vector<1000x128xf32> to vector<1000x64xf32>
    %swap3A_11 = arith.constant 0 : index
    %swap3A_12 = arith.constant 0 : index
    %swap3A_13 = vector.load %arg4[%swap3A_11, %swap3A_12] : memref<1000x64xf32, #tpu.memory_space<vmem>>, vector<1000x64xf32>
    tpu.vector_store %arg4[%swap3A_11, %swap3A_12], %slice3A_10 {strides = array<i32>} : memref<1000x64xf32, #tpu.memory_space<vmem>>, vector<1000x64xf32>,
    return
  }
  func.func @transform_0(%arg0: i32) -> (i32, i32) {
    %c0_i32 = arith.constant 0 : i32
    %c0_i32_0 = arith.constant 0 : i32
    return %arg0, %c0_i32 : i32, i32
  }
  func.func @transform_1(%arg0: i32) -> (i32, i32) {
    %c0_i32 = arith.constant 0 : i32
    %c0_i32_0 = arith.constant 0 : i32
    return %arg0, %c0_i32 : i32, i32
  }
  func.func @transform_2(%arg0: i32) -> (i32, i32) {
    %c0_i32 = arith.constant 0 : i32
    %c0_i32_0 = arith.constant 0 : i32
    return %arg0, %c0_i32 : i32, i32
  }
  func.func @transform_3(%arg0: i32) -> (i32, i32) {
    %c0_i32 = arith.constant 0 : i32
    %c0_i32_0 = arith.constant 0 : i32
    return %arg0, %c0_i32 : i32, i32
  }
}

module attributes {stable_mosaic.version = 14 : i64} {
  func.func @_comb_body(%arg0: i32, %arg1: memref<1x1000x64xf32, #tpu.memory_space<vmem>>, %arg2: memref<1x1000x64xf32, #tpu.memory_space<vmem>>, %arg3: memref<1x1000x64xf32, #tpu.memory_space<vmem>>, %arg4: memref<1x1000x64xf32, #tpu.memory_space<vmem>>, %arg5: memref<1000x128xf32, #tpu.memory_space<vmem>>, %arg6: memref<1000x1xf32, #tpu.memory_space<vmem>>, %arg7: memref<1x1xf32, #tpu.memory_space<vmem>>, %arg8: memref<1000x128xf32, #tpu.memory_space<vmem>>) attributes {dimension_semantics = [#tpu.dimension_semantics<arbitrary>], iteration_bounds = array<i64: 10>, scalar_prefetch = 0 : i64, scratch_operands = 0 : i64, tpu.core_type = #tpu.core_type<tc>, window_params = [{transform_indices = @transform_0, window_bounds = array<i64: 1, 1000, 64>}, {transform_indices = @transform_1, window_bounds = array<i64: 1, 1000, 64>}, {transform_indices = @transform_2, window_bounds = array<i64: 1, 1000, 64>}, {transform_indices = @transform_3, window_bounds = array<i64: 1, 1000, 64>}, {transform_indices = @transform_4, window_bounds = array<i64: 1000, 128>}, {transform_indices = @transform_5, window_bounds = array<i64: 1000, 1>}, {pipeline_mode = #tpu.pipeline_mode<synchronous>, transform_indices = @transform_6, window_bounds = array<i64: 1, 1>}, {transform_indices = @transform_7, window_bounds = array<i64: 1000, 128>}]} {
    %get3A = arith.constant 0 : index
    %get3A_0 = arith.constant 0 : index
    %get3A_1 = vector.load %arg6[%get3A, %get3A_0] : memref<1000x1xf32, #tpu.memory_space<vmem>>, vector<1000x1xf32>
    %gt3A = arith.constant 0.000000e+00 : f32
    %gt3A_2 = vector.broadcast %gt3A : f32 to vector<1000x1xf32>
    %gt3A_3 = arith.cmpf ogt, %get3A_1, %gt3A_2 : vector<1000x1xf32>
    %rsqrt3A = math.rsqrt %get3A_1 : vector<1000x1xf32>
    %jit3A = arith.constant 0.000000e+00 : f32
    %broadcast_in_dim3A = vector.broadcast %jit3A : f32 to vector<1000x1xf32>
    %select_n3A = arith.select %gt3A_3, %rsqrt3A, %broadcast_in_dim3A : vector<1000x1xi1>, vector<1000x1xf32>
    %get3A_4 = arith.constant 0 : index
    %get3A_5 = arith.constant 0 : index
    %get3A_6 = vector.load %arg7[%get3A_4, %get3A_5] : memref<1x1xf32, #tpu.memory_space<vmem>>, vector<1x1xf32>
    %get3A_7 = vector.extract %get3A_6[0, 0] : f32 from vector<1x1xf32>
    %add3A = arith.constant 1.000000e+00 : f32
    %add3A_8 = arith.addf %add3A, %get3A_7 : f32
    %get3A_9 = arith.constant 0 : index
    %get3A_10 = arith.constant 0 : index
    %get3A_11 = arith.constant 0 : index
    %get3A_12 = vector.load %arg1[%get3A_9, %get3A_10, %get3A_11] : memref<1x1000x64xf32, #tpu.memory_space<vmem>>, vector<1x1000x64xf32>
    %get3A_13 = vector.shape_cast %get3A_12 : vector<1x1000x64xf32> to vector<1000x64xf32>
    %get3A_14 = arith.constant 0 : index
    %get3A_15 = arith.constant 0 : index
    %get3A_16 = arith.constant 0 : index
    %get3A_17 = vector.load %arg2[%get3A_14, %get3A_15, %get3A_16] : memref<1x1000x64xf32, #tpu.memory_space<vmem>>, vector<1x1000x64xf32>
    %get3A_18 = vector.shape_cast %get3A_17 : vector<1x1000x64xf32> to vector<1000x64xf32>
    %add3A_19 = arith.addf %get3A_13, %get3A_18 : vector<1000x64xf32>
    %mul3A = vector.broadcast %select_n3A : vector<1000x1xf32> to vector<1000x64xf32>
    %mul3A_20 = arith.mulf %mul3A, %add3A_19 : vector<1000x64xf32>
    %get3A_21 = arith.constant 0 : index
    %get3A_22 = arith.constant 0 : index
    %get3A_23 = arith.constant 0 : index
    %get3A_24 = vector.load %arg3[%get3A_21, %get3A_22, %get3A_23] : memref<1x1000x64xf32, #tpu.memory_space<vmem>>, vector<1x1000x64xf32>
    %get3A_25 = vector.shape_cast %get3A_24 : vector<1x1000x64xf32> to vector<1000x64xf32>
    %get3A_26 = arith.constant 0 : index
    %get3A_27 = arith.constant 0 : index
    %get3A_28 = arith.constant 0 : index
    %get3A_29 = vector.load %arg4[%get3A_26, %get3A_27, %get3A_28] : memref<1x1000x64xf32, #tpu.memory_space<vmem>>, vector<1x1000x64xf32>
    %get3A_30 = vector.shape_cast %get3A_29 : vector<1x1000x64xf32> to vector<1000x64xf32>
    %add3A_31 = arith.addf %get3A_25, %get3A_30 : vector<1000x64xf32>
    %mul3A_32 = vector.broadcast %select_n3A : vector<1000x1xf32> to vector<1000x64xf32>
    %mul3A_33 = arith.mulf %mul3A_32, %add3A_31 : vector<1000x64xf32>
    %concatenate3A = tpu.concatenate %mul3A_20, %mul3A_33 in 1 : vector<1000x64xf32>, vector<1000x64xf32> -> vector<1000x128xf32>
    %get3A_34 = arith.constant 0 : index
    %get3A_35 = arith.constant 0 : index
    %get3A_36 = vector.load %arg5[%get3A_34, %get3A_35] : memref<1000x128xf32, #tpu.memory_space<vmem>>, vector<1000x128xf32>
    %mul3A_37 = vector.broadcast %add3A_8 : f32 to vector<1000x128xf32>
    %mul3A_38 = arith.mulf %mul3A_37, %get3A_36 : vector<1000x128xf32>
    %add3A_39 = arith.addf %concatenate3A, %mul3A_38 : vector<1000x128xf32>
    %swap3A = arith.constant 0 : index
    %swap3A_40 = arith.constant 0 : index
    %swap3A_41 = vector.load %arg8[%swap3A, %swap3A_40] : memref<1000x128xf32, #tpu.memory_space<vmem>>, vector<1000x128xf32>
    tpu.vector_store %arg8[%swap3A, %swap3A_40], %add3A_39 {strides = array<i32>} : memref<1000x128xf32, #tpu.memory_space<vmem>>, vector<1000x128xf32>,
    return
  }
  func.func @transform_0(%arg0: i32) -> (i32, i32, i32) {
    %c0_i32 = arith.constant 0 : i32
    %c0_i32_0 = arith.constant 0 : i32
    %c0_i32_1 = arith.constant 0 : i32
    return %c0_i32, %arg0, %c0_i32_0 : i32, i32, i32
  }
  func.func @transform_1(%arg0: i32) -> (i32, i32, i32) {
    %c1_i32 = arith.constant 1 : i32
    %c0_i32 = arith.constant 0 : i32
    %c0_i32_0 = arith.constant 0 : i32
    return %c1_i32, %arg0, %c0_i32 : i32, i32, i32
  }
  func.func @transform_2(%arg0: i32) -> (i32, i32, i32) {
    %c0_i32 = arith.constant 0 : i32
    %c0_i32_0 = arith.constant 0 : i32
    %c0_i32_1 = arith.constant 0 : i32
    return %c0_i32, %arg0, %c0_i32_0 : i32, i32, i32
  }
  func.func @transform_3(%arg0: i32) -> (i32, i32, i32) {
    %c1_i32 = arith.constant 1 : i32
    %c0_i32 = arith.constant 0 : i32
    %c0_i32_0 = arith.constant 0 : i32
    return %c1_i32, %arg0, %c0_i32 : i32, i32, i32
  }
  func.func @transform_4(%arg0: i32) -> (i32, i32) {
    %c0_i32 = arith.constant 0 : i32
    %c0_i32_0 = arith.constant 0 : i32
    return %arg0, %c0_i32 : i32, i32
  }
  func.func @transform_5(%arg0: i32) -> (i32, i32) {
    %c0_i32 = arith.constant 0 : i32
    %c0_i32_0 = arith.constant 0 : i32
    return %arg0, %c0_i32 : i32, i32
  }
  func.func @transform_6(%arg0: i32) -> (i32, i32) {
    %c0_i32 = arith.constant 0 : i32
    %c0_i32_0 = arith.constant 0 : i32
    %c0_i32_1 = arith.constant 0 : i32
    return %c0_i32, %c0_i32_0 : i32, i32
  }
  func.func @transform_7(%arg0: i32) -> (i32, i32) {
    %c0_i32 = arith.constant 0 : i32
    %c0_i32_0 = arith.constant 0 : i32
    return %arg0, %c0_i32 : i32, i32
  }
}

</mosaic_0001>

<sc_bundles>
// kernel: kernel.10.cloned.1.call-start
scs
__scs_entry_jumppad:
0x0: {  	(pc) =	sbr.rel $0x88, $3  }
0x1: {  	(tag) =	ssettag $0x0;
	lr =	simm.s32 $0x1  }
0x2: {  	[smem:$0x3F9E] =	sst lr;
	_ =	strace $0xD0000000  }
0x3: {  	_ = 	snop  }
0x4: {  	_ = 	snop  }
0x5: {  	_ = 	snop  }
0x6: {  	_ = 	snop  }
0x7: {  	_ = 	snop  }
__scs_overlays_trampoline_lowered:
0x8: {  	[smem:$0x3FAD] =	sst s0  }
0x9: {  	[smem:$0x3FAE] =	sst s1  }
0xa: {  	[smem:$0x3FAF] =	sst s2  }
0xb: {  	[smem:$0x3FB0] =	sst s3  }
0xc: {  	[smem:$0x3FB1] =	sst s4  }
0xd: {  	[smem:$0x3FB2] =	sst s5  }
0xe: {  	[smem:$0x3FB3] =	sst s6  }
0xf: {  	[smem:$0x3FB4] =	sst s7  }
0x10: {  	[smem:$0x3FB5] =	sst s8  }
0x11: {  	[smem:$0x3FB6] =	sst s9;
	s0 =	simm.s32 @!p0 $0x0  }
0x12: {  	s1 =	sld [smem:$0x3F9C];
	s0 =	simm.s32 @p0 $0x1  }
0x13: {  	[smem:$0x3FB7] =	sst s0;
	s0 =	simm.s32 @!p1 $0x0  }
0x14: {  	s2 =	sld [smem:$0x3F9B];
	s0 =	simm.s32 @p1 $0x1  }
0x15: {  	[smem:$0x3FB8] =	sst s0;
	s0 =	simm.s32 @!p2 $0x0  }
0x16: {  	s3 =	sld [smem:$0x3FDB];
	s0 =	simm.s32 @p2 $0x1  }
0x17: {  	s4 =	simm.s32 $0x1BF5;
	[smem:$0x3FBA] =	sst s0  }
0x18: {  	s0 =	sld [smem:$0x3F9D];
	_ =	swait.ge [sflag:s4], $0x0  }
0x19: {  	s7 =	sld [smem:$0x3F9E]  }
0x1a: {  	s8 =	sadd.s32 $0xFFFFE003, lr  }
0x1b: {  	s9 =	sadd.s32 $0xFFFFFEF7, lr;
	s5 =	simm.s32 $0xFFFFFFFF;
	p2 =	slt.u32 s8, $0xFFFFF086  }
0x1c: {  	p1 =	slt.u32 s9, $0xF7A;
	s5 =	simm.s32 @!p2 $0x0  }
0x1d: {  	s5 =	simm.s32 @p1 $0x1;
	p0 =	seq.s32 s7, s2  }
0x1e: {  	s7 =	smul.u32 @!p0 $0xF7A, s2;
	p2 =	seq.s32 @!p0 s5, $0x0  }
0x1f: {  	s9 =	smul.u32 $0xF7A, s1;
	s8 =	simm.s32 @!p0 $0x1BF5;
	p2 =	por !p2, p0  }
0x20: {  	[sflag:s8] =	ssyncset.s32 @!p0 $0xFFFFF086;
	s6 =	sadd.s32 @!p0 s3, s7;
	s7 =	simm.s32 @!p0 $0x108  }
0x21: {  	s3 =	sadd.s32 s3, s9;
	s6 =	sadd.s32 @!p0 $0x88, s6;
	s7 =	simm.s32 @p2 $0x1082  }
0x22: {  	[simem:s7], [sflag:s8] =	dma.local @!p0 [hbm:s6], $0xF7A  }
0x23: {  	s9 =	sor.u32 $0xD0000000, s2;
	s6 =	simm.s32 $0x108;
	_ =	swait.ge @!p0 [sflag:s8], $0x0  }
0x24: {  	s3 =	sadd.s32 $0x88, s3;
	s6 =	simm.s32 @!p1 $0x1082;
	[sflag:s4] =	ssyncset.s32 $0xFFFFF086  }
0x25: {  	[simem:s6], [sflag:s4] =	dma.local [hbm:s3], $0xF7A  }
0x26: {  	[smem:$0x3F9E] =	sst s1;
	(tag) =	ssettag s2;
	_ =	strace s9  }
0x27: {  	s1 =	sld [smem:$0x3FAE]  }
0x28: {  	s2 =	sld [smem:$0x3FAF]  }
0x29: {  	s4 =	sld [smem:$0x3FB1]  }
0x2a: {  	p0 =	seq.s32 s5, $0x0;
	s5 =	sld [smem:$0x3FB2]  }
0x2b: {  	s6 =	sld [smem:$0x3FB3]  }
0x2c: {  	s7 =	sld [smem:$0x3FB4]  }
0x2d: {  	s3 =	simm.s32 $0x108;
	s8 =	sld [smem:$0x3FB5]  }
0x2e: {  	s3 =	simm.s32 @!p0 $0x1082;
	s9 =	sld [smem:$0x3FB6]  }
0x2f: {  	lr =	sadd.s32 s0, s3;
	s0 =	sld [smem:$0x3FAD]  }
0x30: {  	s3 =	sld [smem:$0x3FB0]  }
0x31: {  	[smem:$0x3FB9] =	sst s10  }
0x32: {  	s10 =	sld [smem:$0x3FB7];
	_ =	sdelay $0x3  }
0x33: {  	p0 =	seq.s32 s10, $0x1;
	s10 =	sld [smem:$0x3FB9];
	_ =	sdelay $0x3  }
0x34: {  	[smem:$0x3FB9] =	sst s10  }
0x35: {  	s10 =	sld [smem:$0x3FB8];
	_ =	sdelay $0x3  }
0x36: {  	p1 =	seq.s32 s10, $0x1;
	s10 =	sld [smem:$0x3FB9];
	_ =	sdelay $0x3  }
0x37: {  	[smem:$0x3FB9] =	sst s10  }
0x38: {  	s10 =	sld [smem:$0x3FBA]  }
0x39: {  	_ = 	snop;
	(pc) =	sbr.ind lr, $3  }
0x3a: {  	_ = 	snop  }
0x3b: {  	_ = 	snop  }
0x3c: {  	p2 =	seq.s32 s10, $0x1;
	s10 =	sld [smem:$0x3FB9]  }
0x3d: {  	_ =	shalt  }
0x3e: {  	_ =	shalt  }
0x3f: {  	_ =	shalt  }
0x40: {  	_ =	shalt  }
0x41: {  	_ =	shalt  }
0x42: {  	_ =	shalt  }
0x43: {  	_ =	shalt  }
0x44: {  	_ =	shalt  }
0x45: {  	_ =	shalt  }
0x46: {  	_ =	shalt  }
0x47: {  	_ =	shalt  }
0x48: {  	_ =	shalt  }
0x49: {  	_ =	shalt  }
0x4a: {  	_ =	shalt  }
0x4b: {  	_ =	shalt  }
0x4c: {  	_ =	shalt  }
0x4d: {  	_ =	shalt  }
0x4e: {  	_ =	shalt  }
0x4f: {  	_ =	shalt  }
0x50: {  	_ =	shalt  }
0x51: {  	_ =	shalt  }
0x52: {  	_ =	shalt  }
0x53: {  	_ =	shalt  }
0x54: {  	_ =	shalt  }
0x55: {  	_ =	shalt  }
0x56: {  	_ =	shalt  }
0x57: {  	_ =	shalt  }
0x58: {  	_ =	shalt  }
0x59: {  	_ =	shalt  }
0x5a: {  	_ =	shalt  }
0x5b: {  	_ =	shalt  }
0x5c: {  	_ =	shalt  }
0x5d: {  	_ =	shalt  }
0x5e: {  	_ =	shalt  }
0x5f: {  	_ =	shalt  }
0x60: {  	_ =	shalt  }
0x61: {  	_ =	shalt  }
0x62: {  	_ =	shalt  }
0x63: {  	_ =	shalt  }
0x64: {  	_ =	shalt  }
0x65: {  	_ =	shalt  }
0x66: {  	_ =	shalt  }
0x67: {  	_ =	shalt  }
0x68: {  	_ =	shalt  }
0x69: {  	_ =	shalt  }
0x6a: {  	_ =	shalt  }
0x6b: {  	_ =	shalt  }
0x6c: {  	_ =	shalt  }
0x6d: {  	_ =	shalt  }
0x6e: {  	_ =	shalt  }
0x6f: {  	_ =	shalt  }
0x70: {  	_ =	shalt  }
0x71: {  	_ =	shalt  }
0x72: {  	_ =	shalt  }
0x73: {  	_ =	shalt  }
0x74: {  	_ =	shalt  }
0x75: {  	_ =	shalt  }
0x76: {  	_ =	shalt  }
0x77: {  	_ =	shalt  }
0x78: {  	_ =	shalt  }
0x79: {  	_ =	shalt  }
0x7a: {  	_ =	shalt  }
0x7b: {  	_ =	shalt  }
0x7c: {  	_ =	shalt  }
0x7d: {  	_ =	shalt  }
0x7e: {  	_ =	shalt  }
0x7f: {  	_ =	shalt  }
0x80: {  	_ =	shalt  }
0x81: {  	_ =	shalt  }
0x82: {  	_ =	shalt  }
0x83: {  	_ =	shalt  }
0x84: {  	_ =	shalt  }
0x85: {  	_ =	shalt  }
0x86: {  	_ =	shalt  }
0x87: {  	_ =	shalt  }
.Lfunc_end0:
.L_simem_size_0:
called_computation.1_lowered:
.L_overlay_start_0:
0x88: {  	s2 =	sld [smem:$0x3FD9]  }
0x89: {  	s3 =	sld [smem:$0x3FFE];
	_ =	sdelay $0x1  }
0x8a: {  	s1 =	srdreg.scid  }
0x8b: {  	s0 =	sand.u32 $0x1, s1  }
0x8c: {  	s17 =	sshll.u32 s0, $0xA;
	s2 =	sadd.s32 s3, s2  }
0x8d: {  	s2 =	sadd.s32 s2, s17  }
0x8e: {  	[smem:$0x3FC5] =	sst s2  }
0x8f: {  	_ = 	snop  }
0x90: {  	s18 =	sld [smem:$0x3FD0];
	(tm) =	ssettm $0x1  }
0x91: {  	s19 =	sld [smem:$0x3FFB];
	_ =	sdelay $0x3  }
0x92: {  	_ =	strace s19  }
0x93: {  	s2 =	sld [smem:$0x3FFC];
	_ =	sdelay $0x3  }
0x94: {  	_ =	strace s2  }
0x95: {  	s2 =	sld [smem:$0x3FFD];
	_ =	sdelay $0x3  }
0x96: {  	_ =	strace s2  }
0x97: {  	_ =	strace $0x8FFFFFFF  }
0x98: {  	s20 =	sld [smem:$0x3FDB];
	_ =	sdelay $0x1  }
0x99: {  	s4 =	simm.s32 $_scs_section_size  }
0x9a: {  	s5 =	simm.s32 $_size__tile_overlayer_lowered;
	s6 =	simm.s32 $_tile_overlayer_lowered  }
0x9b: {  	s7 =	simm.s32 $0x1BFF;
	s21 =	sshll.u32 s6, $0x1;
	s4 =	sadd.s32 s4, s20  }
0x9c: {  	s22 =	simm.s32 $0x0;
	s5 =	sshll.u32 s5, $0x1;
	s6 =	sadd.s32 s21, s4  }
0x9d: {  	[timem:s22], [sflag:s7] =	dma.local [hbm:s6], s5  }
0x9e: {  	_ =	swait.ge [sflag:s7], s5  }
0x9f: {  	s5 =	ssub.s32 $0x0, s5;
	[sflag:s7] =	ssyncset.done $0x0  }
0xa0: {  	[sflag:s7] =	ssyncadd.s32 s5;
	_ =	sdelay $0x1  }
0xa1: {  	s23 =	simm.s32 $0x1B8B  }
0xa2: {  	_ =	swait.ge [sflag:s23], $0x1  }
0xa3: {  	[sflag:s23] =	ssyncset.done $0x0  }
0xa4: {  	[sflag:s23] =	ssyncadd.s32 $0xFFFFFFFF  }
0xa5: {  	s5 =	sld [smem:$0x0]  }
0xa6: {  	s6 =	sand.u32 $0xFFFFFFFE, s1  }
0xa7: {  	p0 =	sne.s32 s1, s6  }
0xa8: {  	s6 =	sshll.u32 @p0 s6, $0xE  }
0xa9: {  	s6 =	sadd.s32 @p0 $0x11B8D, s6;
	s7 =	sshll.u32 @p0 s5, $0x11  }
0xaa: {  	s6 =	sor.u32 @p0 s7, s6  }
0xab: {  	[sflag:s6] =	ssyncadd.remote.s32 @p0 $0x1;
	_ =	sdelay $0x1  }
0xac: {  	s6 =	simm.s32 @p0 $0x1B8D  }
0xad: {  	_ =	swait.eq @p0 [sflag:s6], $0x1  }
0xae: {  	[sflag:s6] =	ssyncadd.s32 @p0 $0xFFFFFFFF  }
0xaf: {  	s7 =	sshll.u32 @!p0 s1, $0xE  }
0xb0: {  	s7 =	sor.u32 @!p0 $0x4000, s7;
	s6 =	simm.s32 @!p0 $0x1B8D  }
0xb1: {  	s5 =	sshll.u32 @!p0 s5, $0x11;
	s7 =	sadd.s32 @!p0 $0x11B8D, s7;
	_ =	swait.eq @!p0 [sflag:s6], $0x1  }
0xb2: {  	s5 =	sor.u32 @!p0 s5, s7;
	[sflag:s6] =	ssyncadd.s32 @!p0 $0xFFFFFFFF  }
0xb3: {  	s25 =	simm.s32 $0x1B8E;
	s24 =	sld [smem:$0x3FFE];
	[sflag:s5] =	ssyncadd.remote.s32 @!p0 $0x1  }
0xb4: {  	s26 =	simm.s32 $execute0_lowered;
	[smem:$0x3FD2] =	sst s25  }
0xb5: {  	s6 =	sshll.u32 s26, $0x1;
	_ =	strace $0x8000004C;
	[dreg:$0x1] =	wrdreg $0xFFFFFFFF  }
0xb6: {  	s28 =	simm.s32 $_size_execute0_lowered;
	s4 =	sadd.s32 s4, s6;
	[dreg:$0x0] =	wrdreg $0x0  }
0xb7: {  	s6 =	sshll.u32 s28, $0x1;
	[dreg:$0x2] =	wrdreg s4  }
0xb8: {  	[dreg:$0x3] =	wrdreg s6  }
0xb9: {  	[dreg:$0x4] =	wrdreg $0xC0  }
0xba: {  	_ =	task [dreg:s22], $0x5FFFF  }
0xbb: {  	[dreg:$0x1] =	wrdreg $0xFFFFFFFF  }
0xbc: {  	[dreg:$0x0] =	wrdreg $0x60  }
0xbd: {  	[dreg:$0x2] =	wrdreg s24  }
0xbe: {  	[dreg:$0x3] =	wrdreg s18  }
0xbf: {  	[dreg:$0x4] =	wrdreg $0xED000  }
0xc0: {  	[dreg:$0x5] =	wrdreg $0x9  }
0xc1: {  	_ =	task.clear_ibuf [dreg:s22], $0x6FFFF;
	_ =	strace $0x9000004C  }
0xc2: {  	s29 =	simm.s32 $0x9;
	_ =	strace $0x8000004E  }
0xc3: {  	_ =	swait.ge [sflag:s29], $0x1  }
0xc4: {  	[sflag:s29] =	ssyncadd.s32 $0xFFFFFFFF  }
0xc5: {  	_ =	strace $0x9000004E  }
0xc6: {  	_ =	sfence  }
0xc7: {  	s30 =	sld [smem:$0x0];
	_ =	sdelay $0x2  }
0xc8: {  	s31 =	sshll.u32 s1, $0xD;
	s1 =	sshrl.u32 s1, $0x2  }
0xc9: {  	s4 =	sand.u32 $0x4000, s31;
	s1 =	sadd.s32 s1, s30  }
0xca: {  	s0 =	sor.u32 s4, s0;
	s1 =	sshll.u32 s1, $0x11  }
0xcb: {  	s0 =	sor.u32 s1, s0  }
0xcc: {  	s0 =	sadd.s32 $0x8F2B, s0  }
0xcd: {  	[sflag:s0] =	ssyncadd.remote.s32 $0x1  }
0xce: {  	_ =	sfence.sel $0xFFFF  }
0xcf: {  	[dreg:$0x0] =	wrdreg $0xFFFFFFFF;
	(pc) =	sbr.abs _section_cstart, $3  }
0xd0: {  	[dreg:$0x1] =	wrdreg $0xFFFFFFFF  }
0xd1: {  	_ =	task.clear_ibuf [dreg:s22], $0x2FFFF;
	_ =	strace $0x9FFFFFFF  }
0xd2: {  	(tm) =	ssettm $0x7FFFFFFF  }
0xd3: {  	_ =	shalt  }
tec
execute0_lowered:
.L_overlay_start_1:
0x0: {  	(tag) =	ssettag $0x1  }
0x1: {  	s0 =	rddreg [dreg:$0x0]  }
0x2: {  	s1 =	rddreg [dreg:$0x1]  }
0x3: {  	s3 =	srdreg.scid;
	s11 =	stileid.u32  }
0x4: {  	s2 =	rddreg [dreg:$0x2];
	s28 =	simm.s32 $0x5000;
	s30 =	simm.s32 $0x6F40  }
0x5: {  	s29 =	simm.s32 $0x1;
	s31 =	simm.s32 $0x5;
	s5 =	sand.u32 $0x1, s3  }
0x6: {  	s4 =	sshll.u32 s11, $0x1;
	s3 =	simm.s32 $0x0;
	s10 =	smul.u32 $0x28000, s11  }
0x7: {  	s11 =	smul.u32 $0xA000, s11;
	s6 =	sor.u32 s5, s4;
	[smem:$0x7FF] =	sst s3  }
0x8: {  	s4 =	sadd.s32 $0x3D200, s0;
	s8 =	ssub.s32 $0x2, s5;
	s5 =	smul.u32 $0xA0000, s5  }
0x9: {  	s0 =	sadd.s32 $0x50C00, s0;
	s7 =	smul.u32 $0x2800, s6;
	_ =	strace $0x8000004D  }
0xa: {  	s6 =	smul.u32 $0x500, s6;
	s9 =	sshrl.u32 s8, $0x1;
	s12 =	sshrl.u32 s10, $0x2  }
0xb: {  	s13 =	sadd.s32 s11, s2;
	s19 =	sadd.s32 $0x2000, s11;
	s22 =	sadd.s32 $0x4000, s11  }
0xc: {  	s24 =	sadd.s32 $0x6000, s11;
	s25 =	sadd.s32 $0x8000, s11;
	s10 =	simm.s32 $0x8  }
0xd: {  	s8 =	ssub.s32 s8, s9;
	[dreg:$0x6] =	wrdreg s13;
	s17 =	sadd.s32 s5, s11  }
0xe: {  	s21 =	sadd.s32 s5, s19;
	s23 =	sadd.s32 s5, s22;
	s26 =	sadd.s32 s5, s24  }
0xf: {  	s5 =	sadd.s32 s5, s25;
	s9 =	simm.s32 $0x4;
	s11 =	simm.s32 $0x0  }
0x10: {  	s7 =	sshrl.u32 s7, $0x3;
	s14 =	smax.u32 s8, $0x1;
	s5 =	sshrl.u32 s5, $0x3  }
0x11: {  	s8 =	simm.s32 $0x7;
	s7 =	sadd.s32 s1, s7;
	s1 =	sadd.s32 s1, s6  }
0x12: {  	[dreg:$0x7] =	wrdreg s14;
	s6 =	sadd.s32 s19, s2;
	s19 =	sadd.s32 s24, s2  }
0x13: {  	s24 =	simm.s32 $0xADC0;
	s7 =	sadd.s32 $0xA000, s7;
	[dreg:$0x5] =	wrdreg s1  }
0x14: {  	s1 =	sshrl.u32 s17, $0x3;
	[dreg:$0xd] =	wrdreg s6;
	s17 =	sadd.s32 s22, s2  }
0x15: {  	[dreg:$0x4] =	wrdreg s7;
	s7 =	sadd.s32 s12, s2;
	s1 =	sadd.s32 s0, s1  }
0x16: {  	s22 =	sadd.s32 s0, s5;
	s15 =	sadd.s32 $0x2000, s7;
	[dreg:$0xc] =	wrdreg s1  }
0x17: {  	s5 =	simm.s32 $0x6;
	s16 =	sadd.s32 $0x4000, s7;
	[dreg:$0x8] =	wrdreg s15  }
0x18: {  	s6 =	simm.s32 $0x3;
	s18 =	sadd.s32 $0x6000, s7;
	[dreg:$0x9] =	wrdreg s16  }
0x19: {  	s20 =	sadd.s32 $0x8000, s7;
	s1 =	sshrl.u32 s21, $0x3;
	[dreg:$0xa] =	wrdreg s18  }
0x1a: {  	s21 =	sadd.s32 s25, s2;
	s25 =	simm.s32 $0xCD00;
	[dreg:$0xb] =	wrdreg s20  }
0x1b: {  	s16 =	sadd.s32 s0, s1;
	s1 =	sshrl.u32 s23, $0x3;
	s23 =	simm.s32 $0x9  }
0x1c: {  	s18 =	sadd.s32 s0, s1;
	s1 =	sshrl.u32 s26, $0x3;
	s26 =	simm.s32 $0x7D  }
0x1d: {  	v0 =	vimm.f32 $0.0e+00;
	s20 =	sadd.s32 s0, s1;
	s1 =	simm.s32 $0x8E80;
	s0 =	simm.s32 $0x2  }
.LBB2_1:
0x1e: {  	s12 =	rddreg [dreg:$0x4]  }
0x1f: {  	[tilespmem:s3], [sflag:$0x9] =	stream.linear.gather [hbm4b:s12+s3], $0x2800, $0x38;
	[tilespmem:$0x18D00] =	vst v63  }
0x20: {  	_ =	swait.ge [sflag:s23], $0x2800  }
0x21: {  	s13 =	simm.s32 $0x2800;
	[sflag:s23] =	ssyncset.done $0x0  }
0x22: {  	s14 =	sand.u32 $0x7F00, s3;
	s15 =	rddreg [dreg:$0x5];
	[sflag:s23] =	ssyncadd.s32 $0xFFFFD800  }
0x23: {  	[tilespmem:s13], [sflag:$0x9] =	stream.linear.gather [hbm4b:s15+s3], $0x2800, $0x38;
	[tilespmem:$0x18D00] =	vst v63  }
0x24: {  	s14 =	sshrl.u32 s14, $0x2;
	_ =	swait.ge [sflag:s23], $0x2800  }
0x25: {  	s12 =	simm.s32 $0x40;
	s15 =	sand.u32 $0x30, s3;
	[sflag:s23] =	ssyncset.done $0x0  }
0x26: {  	s13 =	simm.s32 $0x0;
	s14 =	sor.u32 s15, s14;
	[sflag:s23] =	ssyncadd.s32 $0xFFFFD800  }
.LBB2_2:
0x27: {  	p0 =	sne.s32 s12, $0x7FC0  }
0x28: {  	[tilespmem:s14+$0xCD00] =	vst v0;
	s13 =	sadd.s32 $0x10, s13;
	s14 =	smov.u32 s12;
	s12 =	sadd.s32 $0x40, s12  }
.Ltmp0:
0x29: {  	(pc) =	sbr.rel @p0 .LBB2_2-.Ltmp0, $4  }
0x2a: {  	_ = 	snop  }
0x2b: {  	s14 =	sand.u32 $0x7F00, s14  }
0x2c: {  	s15 =	sand.u32 $0x30, s13;
	s14 =	sshrl.u32 s14, $0x2  }
0x2d: {  	s14 =	sor.u32 s15, s14  }
0x2e: {  	[tilespmem:s14+$0xCD00] =	vst v0  }
0x2f: {  	[spmem:s7] =	stream.linear.scatter [tilespmem:s25], [sflag:$0x9], $0x2000, $0x38;
	[tilespmem:$0x18D00] =	vst v63  }
0x30: {  	_ =	swait.ge [sflag:s23], $0x2000  }
0x31: {  	[sflag:s23] =	ssyncset.done $0x0  }
0x32: {  	s12 =	rddreg [dreg:$0x8];
	[sflag:s23] =	ssyncadd.s32 $0xFFFFE000  }
0x33: {  	[spmem:s12] =	stream.linear.scatter [tilespmem:s25], [sflag:$0x9], $0x2000, $0x38;
	[tilespmem:$0x18D00] =	vst v63  }
0x34: {  	_ =	swait.ge [sflag:s23], $0x2000  }
0x35: {  	[sflag:s23] =	ssyncset.done $0x0  }
0x36: {  	s14 =	rddreg [dreg:$0x9];
	[sflag:s23] =	ssyncadd.s32 $0xFFFFE000  }
0x37: {  	[spmem:s14] =	stream.linear.scatter [tilespmem:s25], [sflag:$0x9], $0x2000, $0x38;
	[tilespmem:$0x18D00] =	vst v63  }
0x38: {  	_ =	swait.ge [sflag:s23], $0x2000  }
0x39: {  	[sflag:s23] =	ssyncset.done $0x0  }
0x3a: {  	s15 =	rddreg [dreg:$0xa];
	[sflag:s23] =	ssyncadd.s32 $0xFFFFE000  }
0x3b: {  	[spmem:s15] =	stream.linear.scatter [tilespmem:s25], [sflag:$0x9], $0x2000, $0x38;
	[tilespmem:$0x18D00] =	vst v63  }
0x3c: {  	_ =	swait.ge [sflag:s23], $0x2000  }
0x3d: {  	[sflag:s23] =	ssyncset.done $0x0  }
0x3e: {  	s13 =	rddreg [dreg:$0xb];
	[sflag:s23] =	ssyncadd.s32 $0xFFFFE000  }
0x3f: {  	[spmem:s13] =	stream.linear.scatter [tilespmem:s25], [sflag:$0x9], $0x2000, $0x38;
	[tilespmem:$0x18D00] =	vst v63  }
0x40: {  	_ =	swait.ge [sflag:s23], $0x2000  }
0x41: {  	[sflag:s23] =	ssyncset.done $0x0  }
0x42: {  	[sflag:s23] =	ssyncadd.s32 $0xFFFFE000  }
0x43: {  	s14 =	simm.s32 $0x0;
	[bflag:$0x0] =	sbarrier.arrive $0xFFFF  }
0x44: {  	[tilespmem:s28], [sflag:$0x1] =	stream.indirect.gather [hbm4b:s4+s26], $0x40, s14, s26, $0xb8;
	[tilespmem:$0x18D00] =	vst v63  }
0x45: {  	s15 =	simm.s32 $0x80  }
0x46: {  	[tilespmem:s30], [sflag:$0x2] =	stream.indirect.gather [hbm4b:s4+s26], $0x40, s15, s26, $0xb8;
	[tilespmem:$0x18D00] =	vst v63  }
0x47: {  	s13 =	simm.s32 $0x100  }
0x48: {  	[tilespmem:s1], [sflag:$0x3] =	stream.indirect.gather [hbm4b:s4+s26], $0x40, s13, s26, $0xb8;
	[tilespmem:$0x18D00] =	vst v63  }
0x49: {  	s14 =	simm.s32 $0x180  }
0x4a: {  	[tilespmem:s24], [sflag:$0x4] =	stream.indirect.gather [hbm4b:s4+s26], $0x40, s14, s26, $0xb8;
	[tilespmem:$0x18D00] =	vst v63  }
0x4b: {  	_ =	swait.ge [sflag:s29], $0x1F40  }
0x4c: {  	[sflag:s29] =	ssyncset.done $0x0  }
0x4d: {  	s15 =	simm.s32 $0x2800;
	[sflag:s29] =	ssyncadd.s32 $0xFFFFE0C0  }
0x4e: {  	[spmem:s2] =	stream.indirect.scatter.add.f32 [tilespmem:s28], [sflag:$0x5], $0x40, s15, s26, $0xb8;
	[tilespmem:$0x18D00] =	vst v63  }
0x4f: {  	_ =	swait.ge [sflag:s31], $0x1F40  }
0x50: {  	[sflag:s31] =	ssyncset.done $0x0  }
0x51: {  	s13 =	simm.s32 $0x200;
	[sflag:s31] =	ssyncadd.s32 $0xFFFFE0C0  }
0x52: {  	[tilespmem:s28], [sflag:$0x1] =	stream.indirect.gather [hbm4b:s4+s26], $0x40, s13, s26, $0xb8;
	[tilespmem:$0x18D00] =	vst v63  }
0x53: {  	_ =	swait.ge [sflag:s0], $0x1F40  }
0x54: {  	[sflag:s0] =	ssyncset.done $0x0  }
0x55: {  	s14 =	simm.s32 $0x2880;
	[sflag:s0] =	ssyncadd.s32 $0xFFFFE0C0  }
0x56: {  	[spmem:s2] =	stream.indirect.scatter.add.f32 [tilespmem:s30], [sflag:$0x6], $0x40, s14, s26, $0xb8;
	[tilespmem:$0x18D00] =	vst v63  }
0x57: {  	_ =	swait.ge [sflag:s5], $0x1F40  }
0x58: {  	[sflag:s5] =	ssyncset.done $0x0  }
0x59: {  	s15 =	simm.s32 $0x280;
	[sflag:s5] =	ssyncadd.s32 $0xFFFFE0C0  }
0x5a: {  	[tilespmem:s30], [sflag:$0x2] =	stream.indirect.gather [hbm4b:s4+s26], $0x40, s15, s26, $0xb8;
	[tilespmem:$0x18D00] =	vst v63  }
0x5b: {  	_ =	swait.ge [sflag:s6], $0x1F40  }
0x5c: {  	[sflag:s6] =	ssyncset.done $0x0  }
0x5d: {  	s13 =	simm.s32 $0x2900;
	[sflag:s6] =	ssyncadd.s32 $0xFFFFE0C0  }
0x5e: {  	[spmem:s2] =	stream.indirect.scatter.add.f32 [tilespmem:s1], [sflag:$0x7], $0x40, s13, s26, $0xb8;
	[tilespmem:$0x18D00] =	vst v63  }
0x5f: {  	_ =	swait.ge [sflag:s8], $0x1F40  }
0x60: {  	[sflag:s8] =	ssyncset.done $0x0  }
0x61: {  	s14 =	simm.s32 $0x300;
	[sflag:s8] =	ssyncadd.s32 $0xFFFFE0C0  }
0x62: {  	[tilespmem:s1], [sflag:$0x3] =	stream.indirect.gather [hbm4b:s4+s26], $0x40, s14, s26, $0xb8;
	[tilespmem:$0x18D00] =	vst v63  }
0x63: {  	_ =	swait.ge [sflag:s9], $0x1F40  }
0x64: {  	[sflag:s9] =	ssyncset.done $0x0  }
0x65: {  	s15 =	simm.s32 $0x2980;
	[sflag:s9] =	ssyncadd.s32 $0xFFFFE0C0  }
0x66: {  	[spmem:s2] =	stream.indirect.scatter.add.f32 [tilespmem:s24], [sflag:$0x8], $0x40, s15, s26, $0xb8;
	[tilespmem:$0x18D00] =	vst v63  }
0x67: {  	_ =	swait.ge [sflag:s10], $0x1F40  }
0x68: {  	[sflag:s10] =	ssyncset.done $0x0  }
0x69: {  	s12 =	simm.s32 $0x800;
	s13 =	simm.s32 $0x380;
	[sflag:s10] =	ssyncadd.s32 $0xFFFFE0C0  }
.LBB2_4:
0x6a: {  	[tilespmem:s24], [sflag:$0x4] =	stream.indirect.gather [hbm4b:s4+s26], $0x40, s13, s26, $0xb8;
	[tilespmem:$0x18D00] =	vst v63  }
0x6b: {  	s13 =	smov.u32 s12  }
0x6c: {  	p0 =	sne.s32 s12, $0x9000;
	s12 =	sadd.s32 $0x800, s12;
	_ =	swait.ge [sflag:s29], $0x1F40  }
0x6d: {  	s13 =	sshra.s32 s13, $0x2;
	[sflag:s29] =	ssyncset.done $0x0  }
0x6e: {  	s14 =	sadd.s32 $0x2800, s13;
	[sflag:s29] =	ssyncadd.s32 $0xFFFFE0C0  }
0x6f: {  	[spmem:s2] =	stream.indirect.scatter.add.f32 [tilespmem:s28], [sflag:$0x5], $0x40, s14, s26, $0xb8;
	[tilespmem:$0x18D00] =	vst v63  }
0x70: {  	_ =	swait.ge [sflag:s31], $0x1F40  }
0x71: {  	[sflag:s31] =	ssyncset.done $0x0  }
0x72: {  	s14 =	sadd.s32 $0x200, s13;
	[sflag:s31] =	ssyncadd.s32 $0xFFFFE0C0  }
0x73: {  	[tilespmem:s28], [sflag:$0x1] =	stream.indirect.gather [hbm4b:s4+s26], $0x40, s14, s26, $0xb8;
	[tilespmem:$0x18D00] =	vst v63  }
0x74: {  	_ =	swait.ge [sflag:s0], $0x1F40  }
0x75: {  	[sflag:s0] =	ssyncset.done $0x0  }
0x76: {  	s14 =	sadd.s32 $0x2880, s13;
	[sflag:s0] =	ssyncadd.s32 $0xFFFFE0C0  }
0x77: {  	[spmem:s2] =	stream.indirect.scatter.add.f32 [tilespmem:s30], [sflag:$0x6], $0x40, s14, s26, $0xb8;
	[tilespmem:$0x18D00] =	vst v63  }
0x78: {  	_ =	swait.ge [sflag:s5], $0x1F40  }
0x79: {  	[sflag:s5] =	ssyncset.done $0x0  }
0x7a: {  	s14 =	sadd.s32 $0x280, s13;
	[sflag:s5] =	ssyncadd.s32 $0xFFFFE0C0  }
0x7b: {  	[tilespmem:s30], [sflag:$0x2] =	stream.indirect.gather [hbm4b:s4+s26], $0x40, s14, s26, $0xb8;
	[tilespmem:$0x18D00] =	vst v63  }
0x7c: {  	_ =	swait.ge [sflag:s6], $0x1F40  }
0x7d: {  	[sflag:s6] =	ssyncset.done $0x0  }
0x7e: {  	s14 =	sadd.s32 $0x2900, s13;
	[sflag:s6] =	ssyncadd.s32 $0xFFFFE0C0  }
0x7f: {  	[spmem:s2] =	stream.indirect.scatter.add.f32 [tilespmem:s1], [sflag:$0x7], $0x40, s14, s26, $0xb8;
	[tilespmem:$0x18D00] =	vst v63  }
0x80: {  	_ =	swait.ge [sflag:s8], $0x1F40  }
0x81: {  	[sflag:s8] =	ssyncset.done $0x0  }
0x82: {  	s14 =	sadd.s32 $0x300, s13;
	[sflag:s8] =	ssyncadd.s32 $0xFFFFE0C0  }
0x83: {  	[tilespmem:s1], [sflag:$0x3] =	stream.indirect.gather [hbm4b:s4+s26], $0x40, s14, s26, $0xb8;
	[tilespmem:$0x18D00] =	vst v63  }
0x84: {  	_ =	swait.ge [sflag:s9], $0x1F40  }
0x85: {  	[sflag:s9] =	ssyncset.done $0x0  }
.Ltmp1:
0x86: {  	s14 =	sadd.s32 $0x2980, s13;
	[sflag:s9] =	ssyncadd.s32 $0xFFFFE0C0;
	(pc) =	sbr.rel @p0 .LBB2_4-.Ltmp1, $4  }
0x87: {  	[spmem:s2] =	stream.indirect.scatter.add.f32 [tilespmem:s24], [sflag:$0x8], $0x40, s14, s26, $0xb8;
	[tilespmem:$0x18D00] =	vst v63  }
0x88: {  	_ =	swait.ge [sflag:s10], $0x1F40  }
0x89: {  	[sflag:s10] =	ssyncset.done $0x0  }
0x8a: {  	s13 =	sadd.s32 $0x380, s13;
	[sflag:s10] =	ssyncadd.s32 $0xFFFFE0C0  }
0x8b: {  	[tilespmem:s24], [sflag:$0x4] =	stream.indirect.gather [hbm4b:s4+s26], $0x40, s13, s26, $0xb8;
	[tilespmem:$0x18D00] =	vst v63  }
0x8c: {  	_ =	swait.ge [sflag:s29], $0x1F40  }
0x8d: {  	[sflag:s29] =	ssyncset.done $0x0  }
0x8e: {  	s12 =	simm.s32 $0x4E00;
	[sflag:s29] =	ssyncadd.s32 $0xFFFFE0C0  }
0x8f: {  	[spmem:s2] =	stream.indirect.scatter.add.f32 [tilespmem:s28], [sflag:$0x5], $0x40, s12, s26, $0xb8;
	[tilespmem:$0x18D00] =	vst v63  }
0x90: {  	_ =	swait.ge [sflag:s31], $0x1F40  }
0x91: {  	[sflag:s31] =	ssyncset.done $0x0  }
0x92: {  	[sflag:s31] =	ssyncadd.s32 $0xFFFFE0C0  }
0x93: {  	_ =	swait.ge [sflag:s0], $0x1F40  }
0x94: {  	[sflag:s0] =	ssyncset.done $0x0  }
0x95: {  	s15 =	simm.s32 $0x4E80;
	[sflag:s0] =	ssyncadd.s32 $0xFFFFE0C0  }
0x96: {  	[spmem:s2] =	stream.indirect.scatter.add.f32 [tilespmem:s30], [sflag:$0x6], $0x40, s15, s26, $0xb8;
	[tilespmem:$0x18D00] =	vst v63  }
0x97: {  	_ =	swait.ge [sflag:s5], $0x1F40  }
0x98: {  	[sflag:s5] =	ssyncset.done $0x0  }
0x99: {  	[sflag:s5] =	ssyncadd.s32 $0xFFFFE0C0  }
0x9a: {  	_ =	swait.ge [sflag:s6], $0x1F40  }
0x9b: {  	[sflag:s6] =	ssyncset.done $0x0  }
0x9c: {  	s13 =	simm.s32 $0x4F00;
	[sflag:s6] =	ssyncadd.s32 $0xFFFFE0C0  }
0x9d: {  	[spmem:s2] =	stream.indirect.scatter.add.f32 [tilespmem:s1], [sflag:$0x7], $0x40, s13, s26, $0xb8;
	[tilespmem:$0x18D00] =	vst v63  }
0x9e: {  	_ =	swait.ge [sflag:s8], $0x1F40  }
0x9f: {  	[sflag:s8] =	ssyncset.done $0x0  }
0xa0: {  	[sflag:s8] =	ssyncadd.s32 $0xFFFFE0C0  }
0xa1: {  	_ =	swait.ge [sflag:s9], $0x1F40  }
0xa2: {  	[sflag:s9] =	ssyncset.done $0x0  }
0xa3: {  	s14 =	simm.s32 $0x4F80;
	[sflag:s9] =	ssyncadd.s32 $0xFFFFE0C0  }
0xa4: {  	[spmem:s2] =	stream.indirect.scatter.add.f32 [tilespmem:s24], [sflag:$0x8], $0x40, s14, s26, $0xb8;
	[tilespmem:$0x18D00] =	vst v63  }
0xa5: {  	_ =	swait.ge [sflag:s10], $0x1F40  }
0xa6: {  	[sflag:s10] =	ssyncset.done $0x0  }
0xa7: {  	[sflag:s10] =	ssyncadd.s32 $0xFFFFE0C0  }
0xa8: {  	[bflag:$0x0] =	sbarrier.arrive $0xFFFF  }
0xa9: {  	s15 =	rddreg [dreg:$0x6]  }
0xaa: {  	[tilespmem:s25], [sflag:$0x9] =	stream.linear.gather [spmem:s15], $0x2000, $0x38;
	[tilespmem:$0x18D00] =	vst v63  }
0xab: {  	_ =	swait.ge [sflag:s23], $0x2000  }
0xac: {  	[sflag:s23] =	ssyncset.done $0x0  }
0xad: {  	s13 =	rddreg [dreg:$0xc];
	[sflag:s23] =	ssyncadd.s32 $0xFFFFE000  }
0xae: {  	[hbm4b:s13+s3] =	stream.linear.scatter [tilespmem:s25], [sflag:$0x9], $0x2000, $0x38;
	[tilespmem:$0x18D00] =	vst v63  }
0xaf: {  	_ =	swait.ge [sflag:s23], $0x2000  }
0xb0: {  	[sflag:s23] =	ssyncset.done $0x0  }
0xb1: {  	s14 =	rddreg [dreg:$0xd];
	[sflag:s23] =	ssyncadd.s32 $0xFFFFE000  }
0xb2: {  	[tilespmem:s25], [sflag:$0x9] =	stream.linear.gather [spmem:s14], $0x2000, $0x38;
	[tilespmem:$0x18D00] =	vst v63  }
0xb3: {  	_ =	swait.ge [sflag:s23], $0x2000  }
0xb4: {  	[sflag:s23] =	ssyncset.done $0x0  }
0xb5: {  	[sflag:s23] =	ssyncadd.s32 $0xFFFFE000  }
0xb6: {  	[hbm4b:s16+s3] =	stream.linear.scatter [tilespmem:s25], [sflag:$0x9], $0x2000, $0x38;
	[tilespmem:$0x18D00] =	vst v63  }
0xb7: {  	_ =	swait.ge [sflag:s23], $0x2000  }
0xb8: {  	[sflag:s23] =	ssyncset.done $0x0  }
0xb9: {  	[sflag:s23] =	ssyncadd.s32 $0xFFFFE000  }
0xba: {  	[tilespmem:s25], [sflag:$0x9] =	stream.linear.gather [spmem:s17], $0x2000, $0x38;
	[tilespmem:$0x18D00] =	vst v63  }
0xbb: {  	_ =	swait.ge [sflag:s23], $0x2000  }
0xbc: {  	[sflag:s23] =	ssyncset.done $0x0  }
0xbd: {  	[sflag:s23] =	ssyncadd.s32 $0xFFFFE000  }
0xbe: {  	[hbm4b:s18+s3] =	stream.linear.scatter [tilespmem:s25], [sflag:$0x9], $0x2000, $0x38;
	[tilespmem:$0x18D00] =	vst v63  }
0xbf: {  	_ =	swait.ge [sflag:s23], $0x2000  }
0xc0: {  	[sflag:s23] =	ssyncset.done $0x0  }
0xc1: {  	[sflag:s23] =	ssyncadd.s32 $0xFFFFE000  }
0xc2: {  	[tilespmem:s25], [sflag:$0x9] =	stream.linear.gather [spmem:s19], $0x2000, $0x38;
	[tilespmem:$0x18D00] =	vst v63  }
0xc3: {  	_ =	swait.ge [sflag:s23], $0x2000  }
0xc4: {  	[sflag:s23] =	ssyncset.done $0x0  }
0xc5: {  	[sflag:s23] =	ssyncadd.s32 $0xFFFFE000  }
0xc6: {  	[hbm4b:s20+s3] =	stream.linear.scatter [tilespmem:s25], [sflag:$0x9], $0x2000, $0x38;
	[tilespmem:$0x18D00] =	vst v63  }
0xc7: {  	_ =	swait.ge [sflag:s23], $0x2000  }
0xc8: {  	[sflag:s23] =	ssyncset.done $0x0  }
0xc9: {  	[sflag:s23] =	ssyncadd.s32 $0xFFFFE000  }
0xca: {  	[tilespmem:s25], [sflag:$0x9] =	stream.linear.gather [spmem:s21], $0x2000, $0x38;
	[tilespmem:$0x18D00] =	vst v63  }
0xcb: {  	_ =	swait.ge [sflag:s23], $0x2000  }
0xcc: {  	[sflag:s23] =	ssyncset.done $0x0  }
0xcd: {  	[sflag:s23] =	ssyncadd.s32 $0xFFFFE000  }
0xce: {  	[hbm4b:s22+s3] =	stream.linear.scatter [tilespmem:s25], [sflag:$0x9], $0x2000, $0x38;
	[tilespmem:$0x18D00] =	vst v63  }
0xcf: {  	_ =	swait.ge [sflag:s23], $0x2000  }
0xd0: {  	s11 =	sadd.s32 $0x1, s11;
	s15 =	rddreg [dreg:$0x7]  }
0xd1: {  	p0 =	sne.s32 s11, s15  }
.Ltmp2:
0xd2: {  	_ = 	snop;
	(pc) =	sbr.rel @p0 .LBB2_1-.Ltmp2, $3  }
0xd3: {  	_ =	sdelay $0x1  }
0xd4: {  	[sflag:s23] =	ssyncset.done $0x0  }
0xd5: {  	[sflag:s23] =	ssyncadd.s32 $0xFFFFE000  }
0xd6: {  	_ =	sfence.sel $0x180000  }
0xd7: {  	[bflag:$0x0] =	sbarrier.arrive $0xFFFF  }
0xd8: {  	_ =	strace $0x9000004D  }
0xd9: {  	s0 =	stileid.u32;
	[bflag:$0x2] =	sbarrier.arrive $0xFFFF  }
0xda: {  	p0 =	sne.s32 s0, $0x0;
	s0 =	rddreg [dreg:$0x3]  }
0xdb: {  	s0 =	sadd.s32 @!p0 $0x100000, s0  }
0xdc: {  	[sflag:s0] =	ssyncadd.tile.s32 @!p0 $0x1;
	_ =	shalt  }
.Lfunc_end2:
_tile_overlayer_lowered:
.L_overlay_start_2:
0xdd: {  	(tag) =	ssettag $0x2  }
0xde: {  	s0 =	rddreg [dreg:$0x0];
	s2 =	stileid.u32  }
0xdf: {  	s1 =	rddreg [dreg:$0x1];
	p0 =	sne.s32 s2, $0x0  }
0xe0: {  	s3 =	rddreg [dreg:$0x2];
	[bflag:$0x3] =	sbarrier.arrive $0xFFFF;
	s2 =	simm.s32 @!p0 $0x1C09  }
0xe1: {  	[timem:s3], [sflag:s2] =	dma.local @!p0 [hbm:s0], s1  }
0xe2: {  	s0 =	simm.s32 @!p0 $0x9  }
0xe3: {  	_ =	swait.ge @!p0 [sflag:s0], s1  }
0xe4: {  	s1 =	ssub.s32 @!p0 $0x0, s1;
	[sflag:s0] =	ssyncset.done @!p0 $0x0  }
0xe5: {  	[sflag:s0] =	ssyncadd.s32 @!p0 s1  }
0xe6: {  	[bflag:$0x3] =	sbarrier.arrive $0xFFFF  }
0xe7: {  	_ =	shalt  }

// kernel: kernel.13.cloned.1.call-start
scs
__scs_entry_jumppad:
0x0: {  	(pc) =	sbr.rel $0x88, $3  }
0x1: {  	(tag) =	ssettag $0x0;
	lr =	simm.s32 $0x1  }
0x2: {  	[smem:$0x3F9E] =	sst lr;
	_ =	strace $0xD0000000  }
0x3: {  	_ = 	snop  }
0x4: {  	_ = 	snop  }
0x5: {  	_ = 	snop  }
0x6: {  	_ = 	snop  }
0x7: {  	_ = 	snop  }
__scs_overlays_trampoline_lowered:
0x8: {  	[smem:$0x3FAD] =	sst s0  }
0x9: {  	[smem:$0x3FAE] =	sst s1  }
0xa: {  	[smem:$0x3FAF] =	sst s2  }
0xb: {  	[smem:$0x3FB0] =	sst s3  }
0xc: {  	[smem:$0x3FB1] =	sst s4  }
0xd: {  	[smem:$0x3FB2] =	sst s5  }
0xe: {  	[smem:$0x3FB3] =	sst s6  }
0xf: {  	[smem:$0x3FB4] =	sst s7  }
0x10: {  	[smem:$0x3FB5] =	sst s8  }
0x11: {  	[smem:$0x3FB6] =	sst s9;
	s0 =	simm.s32 @!p0 $0x0  }
0x12: {  	s1 =	sld [smem:$0x3F9C];
	s0 =	simm.s32 @p0 $0x1  }
0x13: {  	[smem:$0x3FB7] =	sst s0;
	s0 =	simm.s32 @!p1 $0x0  }
0x14: {  	s2 =	sld [smem:$0x3F9B];
	s0 =	simm.s32 @p1 $0x1  }
0x15: {  	[smem:$0x3FB8] =	sst s0;
	s0 =	simm.s32 @!p2 $0x0  }
0x16: {  	s3 =	sld [smem:$0x3FDB];
	s0 =	simm.s32 @p2 $0x1  }
0x17: {  	s4 =	simm.s32 $0x1BF5;
	[smem:$0x3FBA] =	sst s0  }
0x18: {  	s0 =	sld [smem:$0x3F9D];
	_ =	swait.ge [sflag:s4], $0x0  }
0x19: {  	s7 =	sld [smem:$0x3F9E]  }
0x1a: {  	s8 =	sadd.s32 $0xFFFFE003, lr  }
0x1b: {  	s9 =	sadd.s32 $0xFFFFFEF7, lr;
	s5 =	simm.s32 $0xFFFFFFFF;
	p2 =	slt.u32 s8, $0xFFFFF086  }
0x1c: {  	p1 =	slt.u32 s9, $0xF7A;
	s5 =	simm.s32 @!p2 $0x0  }
0x1d: {  	s5 =	simm.s32 @p1 $0x1;
	p0 =	seq.s32 s7, s2  }
0x1e: {  	s7 =	smul.u32 @!p0 $0xF7A, s2;
	p2 =	seq.s32 @!p0 s5, $0x0  }
0x1f: {  	s9 =	smul.u32 $0xF7A, s1;
	s8 =	simm.s32 @!p0 $0x1BF5;
	p2 =	por !p2, p0  }
0x20: {  	[sflag:s8] =	ssyncset.s32 @!p0 $0xFFFFF086;
	s6 =	sadd.s32 @!p0 s3, s7;
	s7 =	simm.s32 @!p0 $0x108  }
0x21: {  	s3 =	sadd.s32 s3, s9;
	s6 =	sadd.s32 @!p0 $0x88, s6;
	s7 =	simm.s32 @p2 $0x1082  }
0x22: {  	[simem:s7], [sflag:s8] =	dma.local @!p0 [hbm:s6], $0xF7A  }
0x23: {  	s9 =	sor.u32 $0xD0000000, s2;
	s6 =	simm.s32 $0x108;
	_ =	swait.ge @!p0 [sflag:s8], $0x0  }
0x24: {  	s3 =	sadd.s32 $0x88, s3;
	s6 =	simm.s32 @!p1 $0x1082;
	[sflag:s4] =	ssyncset.s32 $0xFFFFF086  }
0x25: {  	[simem:s6], [sflag:s4] =	dma.local [hbm:s3], $0xF7A  }
0x26: {  	[smem:$0x3F9E] =	sst s1;
	(tag) =	ssettag s2;
	_ =	strace s9  }
0x27: {  	s1 =	sld [smem:$0x3FAE]  }
0x28: {  	s2 =	sld [smem:$0x3FAF]  }
0x29: {  	s4 =	sld [smem:$0x3FB1]  }
0x2a: {  	p0 =	seq.s32 s5, $0x0;
	s5 =	sld [smem:$0x3FB2]  }
0x2b: {  	s6 =	sld [smem:$0x3FB3]  }
0x2c: {  	s7 =	sld [smem:$0x3FB4]  }
0x2d: {  	s3 =	simm.s32 $0x108;
	s8 =	sld [smem:$0x3FB5]  }
0x2e: {  	s3 =	simm.s32 @!p0 $0x1082;
	s9 =	sld [smem:$0x3FB6]  }
0x2f: {  	lr =	sadd.s32 s0, s3;
	s0 =	sld [smem:$0x3FAD]  }
0x30: {  	s3 =	sld [smem:$0x3FB0]  }
0x31: {  	[smem:$0x3FB9] =	sst s10  }
0x32: {  	s10 =	sld [smem:$0x3FB7];
	_ =	sdelay $0x3  }
0x33: {  	p0 =	seq.s32 s10, $0x1;
	s10 =	sld [smem:$0x3FB9];
	_ =	sdelay $0x3  }
0x34: {  	[smem:$0x3FB9] =	sst s10  }
0x35: {  	s10 =	sld [smem:$0x3FB8];
	_ =	sdelay $0x3  }
0x36: {  	p1 =	seq.s32 s10, $0x1;
	s10 =	sld [smem:$0x3FB9];
	_ =	sdelay $0x3  }
0x37: {  	[smem:$0x3FB9] =	sst s10  }
0x38: {  	s10 =	sld [smem:$0x3FBA]  }
0x39: {  	_ = 	snop;
	(pc) =	sbr.ind lr, $3  }
0x3a: {  	_ = 	snop  }
0x3b: {  	_ = 	snop  }
0x3c: {  	p2 =	seq.s32 s10, $0x1;
	s10 =	sld [smem:$0x3FB9]  }
0x3d: {  	_ =	shalt  }
0x3e: {  	_ =	shalt  }
0x3f: {  	_ =	shalt  }
0x40: {  	_ =	shalt  }
0x41: {  	_ =	shalt  }
0x42: {  	_ =	shalt  }
0x43: {  	_ =	shalt  }
0x44: {  	_ =	shalt  }
0x45: {  	_ =	shalt  }
0x46: {  	_ =	shalt  }
0x47: {  	_ =	shalt  }
0x48: {  	_ =	shalt  }
0x49: {  	_ =	shalt  }
0x4a: {  	_ =	shalt  }
0x4b: {  	_ =	shalt  }
0x4c: {  	_ =	shalt  }
0x4d: {  	_ =	shalt  }
0x4e: {  	_ =	shalt  }
0x4f: {  	_ =	shalt  }
0x50: {  	_ =	shalt  }
0x51: {  	_ =	shalt  }
0x52: {  	_ =	shalt  }
0x53: {  	_ =	shalt  }
0x54: {  	_ =	shalt  }
0x55: {  	_ =	shalt  }
0x56: {  	_ =	shalt  }
0x57: {  	_ =	shalt  }
0x58: {  	_ =	shalt  }
0x59: {  	_ =	shalt  }
0x5a: {  	_ =	shalt  }
0x5b: {  	_ =	shalt  }
0x5c: {  	_ =	shalt  }
0x5d: {  	_ =	shalt  }
0x5e: {  	_ =	shalt  }
0x5f: {  	_ =	shalt  }
0x60: {  	_ =	shalt  }
0x61: {  	_ =	shalt  }
0x62: {  	_ =	shalt  }
0x63: {  	_ =	shalt  }
0x64: {  	_ =	shalt  }
0x65: {  	_ =	shalt  }
0x66: {  	_ =	shalt  }
0x67: {  	_ =	shalt  }
0x68: {  	_ =	shalt  }
0x69: {  	_ =	shalt  }
0x6a: {  	_ =	shalt  }
0x6b: {  	_ =	shalt  }
0x6c: {  	_ =	shalt  }
0x6d: {  	_ =	shalt  }
0x6e: {  	_ =	shalt  }
0x6f: {  	_ =	shalt  }
0x70: {  	_ =	shalt  }
0x71: {  	_ =	shalt  }
0x72: {  	_ =	shalt  }
0x73: {  	_ =	shalt  }
0x74: {  	_ =	shalt  }
0x75: {  	_ =	shalt  }
0x76: {  	_ =	shalt  }
0x77: {  	_ =	shalt  }
0x78: {  	_ =	shalt  }
0x79: {  	_ =	shalt  }
0x7a: {  	_ =	shalt  }
0x7b: {  	_ =	shalt  }
0x7c: {  	_ =	shalt  }
0x7d: {  	_ =	shalt  }
0x7e: {  	_ =	shalt  }
0x7f: {  	_ =	shalt  }
0x80: {  	_ =	shalt  }
0x81: {  	_ =	shalt  }
0x82: {  	_ =	shalt  }
0x83: {  	_ =	shalt  }
0x84: {  	_ =	shalt  }
0x85: {  	_ =	shalt  }
0x86: {  	_ =	shalt  }
0x87: {  	_ =	shalt  }
.Lfunc_end0:
.L_simem_size_0:
called_computation.2_lowered:
.L_overlay_start_0:
0x88: {  	s2 =	sld [smem:$0x3FD9]  }
0x89: {  	s3 =	sld [smem:$0x3FFE];
	_ =	sdelay $0x1  }
0x8a: {  	s1 =	srdreg.scid  }
0x8b: {  	s0 =	sand.u32 $0x1, s1  }
0x8c: {  	s17 =	sshll.u32 s0, $0xA;
	s2 =	sadd.s32 s3, s2  }
0x8d: {  	s2 =	sadd.s32 s2, s17  }
0x8e: {  	[smem:$0x3FC5] =	sst s2  }
0x8f: {  	_ = 	snop  }
0x90: {  	s2 =	sld [smem:$0x3FD0];
	(tm) =	ssettm $0x1  }
0x91: {  	s18 =	sld [smem:$0x3FFB];
	_ =	sdelay $0x3  }
0x92: {  	_ =	strace s18  }
0x93: {  	s3 =	sld [smem:$0x3FFC];
	_ =	sdelay $0x3  }
0x94: {  	_ =	strace s3  }
0x95: {  	s3 =	sld [smem:$0x3FFD];
	_ =	sdelay $0x3  }
0x96: {  	_ =	strace s3  }
0x97: {  	_ =	strace $0x8FFFFFFF  }
0x98: {  	s19 =	sld [smem:$0x3FDB];
	_ =	sdelay $0x1  }
0x99: {  	s4 =	simm.s32 $_scs_section_size  }
0x9a: {  	s5 =	simm.s32 $_size__tile_overlayer_lowered;
	s6 =	simm.s32 $_tile_overlayer_lowered  }
0x9b: {  	s22 =	simm.s32 $0x1BFF;
	s21 =	sshll.u32 s6, $0x1;
	s3 =	sadd.s32 s4, s19  }
0x9c: {  	s7 =	simm.s32 $0x0;
	s20 =	sshll.u32 s5, $0x1;
	s5 =	sadd.s32 s21, s3  }
0x9d: {  	[timem:s7], [sflag:s22] =	dma.local [hbm:s5], s20  }
0x9e: {  	_ =	swait.ge [sflag:s22], s20  }
0x9f: {  	s4 =	ssub.s32 $0x0, s20;
	[sflag:s22] =	ssyncset.done $0x0  }
0xa0: {  	[sflag:s22] =	ssyncadd.s32 s4;
	_ =	sdelay $0x1  }
0xa1: {  	s23 =	simm.s32 $0x1B8B  }
0xa2: {  	_ =	swait.ge [sflag:s23], $0x1  }
0xa3: {  	[sflag:s23] =	ssyncset.done $0x0  }
0xa4: {  	s25 =	simm.s32 $0x1B8E;
	s24 =	sld [smem:$0x3FFE];
	[sflag:s23] =	ssyncadd.s32 $0xFFFFFFFF  }
0xa5: {  	s26 =	simm.s32 $execute0_lowered;
	[smem:$0x3FD2] =	sst s25  }
0xa6: {  	s5 =	sshll.u32 s26, $0x1;
	_ =	strace $0x80000049;
	[dreg:$0x1] =	wrdreg $0xFFFFFFFF  }
0xa7: {  	s28 =	simm.s32 $_size_execute0_lowered;
	s3 =	sadd.s32 s3, s5;
	[dreg:$0x0] =	wrdreg $0x0  }
0xa8: {  	s5 =	sshll.u32 s28, $0x1;
	[dreg:$0x2] =	wrdreg s3  }
0xa9: {  	[dreg:$0x3] =	wrdreg s5  }
0xaa: {  	[dreg:$0x4] =	wrdreg $0xC0  }
0xab: {  	_ =	task [dreg:s7], $0x5FFFF  }
0xac: {  	[dreg:$0x1] =	wrdreg $0xFFFFFFFF  }
0xad: {  	[dreg:$0x0] =	wrdreg $0x60  }
0xae: {  	[dreg:$0x2] =	wrdreg s24  }
0xaf: {  	[dreg:$0x3] =	wrdreg s2  }
0xb0: {  	[dreg:$0x4] =	wrdreg $0xED000  }
0xb1: {  	[dreg:$0x5] =	wrdreg $0xA  }
0xb2: {  	_ =	task.clear_ibuf [dreg:s7], $0x6FFFF;
	_ =	strace $0x90000049  }
0xb3: {  	s29 =	simm.s32 $0xA;
	_ =	strace $0x8000004B  }
0xb4: {  	_ =	swait.ge [sflag:s29], $0x1  }
0xb5: {  	[sflag:s29] =	ssyncadd.s32 $0xFFFFFFFF  }
0xb6: {  	_ =	strace $0x9000004B  }
0xb7: {  	_ =	sfence  }
0xb8: {  	s30 =	sld [smem:$0x0];
	_ =	sdelay $0x2  }
0xb9: {  	s31 =	sshll.u32 s1, $0xD;
	s1 =	sshrl.u32 s1, $0x2  }
0xba: {  	s3 =	sand.u32 $0x4000, s31;
	s1 =	sadd.s32 s1, s30  }
0xbb: {  	s0 =	sor.u32 s3, s0;
	s1 =	sshll.u32 s1, $0x11  }
0xbc: {  	s0 =	sor.u32 s1, s0  }
0xbd: {  	s0 =	sadd.s32 $0x8F2B, s0  }
0xbe: {  	[sflag:s0] =	ssyncadd.remote.s32 $0x1  }
0xbf: {  	_ =	sfence.sel $0xFFFF  }
0xc0: {  	[dreg:$0x0] =	wrdreg $0xFFFFFFFF;
	(pc) =	sbr.abs _section_cstart, $3  }
0xc1: {  	[dreg:$0x1] =	wrdreg $0xFFFFFFFF  }
0xc2: {  	_ =	task.clear_ibuf [dreg:s7], $0x2FFFF;
	_ =	strace $0x9FFFFFFF  }
0xc3: {  	(tm) =	ssettm $0x7FFFFFFF  }
tec
execute0_lowered:
.L_overlay_start_1:
0x0: {  	(tag) =	ssettag $0x1  }
0x1: {  	s0 =	rddreg [dreg:$0x0]  }
0x2: {  	s1 =	rddreg [dreg:$0x1]  }
0x3: {  	s3 =	srdreg.scid;
	s11 =	stileid.u32  }
0x4: {  	s2 =	rddreg [dreg:$0x2];
	s28 =	simm.s32 $0x5000;
	s30 =	simm.s32 $0x6F40  }
0x5: {  	s29 =	simm.s32 $0x1;
	s31 =	simm.s32 $0x5;
	s5 =	sand.u32 $0x1, s3  }
0x6: {  	s4 =	sshll.u32 s11, $0x1;
	s3 =	simm.s32 $0x0;
	s10 =	smul.u32 $0x28000, s11  }
0x7: {  	s11 =	smul.u32 $0xA000, s11;
	s6 =	sor.u32 s5, s4;
	[smem:$0x7FF] =	sst s3  }
0x8: {  	s4 =	sadd.s32 $0x1800, s0;
	s8 =	ssub.s32 $0x2, s5;
	s5 =	smul.u32 $0xA0000, s5  }
0x9: {  	s0 =	sadd.s32 $0x15200, s0;
	s7 =	smul.u32 $0x2800, s6;
	_ =	strace $0x8000004A  }
0xa: {  	s6 =	smul.u32 $0x500, s6;
	s9 =	sshrl.u32 s8, $0x1;
	s12 =	sshrl.u32 s10, $0x2  }
0xb: {  	s13 =	sadd.s32 s11, s2;
	s19 =	sadd.s32 $0x2000, s11;
	s22 =	sadd.s32 $0x4000, s11  }
0xc: {  	s24 =	sadd.s32 $0x6000, s11;
	s25 =	sadd.s32 $0x8000, s11;
	s10 =	simm.s32 $0x8  }
0xd: {  	s8 =	ssub.s32 s8, s9;
	[dreg:$0x6] =	wrdreg s13;
	s17 =	sadd.s32 s5, s11  }
0xe: {  	s21 =	sadd.s32 s5, s19;
	s23 =	sadd.s32 s5, s22;
	s26 =	sadd.s32 s5, s24  }
0xf: {  	s5 =	sadd.s32 s5, s25;
	s9 =	simm.s32 $0x4;
	s11 =	simm.s32 $0x0  }
0x10: {  	s7 =	sshrl.u32 s7, $0x3;
	s14 =	smax.u32 s8, $0x1;
	s5 =	sshrl.u32 s5, $0x3  }
0x11: {  	s8 =	simm.s32 $0x7;
	s7 =	sadd.s32 s1, s7;
	s1 =	sadd.s32 s1, s6  }
0x12: {  	[dreg:$0x7] =	wrdreg s14;
	s6 =	sadd.s32 s19, s2;
	s19 =	sadd.s32 s24, s2  }
0x13: {  	s24 =	simm.s32 $0xADC0;
	s7 =	sadd.s32 $0xA000, s7;
	[dreg:$0x5] =	wrdreg s1  }
0x14: {  	s1 =	sshrl.u32 s17, $0x3;
	[dreg:$0xd] =	wrdreg s6;
	s17 =	sadd.s32 s22, s2  }
0x15: {  	[dreg:$0x4] =	wrdreg s7;
	s7 =	sadd.s32 s12, s2;
	s1 =	sadd.s32 s0, s1  }
0x16: {  	s22 =	sadd.s32 s0, s5;
	s15 =	sadd.s32 $0x2000, s7;
	[dreg:$0xc] =	wrdreg s1  }
0x17: {  	s5 =	simm.s32 $0x6;
	s16 =	sadd.s32 $0x4000, s7;
	[dreg:$0x8] =	wrdreg s15  }
0x18: {  	s6 =	simm.s32 $0x3;
	s18 =	sadd.s32 $0x6000, s7;
	[dreg:$0x9] =	wrdreg s16  }
0x19: {  	s20 =	sadd.s32 $0x8000, s7;
	s1 =	sshrl.u32 s21, $0x3;
	[dreg:$0xa] =	wrdreg s18  }
0x1a: {  	s21 =	sadd.s32 s25, s2;
	s25 =	simm.s32 $0xCD00;
	[dreg:$0xb] =	wrdreg s20  }
0x1b: {  	s16 =	sadd.s32 s0, s1;
	s1 =	sshrl.u32 s23, $0x3;
	s23 =	simm.s32 $0x9  }
0x1c: {  	s18 =	sadd.s32 s0, s1;
	s1 =	sshrl.u32 s26, $0x3;
	s26 =	simm.s32 $0x7D  }
0x1d: {  	v0 =	vimm.f32 $0.0e+00;
	s20 =	sadd.s32 s0, s1;
	s1 =	simm.s32 $0x8E80;
	s0 =	simm.s32 $0x2  }
.LBB2_1:
0x1e: {  	s12 =	rddreg [dreg:$0x4]  }
0x1f: {  	[tilespmem:s3], [sflag:$0x9] =	stream.linear.gather [hbm4b:s12+s3], $0x2800, $0x38;
	[tilespmem:$0x18D00] =	vst v63  }
0x20: {  	_ =	swait.ge [sflag:s23], $0x2800  }
0x21: {  	s13 =	simm.s32 $0x2800;
	[sflag:s23] =	ssyncset.done $0x0  }
0x22: {  	s14 =	sand.u32 $0x7F00, s3;
	s15 =	rddreg [dreg:$0x5];
	[sflag:s23] =	ssyncadd.s32 $0xFFFFD800  }
0x23: {  	[tilespmem:s13], [sflag:$0x9] =	stream.linear.gather [hbm4b:s15+s3], $0x2800, $0x38;
	[tilespmem:$0x18D00] =	vst v63  }
0x24: {  	s14 =	sshrl.u32 s14, $0x2;
	_ =	swait.ge [sflag:s23], $0x2800  }
0x25: {  	s12 =	simm.s32 $0x40;
	s15 =	sand.u32 $0x30, s3;
	[sflag:s23] =	ssyncset.done $0x0  }
0x26: {  	s13 =	simm.s32 $0x0;
	s14 =	sor.u32 s15, s14;
	[sflag:s23] =	ssyncadd.s32 $0xFFFFD800  }
.LBB2_2:
0x27: {  	p0 =	sne.s32 s12, $0x7FC0  }
0x28: {  	[tilespmem:s14+$0xCD00] =	vst v0;
	s13 =	sadd.s32 $0x10, s13;
	s14 =	smov.u32 s12;
	s12 =	sadd.s32 $0x40, s12  }
.Ltmp0:
0x29: {  	(pc) =	sbr.rel @p0 .LBB2_2-.Ltmp0, $4  }
0x2a: {  	_ = 	snop  }
0x2b: {  	s14 =	sand.u32 $0x7F00, s14  }
0x2c: {  	s15 =	sand.u32 $0x30, s13;
	s14 =	sshrl.u32 s14, $0x2  }
0x2d: {  	s14 =	sor.u32 s15, s14  }
0x2e: {  	[tilespmem:s14+$0xCD00] =	vst v0  }
0x2f: {  	[spmem:s7] =	stream.linear.scatter [tilespmem:s25], [sflag:$0x9], $0x2000, $0x38;
	[tilespmem:$0x18D00] =	vst v63  }
0x30: {  	_ =	swait.ge [sflag:s23], $0x2000  }
0x31: {  	[sflag:s23] =	ssyncset.done $0x0  }
0x32: {  	s12 =	rddreg [dreg:$0x8];
	[sflag:s23] =	ssyncadd.s32 $0xFFFFE000  }
0x33: {  	[spmem:s12] =	stream.linear.scatter [tilespmem:s25], [sflag:$0x9], $0x2000, $0x38;
	[tilespmem:$0x18D00] =	vst v63  }
0x34: {  	_ =	swait.ge [sflag:s23], $0x2000  }
0x35: {  	[sflag:s23] =	ssyncset.done $0x0  }
0x36: {  	s14 =	rddreg [dreg:$0x9];
	[sflag:s23] =	ssyncadd.s32 $0xFFFFE000  }
0x37: {  	[spmem:s14] =	stream.linear.scatter [tilespmem:s25], [sflag:$0x9], $0x2000, $0x38;
	[tilespmem:$0x18D00] =	vst v63  }
0x38: {  	_ =	swait.ge [sflag:s23], $0x2000  }
0x39: {  	[sflag:s23] =	ssyncset.done $0x0  }
0x3a: {  	s15 =	rddreg [dreg:$0xa];
	[sflag:s23] =	ssyncadd.s32 $0xFFFFE000  }
0x3b: {  	[spmem:s15] =	stream.linear.scatter [tilespmem:s25], [sflag:$0x9], $0x2000, $0x38;
	[tilespmem:$0x18D00] =	vst v63  }
0x3c: {  	_ =	swait.ge [sflag:s23], $0x2000  }
0x3d: {  	[sflag:s23] =	ssyncset.done $0x0  }
0x3e: {  	s13 =	rddreg [dreg:$0xb];
	[sflag:s23] =	ssyncadd.s32 $0xFFFFE000  }
0x3f: {  	[spmem:s13] =	stream.linear.scatter [tilespmem:s25], [sflag:$0x9], $0x2000, $0x38;
	[tilespmem:$0x18D00] =	vst v63  }
0x40: {  	_ =	swait.ge [sflag:s23], $0x2000  }
0x41: {  	[sflag:s23] =	ssyncset.done $0x0  }
0x42: {  	[sflag:s23] =	ssyncadd.s32 $0xFFFFE000  }
0x43: {  	s14 =	simm.s32 $0x0;
	[bflag:$0x0] =	sbarrier.arrive $0xFFFF  }
0x44: {  	[tilespmem:s28], [sflag:$0x1] =	stream.indirect.gather [hbm4b:s4+s26], $0x40, s14, s26, $0xb8;
	[tilespmem:$0x18D00] =	vst v63  }
0x45: {  	s15 =	simm.s32 $0x80  }
0x46: {  	[tilespmem:s30], [sflag:$0x2] =	stream.indirect.gather [hbm4b:s4+s26], $0x40, s15, s26, $0xb8;
	[tilespmem:$0x18D00] =	vst v63  }
0x47: {  	s13 =	simm.s32 $0x100  }
0x48: {  	[tilespmem:s1], [sflag:$0x3] =	stream.indirect.gather [hbm4b:s4+s26], $0x40, s13, s26, $0xb8;
	[tilespmem:$0x18D00] =	vst v63  }
0x49: {  	s14 =	simm.s32 $0x180  }
0x4a: {  	[tilespmem:s24], [sflag:$0x4] =	stream.indirect.gather [hbm4b:s4+s26], $0x40, s14, s26, $0xb8;
	[tilespmem:$0x18D00] =	vst v63  }
0x4b: {  	_ =	swait.ge [sflag:s29], $0x1F40  }
0x4c: {  	[sflag:s29] =	ssyncset.done $0x0  }
0x4d: {  	s15 =	simm.s32 $0x2800;
	[sflag:s29] =	ssyncadd.s32 $0xFFFFE0C0  }
0x4e: {  	[spmem:s2] =	stream.indirect.scatter.add.f32 [tilespmem:s28], [sflag:$0x5], $0x40, s15, s26, $0xb8;
	[tilespmem:$0x18D00] =	vst v63  }
0x4f: {  	_ =	swait.ge [sflag:s31], $0x1F40  }
0x50: {  	[sflag:s31] =	ssyncset.done $0x0  }
0x51: {  	s13 =	simm.s32 $0x200;
	[sflag:s31] =	ssyncadd.s32 $0xFFFFE0C0  }
0x52: {  	[tilespmem:s28], [sflag:$0x1] =	stream.indirect.gather [hbm4b:s4+s26], $0x40, s13, s26, $0xb8;
	[tilespmem:$0x18D00] =	vst v63  }
0x53: {  	_ =	swait.ge [sflag:s0], $0x1F40  }
0x54: {  	[sflag:s0] =	ssyncset.done $0x0  }
0x55: {  	s14 =	simm.s32 $0x2880;
	[sflag:s0] =	ssyncadd.s32 $0xFFFFE0C0  }
0x56: {  	[spmem:s2] =	stream.indirect.scatter.add.f32 [tilespmem:s30], [sflag:$0x6], $0x40, s14, s26, $0xb8;
	[tilespmem:$0x18D00] =	vst v63  }
0x57: {  	_ =	swait.ge [sflag:s5], $0x1F40  }
0x58: {  	[sflag:s5] =	ssyncset.done $0x0  }
0x59: {  	s15 =	simm.s32 $0x280;
	[sflag:s5] =	ssyncadd.s32 $0xFFFFE0C0  }
0x5a: {  	[tilespmem:s30], [sflag:$0x2] =	stream.indirect.gather [hbm4b:s4+s26], $0x40, s15, s26, $0xb8;
	[tilespmem:$0x18D00] =	vst v63  }
0x5b: {  	_ =	swait.ge [sflag:s6], $0x1F40  }
0x5c: {  	[sflag:s6] =	ssyncset.done $0x0  }
0x5d: {  	s13 =	simm.s32 $0x2900;
	[sflag:s6] =	ssyncadd.s32 $0xFFFFE0C0  }
0x5e: {  	[spmem:s2] =	stream.indirect.scatter.add.f32 [tilespmem:s1], [sflag:$0x7], $0x40, s13, s26, $0xb8;
	[tilespmem:$0x18D00] =	vst v63  }
0x5f: {  	_ =	swait.ge [sflag:s8], $0x1F40  }
0x60: {  	[sflag:s8] =	ssyncset.done $0x0  }
0x61: {  	s14 =	simm.s32 $0x300;
	[sflag:s8] =	ssyncadd.s32 $0xFFFFE0C0  }
0x62: {  	[tilespmem:s1], [sflag:$0x3] =	stream.indirect.gather [hbm4b:s4+s26], $0x40, s14, s26, $0xb8;
	[tilespmem:$0x18D00] =	vst v63  }
0x63: {  	_ =	swait.ge [sflag:s9], $0x1F40  }
0x64: {  	[sflag:s9] =	ssyncset.done $0x0  }
0x65: {  	s15 =	simm.s32 $0x2980;
	[sflag:s9] =	ssyncadd.s32 $0xFFFFE0C0  }
0x66: {  	[spmem:s2] =	stream.indirect.scatter.add.f32 [tilespmem:s24], [sflag:$0x8], $0x40, s15, s26, $0xb8;
	[tilespmem:$0x18D00] =	vst v63  }
0x67: {  	_ =	swait.ge [sflag:s10], $0x1F40  }
0x68: {  	[sflag:s10] =	ssyncset.done $0x0  }
0x69: {  	s12 =	simm.s32 $0x800;
	s13 =	simm.s32 $0x380;
	[sflag:s10] =	ssyncadd.s32 $0xFFFFE0C0  }
.LBB2_4:
0x6a: {  	[tilespmem:s24], [sflag:$0x4] =	stream.indirect.gather [hbm4b:s4+s26], $0x40, s13, s26, $0xb8;
	[tilespmem:$0x18D00] =	vst v63  }
0x6b: {  	s13 =	smov.u32 s12  }
0x6c: {  	p0 =	sne.s32 s12, $0x9000;
	s12 =	sadd.s32 $0x800, s12;
	_ =	swait.ge [sflag:s29], $0x1F40  }
0x6d: {  	s13 =	sshra.s32 s13, $0x2;
	[sflag:s29] =	ssyncset.done $0x0  }
0x6e: {  	s14 =	sadd.s32 $0x2800, s13;
	[sflag:s29] =	ssyncadd.s32 $0xFFFFE0C0  }
0x6f: {  	[spmem:s2] =	stream.indirect.scatter.add.f32 [tilespmem:s28], [sflag:$0x5], $0x40, s14, s26, $0xb8;
	[tilespmem:$0x18D00] =	vst v63  }
0x70: {  	_ =	swait.ge [sflag:s31], $0x1F40  }
0x71: {  	[sflag:s31] =	ssyncset.done $0x0  }
0x72: {  	s14 =	sadd.s32 $0x200, s13;
	[sflag:s31] =	ssyncadd.s32 $0xFFFFE0C0  }
0x73: {  	[tilespmem:s28], [sflag:$0x1] =	stream.indirect.gather [hbm4b:s4+s26], $0x40, s14, s26, $0xb8;
	[tilespmem:$0x18D00] =	vst v63  }
0x74: {  	_ =	swait.ge [sflag:s0], $0x1F40  }
0x75: {  	[sflag:s0] =	ssyncset.done $0x0  }
0x76: {  	s14 =	sadd.s32 $0x2880, s13;
	[sflag:s0] =	ssyncadd.s32 $0xFFFFE0C0  }
0x77: {  	[spmem:s2] =	stream.indirect.scatter.add.f32 [tilespmem:s30], [sflag:$0x6], $0x40, s14, s26, $0xb8;
	[tilespmem:$0x18D00] =	vst v63  }
0x78: {  	_ =	swait.ge [sflag:s5], $0x1F40  }
0x79: {  	[sflag:s5] =	ssyncset.done $0x0  }
0x7a: {  	s14 =	sadd.s32 $0x280, s13;
	[sflag:s5] =	ssyncadd.s32 $0xFFFFE0C0  }
0x7b: {  	[tilespmem:s30], [sflag:$0x2] =	stream.indirect.gather [hbm4b:s4+s26], $0x40, s14, s26, $0xb8;
	[tilespmem:$0x18D00] =	vst v63  }
0x7c: {  	_ =	swait.ge [sflag:s6], $0x1F40  }
0x7d: {  	[sflag:s6] =	ssyncset.done $0x0  }
0x7e: {  	s14 =	sadd.s32 $0x2900, s13;
	[sflag:s6] =	ssyncadd.s32 $0xFFFFE0C0  }
0x7f: {  	[spmem:s2] =	stream.indirect.scatter.add.f32 [tilespmem:s1], [sflag:$0x7], $0x40, s14, s26, $0xb8;
	[tilespmem:$0x18D00] =	vst v63  }
0x80: {  	_ =	swait.ge [sflag:s8], $0x1F40  }
0x81: {  	[sflag:s8] =	ssyncset.done $0x0  }
0x82: {  	s14 =	sadd.s32 $0x300, s13;
	[sflag:s8] =	ssyncadd.s32 $0xFFFFE0C0  }
0x83: {  	[tilespmem:s1], [sflag:$0x3] =	stream.indirect.gather [hbm4b:s4+s26], $0x40, s14, s26, $0xb8;
	[tilespmem:$0x18D00] =	vst v63  }
0x84: {  	_ =	swait.ge [sflag:s9], $0x1F40  }
0x85: {  	[sflag:s9] =	ssyncset.done $0x0  }
.Ltmp1:
0x86: {  	s14 =	sadd.s32 $0x2980, s13;
	[sflag:s9] =	ssyncadd.s32 $0xFFFFE0C0;
	(pc) =	sbr.rel @p0 .LBB2_4-.Ltmp1, $4  }
0x87: {  	[spmem:s2] =	stream.indirect.scatter.add.f32 [tilespmem:s24], [sflag:$0x8], $0x40, s14, s26, $0xb8;
	[tilespmem:$0x18D00] =	vst v63  }
0x88: {  	_ =	swait.ge [sflag:s10], $0x1F40  }
0x89: {  	[sflag:s10] =	ssyncset.done $0x0  }
0x8a: {  	s13 =	sadd.s32 $0x380, s13;
	[sflag:s10] =	ssyncadd.s32 $0xFFFFE0C0  }
0x8b: {  	[tilespmem:s24], [sflag:$0x4] =	stream.indirect.gather [hbm4b:s4+s26], $0x40, s13, s26, $0xb8;
	[tilespmem:$0x18D00] =	vst v63  }
0x8c: {  	_ =	swait.ge [sflag:s29], $0x1F40  }
0x8d: {  	[sflag:s29] =	ssyncset.done $0x0  }
0x8e: {  	s12 =	simm.s32 $0x4E00;
	[sflag:s29] =	ssyncadd.s32 $0xFFFFE0C0  }
0x8f: {  	[spmem:s2] =	stream.indirect.scatter.add.f32 [tilespmem:s28], [sflag:$0x5], $0x40, s12, s26, $0xb8;
	[tilespmem:$0x18D00] =	vst v63  }
0x90: {  	_ =	swait.ge [sflag:s31], $0x1F40  }
0x91: {  	[sflag:s31] =	ssyncset.done $0x0  }
0x92: {  	[sflag:s31] =	ssyncadd.s32 $0xFFFFE0C0  }
0x93: {  	_ =	swait.ge [sflag:s0], $0x1F40  }
0x94: {  	[sflag:s0] =	ssyncset.done $0x0  }
0x95: {  	s15 =	simm.s32 $0x4E80;
	[sflag:s0] =	ssyncadd.s32 $0xFFFFE0C0  }
0x96: {  	[spmem:s2] =	stream.indirect.scatter.add.f32 [tilespmem:s30], [sflag:$0x6], $0x40, s15, s26, $0xb8;
	[tilespmem:$0x18D00] =	vst v63  }
0x97: {  	_ =	swait.ge [sflag:s5], $0x1F40  }
0x98: {  	[sflag:s5] =	ssyncset.done $0x0  }
0x99: {  	[sflag:s5] =	ssyncadd.s32 $0xFFFFE0C0  }
0x9a: {  	_ =	swait.ge [sflag:s6], $0x1F40  }
0x9b: {  	[sflag:s6] =	ssyncset.done $0x0  }
0x9c: {  	s13 =	simm.s32 $0x4F00;
	[sflag:s6] =	ssyncadd.s32 $0xFFFFE0C0  }
0x9d: {  	[spmem:s2] =	stream.indirect.scatter.add.f32 [tilespmem:s1], [sflag:$0x7], $0x40, s13, s26, $0xb8;
	[tilespmem:$0x18D00] =	vst v63  }
0x9e: {  	_ =	swait.ge [sflag:s8], $0x1F40  }
0x9f: {  	[sflag:s8] =	ssyncset.done $0x0  }
0xa0: {  	[sflag:s8] =	ssyncadd.s32 $0xFFFFE0C0  }
0xa1: {  	_ =	swait.ge [sflag:s9], $0x1F40  }
0xa2: {  	[sflag:s9] =	ssyncset.done $0x0  }
0xa3: {  	s14 =	simm.s32 $0x4F80;
	[sflag:s9] =	ssyncadd.s32 $0xFFFFE0C0  }
0xa4: {  	[spmem:s2] =	stream.indirect.scatter.add.f32 [tilespmem:s24], [sflag:$0x8], $0x40, s14, s26, $0xb8;
	[tilespmem:$0x18D00] =	vst v63  }
0xa5: {  	_ =	swait.ge [sflag:s10], $0x1F40  }
0xa6: {  	[sflag:s10] =	ssyncset.done $0x0  }
0xa7: {  	[sflag:s10] =	ssyncadd.s32 $0xFFFFE0C0  }
0xa8: {  	[bflag:$0x0] =	sbarrier.arrive $0xFFFF  }
0xa9: {  	s15 =	rddreg [dreg:$0x6]  }
0xaa: {  	[tilespmem:s25], [sflag:$0x9] =	stream.linear.gather [spmem:s15], $0x2000, $0x38;
	[tilespmem:$0x18D00] =	vst v63  }
0xab: {  	_ =	swait.ge [sflag:s23], $0x2000  }
0xac: {  	[sflag:s23] =	ssyncset.done $0x0  }
0xad: {  	s13 =	rddreg [dreg:$0xc];
	[sflag:s23] =	ssyncadd.s32 $0xFFFFE000  }
0xae: {  	[hbm4b:s13+s3] =	stream.linear.scatter [tilespmem:s25], [sflag:$0x9], $0x2000, $0x38;
	[tilespmem:$0x18D00] =	vst v63  }
0xaf: {  	_ =	swait.ge [sflag:s23], $0x2000  }
0xb0: {  	[sflag:s23] =	ssyncset.done $0x0  }
0xb1: {  	s14 =	rddreg [dreg:$0xd];
	[sflag:s23] =	ssyncadd.s32 $0xFFFFE000  }
0xb2: {  	[tilespmem:s25], [sflag:$0x9] =	stream.linear.gather [spmem:s14], $0x2000, $0x38;
	[tilespmem:$0x18D00] =	vst v63  }
0xb3: {  	_ =	swait.ge [sflag:s23], $0x2000  }
0xb4: {  	[sflag:s23] =	ssyncset.done $0x0  }
0xb5: {  	[sflag:s23] =	ssyncadd.s32 $0xFFFFE000  }
0xb6: {  	[hbm4b:s16+s3] =	stream.linear.scatter [tilespmem:s25], [sflag:$0x9], $0x2000, $0x38;
	[tilespmem:$0x18D00] =	vst v63  }
0xb7: {  	_ =	swait.ge [sflag:s23], $0x2000  }
0xb8: {  	[sflag:s23] =	ssyncset.done $0x0  }
0xb9: {  	[sflag:s23] =	ssyncadd.s32 $0xFFFFE000  }
0xba: {  	[tilespmem:s25], [sflag:$0x9] =	stream.linear.gather [spmem:s17], $0x2000, $0x38;
	[tilespmem:$0x18D00] =	vst v63  }
0xbb: {  	_ =	swait.ge [sflag:s23], $0x2000  }
0xbc: {  	[sflag:s23] =	ssyncset.done $0x0  }
0xbd: {  	[sflag:s23] =	ssyncadd.s32 $0xFFFFE000  }
0xbe: {  	[hbm4b:s18+s3] =	stream.linear.scatter [tilespmem:s25], [sflag:$0x9], $0x2000, $0x38;
	[tilespmem:$0x18D00] =	vst v63  }
0xbf: {  	_ =	swait.ge [sflag:s23], $0x2000  }
0xc0: {  	[sflag:s23] =	ssyncset.done $0x0  }
0xc1: {  	[sflag:s23] =	ssyncadd.s32 $0xFFFFE000  }
0xc2: {  	[tilespmem:s25], [sflag:$0x9] =	stream.linear.gather [spmem:s19], $0x2000, $0x38;
	[tilespmem:$0x18D00] =	vst v63  }
0xc3: {  	_ =	swait.ge [sflag:s23], $0x2000  }
0xc4: {  	[sflag:s23] =	ssyncset.done $0x0  }
0xc5: {  	[sflag:s23] =	ssyncadd.s32 $0xFFFFE000  }
0xc6: {  	[hbm4b:s20+s3] =	stream.linear.scatter [tilespmem:s25], [sflag:$0x9], $0x2000, $0x38;
	[tilespmem:$0x18D00] =	vst v63  }
0xc7: {  	_ =	swait.ge [sflag:s23], $0x2000  }
0xc8: {  	[sflag:s23] =	ssyncset.done $0x0  }
0xc9: {  	[sflag:s23] =	ssyncadd.s32 $0xFFFFE000  }
0xca: {  	[tilespmem:s25], [sflag:$0x9] =	stream.linear.gather [spmem:s21], $0x2000, $0x38;
	[tilespmem:$0x18D00] =	vst v63  }
0xcb: {  	_ =	swait.ge [sflag:s23], $0x2000  }
0xcc: {  	[sflag:s23] =	ssyncset.done $0x0  }
0xcd: {  	[sflag:s23] =	ssyncadd.s32 $0xFFFFE000  }
0xce: {  	[hbm4b:s22+s3] =	stream.linear.scatter [tilespmem:s25], [sflag:$0x9], $0x2000, $0x38;
	[tilespmem:$0x18D00] =	vst v63  }
0xcf: {  	_ =	swait.ge [sflag:s23], $0x2000  }
0xd0: {  	s11 =	sadd.s32 $0x1, s11;
	s15 =	rddreg [dreg:$0x7]  }
0xd1: {  	p0 =	sne.s32 s11, s15  }
.Ltmp2:
0xd2: {  	_ = 	snop;
	(pc) =	sbr.rel @p0 .LBB2_1-.Ltmp2, $3  }
0xd3: {  	_ =	sdelay $0x1  }
0xd4: {  	[sflag:s23] =	ssyncset.done $0x0  }
0xd5: {  	[sflag:s23] =	ssyncadd.s32 $0xFFFFE000  }
0xd6: {  	_ =	sfence.sel $0x180000  }
0xd7: {  	[bflag:$0x0] =	sbarrier.arrive $0xFFFF  }
0xd8: {  	_ =	strace $0x9000004A  }
0xd9: {  	s0 =	stileid.u32;
	[bflag:$0x2] =	sbarrier.arrive $0xFFFF  }
0xda: {  	p0 =	sne.s32 s0, $0x0;
	s0 =	rddreg [dreg:$0x3]  }
0xdb: {  	s0 =	sadd.s32 @!p0 $0x100000, s0  }
0xdc: {  	[sflag:s0] =	ssyncadd.tile.s32 @!p0 $0x1;
	_ =	shalt  }
.Lfunc_end2:
_tile_overlayer_lowered:
.L_overlay_start_2:
0xdd: {  	(tag) =	ssettag $0x2  }
0xde: {  	s0 =	rddreg [dreg:$0x0];
	s2 =	stileid.u32  }
0xdf: {  	s1 =	rddreg [dreg:$0x1];
	p0 =	sne.s32 s2, $0x0  }
0xe0: {  	s3 =	rddreg [dreg:$0x2];
	[bflag:$0x3] =	sbarrier.arrive $0xFFFF;
	s2 =	simm.s32 @!p0 $0x1C09  }
0xe1: {  	[timem:s3], [sflag:s2] =	dma.local @!p0 [hbm:s0], s1  }
0xe2: {  	s0 =	simm.s32 @!p0 $0x9  }
0xe3: {  	_ =	swait.ge @!p0 [sflag:s0], s1  }
0xe4: {  	s1 =	ssub.s32 @!p0 $0x0, s1;
	[sflag:s0] =	ssyncset.done @!p0 $0x0  }
0xe5: {  	[sflag:s0] =	ssyncadd.s32 @!p0 s1  }
0xe6: {  	[bflag:$0x3] =	sbarrier.arrive $0xFFFF  }
0xe7: {  	_ =	shalt  }

// kernel: kernel.7.cloned.1.call-start
scs
__scs_entry_jumppad:
0x0: {  	(pc) =	sbr.rel $0x88, $3  }
0x1: {  	(tag) =	ssettag $0x0;
	lr =	simm.s32 $0x1  }
0x2: {  	[smem:$0x3F9E] =	sst lr;
	_ =	strace $0xD0000000  }
0x3: {  	_ = 	snop  }
0x4: {  	_ = 	snop  }
0x5: {  	_ = 	snop  }
0x6: {  	_ = 	snop  }
0x7: {  	_ = 	snop  }
__scs_overlays_trampoline_lowered:
0x8: {  	[smem:$0x3FAD] =	sst s0  }
0x9: {  	[smem:$0x3FAE] =	sst s1  }
0xa: {  	[smem:$0x3FAF] =	sst s2  }
0xb: {  	[smem:$0x3FB0] =	sst s3  }
0xc: {  	[smem:$0x3FB1] =	sst s4  }
0xd: {  	[smem:$0x3FB2] =	sst s5  }
0xe: {  	[smem:$0x3FB3] =	sst s6  }
0xf: {  	[smem:$0x3FB4] =	sst s7  }
0x10: {  	[smem:$0x3FB5] =	sst s8  }
0x11: {  	[smem:$0x3FB6] =	sst s9;
	s0 =	simm.s32 @!p0 $0x0  }
0x12: {  	s1 =	sld [smem:$0x3F9C];
	s0 =	simm.s32 @p0 $0x1  }
0x13: {  	[smem:$0x3FB7] =	sst s0;
	s0 =	simm.s32 @!p1 $0x0  }
0x14: {  	s2 =	sld [smem:$0x3F9B];
	s0 =	simm.s32 @p1 $0x1  }
0x15: {  	[smem:$0x3FB8] =	sst s0;
	s0 =	simm.s32 @!p2 $0x0  }
0x16: {  	s3 =	sld [smem:$0x3FDB];
	s0 =	simm.s32 @p2 $0x1  }
0x17: {  	s4 =	simm.s32 $0x1BF5;
	[smem:$0x3FBA] =	sst s0  }
0x18: {  	s0 =	sld [smem:$0x3F9D];
	_ =	swait.ge [sflag:s4], $0x0  }
0x19: {  	s7 =	sld [smem:$0x3F9E]  }
0x1a: {  	s8 =	sadd.s32 $0xFFFFE003, lr  }
0x1b: {  	s9 =	sadd.s32 $0xFFFFFEF7, lr;
	s5 =	simm.s32 $0xFFFFFFFF;
	p2 =	slt.u32 s8, $0xFFFFF086  }
0x1c: {  	p1 =	slt.u32 s9, $0xF7A;
	s5 =	simm.s32 @!p2 $0x0  }
0x1d: {  	s5 =	simm.s32 @p1 $0x1;
	p0 =	seq.s32 s7, s2  }
0x1e: {  	s7 =	smul.u32 @!p0 $0xF7A, s2;
	p2 =	seq.s32 @!p0 s5, $0x0  }
0x1f: {  	s9 =	smul.u32 $0xF7A, s1;
	s8 =	simm.s32 @!p0 $0x1BF5;
	p2 =	por !p2, p0  }
0x20: {  	[sflag:s8] =	ssyncset.s32 @!p0 $0xFFFFF086;
	s6 =	sadd.s32 @!p0 s3, s7;
	s7 =	simm.s32 @!p0 $0x108  }
0x21: {  	s3 =	sadd.s32 s3, s9;
	s6 =	sadd.s32 @!p0 $0x88, s6;
	s7 =	simm.s32 @p2 $0x1082  }
0x22: {  	[simem:s7], [sflag:s8] =	dma.local @!p0 [hbm:s6], $0xF7A  }
0x23: {  	s9 =	sor.u32 $0xD0000000, s2;
	s6 =	simm.s32 $0x108;
	_ =	swait.ge @!p0 [sflag:s8], $0x0  }
0x24: {  	s3 =	sadd.s32 $0x88, s3;
	s6 =	simm.s32 @!p1 $0x1082;
	[sflag:s4] =	ssyncset.s32 $0xFFFFF086  }
0x25: {  	[simem:s6], [sflag:s4] =	dma.local [hbm:s3], $0xF7A  }
0x26: {  	[smem:$0x3F9E] =	sst s1;
	(tag) =	ssettag s2;
	_ =	strace s9  }
0x27: {  	s1 =	sld [smem:$0x3FAE]  }
0x28: {  	s2 =	sld [smem:$0x3FAF]  }
0x29: {  	s4 =	sld [smem:$0x3FB1]  }
0x2a: {  	p0 =	seq.s32 s5, $0x0;
	s5 =	sld [smem:$0x3FB2]  }
0x2b: {  	s6 =	sld [smem:$0x3FB3]  }
0x2c: {  	s7 =	sld [smem:$0x3FB4]  }
0x2d: {  	s3 =	simm.s32 $0x108;
	s8 =	sld [smem:$0x3FB5]  }
0x2e: {  	s3 =	simm.s32 @!p0 $0x1082;
	s9 =	sld [smem:$0x3FB6]  }
0x2f: {  	lr =	sadd.s32 s0, s3;
	s0 =	sld [smem:$0x3FAD]  }
0x30: {  	s3 =	sld [smem:$0x3FB0]  }
0x31: {  	[smem:$0x3FB9] =	sst s10  }
0x32: {  	s10 =	sld [smem:$0x3FB7];
	_ =	sdelay $0x3  }
0x33: {  	p0 =	seq.s32 s10, $0x1;
	s10 =	sld [smem:$0x3FB9];
	_ =	sdelay $0x3  }
0x34: {  	[smem:$0x3FB9] =	sst s10  }
0x35: {  	s10 =	sld [smem:$0x3FB8];
	_ =	sdelay $0x3  }
0x36: {  	p1 =	seq.s32 s10, $0x1;
	s10 =	sld [smem:$0x3FB9];
	_ =	sdelay $0x3  }
0x37: {  	[smem:$0x3FB9] =	sst s10  }
0x38: {  	s10 =	sld [smem:$0x3FBA]  }
0x39: {  	_ = 	snop;
	(pc) =	sbr.ind lr, $3  }
0x3a: {  	_ = 	snop  }
0x3b: {  	_ = 	snop  }
0x3c: {  	p2 =	seq.s32 s10, $0x1;
	s10 =	sld [smem:$0x3FB9]  }
0x3d: {  	_ =	shalt  }
0x3e: {  	_ =	shalt  }
0x3f: {  	_ =	shalt  }
0x40: {  	_ =	shalt  }
0x41: {  	_ =	shalt  }
0x42: {  	_ =	shalt  }
0x43: {  	_ =	shalt  }
0x44: {  	_ =	shalt  }
0x45: {  	_ =	shalt  }
0x46: {  	_ =	shalt  }
0x47: {  	_ =	shalt  }
0x48: {  	_ =	shalt  }
0x49: {  	_ =	shalt  }
0x4a: {  	_ =	shalt  }
0x4b: {  	_ =	shalt  }
0x4c: {  	_ =	shalt  }
0x4d: {  	_ =	shalt  }
0x4e: {  	_ =	shalt  }
0x4f: {  	_ =	shalt  }
0x50: {  	_ =	shalt  }
0x51: {  	_ =	shalt  }
0x52: {  	_ =	shalt  }
0x53: {  	_ =	shalt  }
0x54: {  	_ =	shalt  }
0x55: {  	_ =	shalt  }
0x56: {  	_ =	shalt  }
0x57: {  	_ =	shalt  }
0x58: {  	_ =	shalt  }
0x59: {  	_ =	shalt  }
0x5a: {  	_ =	shalt  }
0x5b: {  	_ =	shalt  }
0x5c: {  	_ =	shalt  }
0x5d: {  	_ =	shalt  }
0x5e: {  	_ =	shalt  }
0x5f: {  	_ =	shalt  }
0x60: {  	_ =	shalt  }
0x61: {  	_ =	shalt  }
0x62: {  	_ =	shalt  }
0x63: {  	_ =	shalt  }
0x64: {  	_ =	shalt  }
0x65: {  	_ =	shalt  }
0x66: {  	_ =	shalt  }
0x67: {  	_ =	shalt  }
0x68: {  	_ =	shalt  }
0x69: {  	_ =	shalt  }
0x6a: {  	_ =	shalt  }
0x6b: {  	_ =	shalt  }
0x6c: {  	_ =	shalt  }
0x6d: {  	_ =	shalt  }
0x6e: {  	_ =	shalt  }
0x6f: {  	_ =	shalt  }
0x70: {  	_ =	shalt  }
0x71: {  	_ =	shalt  }
0x72: {  	_ =	shalt  }
0x73: {  	_ =	shalt  }
0x74: {  	_ =	shalt  }
0x75: {  	_ =	shalt  }
0x76: {  	_ =	shalt  }
0x77: {  	_ =	shalt  }
0x78: {  	_ =	shalt  }
0x79: {  	_ =	shalt  }
0x7a: {  	_ =	shalt  }
0x7b: {  	_ =	shalt  }
0x7c: {  	_ =	shalt  }
0x7d: {  	_ =	shalt  }
0x7e: {  	_ =	shalt  }
0x7f: {  	_ =	shalt  }
0x80: {  	_ =	shalt  }
0x81: {  	_ =	shalt  }
0x82: {  	_ =	shalt  }
0x83: {  	_ =	shalt  }
0x84: {  	_ =	shalt  }
0x85: {  	_ =	shalt  }
0x86: {  	_ =	shalt  }
0x87: {  	_ =	shalt  }
.Lfunc_end0:
.L_simem_size_0:
called_computation_lowered:
.L_overlay_start_0:
0x88: {  	s2 =	sld [smem:$0x3FD9]  }
0x89: {  	s3 =	sld [smem:$0x3FFE];
	_ =	sdelay $0x1  }
0x8a: {  	s1 =	srdreg.scid  }
0x8b: {  	s0 =	sand.u32 $0x1, s1  }
0x8c: {  	s16 =	sshll.u32 s0, $0xA;
	s2 =	sadd.s32 s3, s2  }
0x8d: {  	s2 =	sadd.s32 s2, s16  }
0x8e: {  	[smem:$0x3FC5] =	sst s2  }
0x8f: {  	_ = 	snop  }
0x90: {  	(tm) =	ssettm $0x1  }
0x91: {  	s17 =	sld [smem:$0x3FFB];
	_ =	sdelay $0x3  }
0x92: {  	_ =	strace s17  }
0x93: {  	s2 =	sld [smem:$0x3FFC];
	_ =	sdelay $0x3  }
0x94: {  	_ =	strace s2  }
0x95: {  	s2 =	sld [smem:$0x3FFD];
	_ =	sdelay $0x3  }
0x96: {  	_ =	strace s2  }
0x97: {  	_ =	strace $0x8FFFFFFF  }
0x98: {  	s18 =	sld [smem:$0x3FDB];
	_ =	sdelay $0x1  }
0x99: {  	s19 =	simm.s32 $_scs_section_size  }
0x9a: {  	s4 =	simm.s32 $_size__tile_overlayer_lowered;
	s5 =	simm.s32 $_tile_overlayer_lowered  }
0x9b: {  	s22 =	simm.s32 $0x1BFF;
	s21 =	sshll.u32 s5, $0x1;
	s2 =	sadd.s32 s19, s18  }
0x9c: {  	s6 =	simm.s32 $0x0;
	s20 =	sshll.u32 s4, $0x1;
	s4 =	sadd.s32 s21, s2  }
0x9d: {  	[timem:s6], [sflag:s22] =	dma.local [hbm:s4], s20  }
0x9e: {  	_ =	swait.ge [sflag:s22], s20  }
0x9f: {  	s3 =	ssub.s32 $0x0, s20;
	[sflag:s22] =	ssyncset.done $0x0  }
0xa0: {  	[sflag:s22] =	ssyncadd.s32 s3;
	_ =	sdelay $0x1  }
0xa1: {  	s23 =	simm.s32 $0x1B8B  }
0xa2: {  	_ =	swait.ge [sflag:s23], $0x1  }
0xa3: {  	[sflag:s23] =	ssyncset.done $0x0  }
0xa4: {  	s25 =	simm.s32 $0x1B8E;
	s24 =	sld [smem:$0x3FFE];
	[sflag:s23] =	ssyncadd.s32 $0xFFFFFFFF  }
0xa5: {  	s26 =	simm.s32 $execute0_lowered;
	[smem:$0x3FD2] =	sst s25  }
0xa6: {  	s4 =	sshll.u32 s26, $0x1;
	_ =	strace $0x80000046;
	[dreg:$0x1] =	wrdreg $0xFFFFFFFF  }
0xa7: {  	s28 =	simm.s32 $_size_execute0_lowered;
	s2 =	sadd.s32 s2, s4;
	[dreg:$0x0] =	wrdreg $0x0  }
0xa8: {  	s4 =	sshll.u32 s28, $0x1;
	[dreg:$0x2] =	wrdreg s2  }
0xa9: {  	[dreg:$0x3] =	wrdreg s4  }
0xaa: {  	[dreg:$0x4] =	wrdreg $0xC0  }
0xab: {  	_ =	task [dreg:s6], $0x5FFFF  }
0xac: {  	[dreg:$0x1] =	wrdreg $0xFFFFFFFF  }
0xad: {  	[dreg:$0x0] =	wrdreg $0x60  }
0xae: {  	[dreg:$0x2] =	wrdreg s24  }
0xaf: {  	[dreg:$0x3] =	wrdreg $0x7B000  }
0xb0: {  	[dreg:$0x4] =	wrdreg $0x9  }
0xb1: {  	_ =	task.clear_ibuf [dreg:s6], $0x5FFFF;
	_ =	strace $0x90000046  }
0xb2: {  	s29 =	simm.s32 $0x9;
	_ =	strace $0x80000048  }
0xb3: {  	_ =	swait.ge [sflag:s29], $0x1  }
0xb4: {  	[sflag:s29] =	ssyncadd.s32 $0xFFFFFFFF  }
0xb5: {  	_ =	strace $0x90000048  }
0xb6: {  	_ =	sfence  }
0xb7: {  	s30 =	sld [smem:$0x0];
	_ =	sdelay $0x2  }
0xb8: {  	s31 =	sshll.u32 s1, $0xD;
	s1 =	sshrl.u32 s1, $0x2  }
0xb9: {  	s3 =	sand.u32 $0x4000, s31;
	s1 =	sadd.s32 s1, s30  }
0xba: {  	s0 =	sor.u32 s3, s0;
	s1 =	sshll.u32 s1, $0x11  }
0xbb: {  	s0 =	sor.u32 s1, s0  }
0xbc: {  	s0 =	sadd.s32 $0x8F2B, s0  }
0xbd: {  	[sflag:s0] =	ssyncadd.remote.s32 $0x1  }
0xbe: {  	_ =	sfence.sel $0xFFFF  }
0xbf: {  	[dreg:$0x0] =	wrdreg $0xFFFFFFFF;
	(pc) =	sbr.abs _section_cstart, $3  }
0xc0: {  	[dreg:$0x1] =	wrdreg $0xFFFFFFFF  }
0xc1: {  	_ =	task.clear_ibuf [dreg:s6], $0x2FFFF;
	_ =	strace $0x9FFFFFFF  }
0xc2: {  	(tm) =	ssettm $0x7FFFFFFF  }
0xc3: {  	_ =	shalt  }
tec
execute0_lowered:
.L_overlay_start_1:
0x0: {  	(tag) =	ssettag $0x1  }
0x1: {  	s1 =	srdreg.scid  }
0x2: {  	s1 =	sand.u32 $0x1, s1  }
0x3: {  	p0 =	seq.s32 s1, $0x1  }
.Ltmp0:
0x4: {  	_ = 	snop;
	(pc) =	sbr.rel @p0 .LBB2_6-.Ltmp0, $4  }
0x5: {  	s3 =	rddreg [dreg:$0x0]  }
0x6: {  	s2 =	rddreg [dreg:$0x1];
	s5 =	simm.s32 $0x0  }
0x7: {  	[smem:$0x7FF] =	sst s5  }
0x8: {  	s0 =	rddreg [dreg:$0x2];
	_ =	strace $0x80000047;
	s1 =	stileid.u32  }
0x9: {  	s4 =	smul.u32 $0x4E20, s1  }
0xa: {  	s6 =	sadd.s32 $0x1800, s3  }
0xb: {  	s7 =	smul.u32 $0xA00, s1;
	s28 =	sshll.u32 s1, $0x7;
	s4 =	sshrl.u32 s4, $0x3  }
0xc: {  	s30 =	simm.s32 $0x1;
	s31 =	sand.u32 $0xFE00, s5;
	s4 =	sadd.s32 s6, s4  }
0xd: {  	s8 =	sand.u32 $0x70, s5;
	s29 =	sadd.s32 s28, s3;
	s4 =	sadd.s32 $0x9C40, s4  }
0xe: {  	[tilespmem:s5], [sflag:$0x1] =	stream.linear.gather [hbm4b:s4+s5], $0x4E20, $0x38;
	[tilespmem:$0x7D80] =	vst v63  }
0xf: {  	s7 =	sshrl.u32 s7, $0x2;
	s3 =	sadd.s32 $0x15200, s29;
	_ =	swait.ge [sflag:s30], $0x4E20  }
0x10: {  	s4 =	sadd.s32 s7, s2;
	s7 =	sshrl.u32 s31, $0x2;
	[sflag:s30] =	ssyncset.done $0x0  }
0x11: {  	v0 =	vimm.f32 $0.0e+00;
	s6 =	simm.s32 $0x40;
	s7 =	sor.u32 s8, s7;
	[sflag:s30] =	ssyncadd.s32 $0xFFFFB1E0  }
.LBB2_2:
0x12: {  	p0 =	sne.s32 s6, $0x9FC0  }
0x13: {  	[tilespmem:s7+$0x4E80] =	vst v0;
	s5 =	sadd.s32 $0x10, s5;
	s7 =	smov.u32 s6;
	s6 =	sadd.s32 $0x40, s6  }
.Ltmp1:
0x14: {  	(pc) =	sbr.rel @p0 .LBB2_2-.Ltmp1, $4  }
0x15: {  	_ = 	snop  }
0x16: {  	s7 =	sand.u32 $0xFE00, s7  }
0x17: {  	s8 =	sand.u32 $0x70, s5;
	s7 =	sshrl.u32 s7, $0x2  }
0x18: {  	s7 =	sor.u32 s8, s7  }
0x19: {  	[tilespmem:s7+$0x4E80] =	vst v0;
	v0 =	vimm.f32 $0.0e+00  }
0x1a: {  	[tilespmem:$0x7680] =	vst v0  }
0x1b: {  	[tilespmem:$0x7690] =	vst v0  }
0x1c: {  	[tilespmem:$0x76A0] =	vst v0  }
0x1d: {  	[tilespmem:$0x76B0] =	vst v0  }
0x1e: {  	[tilespmem:$0x76C0] =	vst v0  }
0x1f: {  	[tilespmem:$0x76D0] =	vst v0  }
0x20: {  	[tilespmem:$0x76E0] =	vst v0  }
0x21: {  	[tilespmem:$0x76F0] =	vst v0  }
0x22: {  	[tilespmem:$0x7700] =	vst v0  }
0x23: {  	[tilespmem:$0x7710] =	vst v0  }
0x24: {  	[tilespmem:$0x7720] =	vst v0  }
0x25: {  	[tilespmem:$0x7730] =	vst v0  }
0x26: {  	[tilespmem:$0x7740] =	vst v0  }
0x27: {  	[tilespmem:$0x7750] =	vst v0  }
0x28: {  	[tilespmem:$0x7760] =	vst v0  }
0x29: {  	[tilespmem:$0x7770] =	vst v0  }
0x2a: {  	[tilespmem:$0x7780] =	vst v0  }
0x2b: {  	[tilespmem:$0x7790] =	vst v0  }
0x2c: {  	[tilespmem:$0x77A0] =	vst v0  }
0x2d: {  	[tilespmem:$0x77B0] =	vst v0  }
0x2e: {  	[tilespmem:$0x77C0] =	vst v0  }
0x2f: {  	[tilespmem:$0x77D0] =	vst v0  }
0x30: {  	[tilespmem:$0x77E0] =	vst v0  }
0x31: {  	[tilespmem:$0x77F0] =	vst v0  }
0x32: {  	[tilespmem:$0x7800] =	vst v0  }
0x33: {  	[tilespmem:$0x7810] =	vst v0  }
0x34: {  	[tilespmem:$0x7820] =	vst v0  }
0x35: {  	[tilespmem:$0x7830] =	vst v0  }
0x36: {  	[tilespmem:$0x7840] =	vst v0  }
0x37: {  	[tilespmem:$0x7850] =	vst v0  }
0x38: {  	[tilespmem:$0x7860] =	vst v0  }
0x39: {  	[tilespmem:$0x7870] =	vst v0  }
0x3a: {  	[tilespmem:$0x7880] =	vst v0  }
0x3b: {  	[tilespmem:$0x7890] =	vst v0  }
0x3c: {  	[tilespmem:$0x78A0] =	vst v0  }
0x3d: {  	[tilespmem:$0x78B0] =	vst v0  }
0x3e: {  	[tilespmem:$0x78C0] =	vst v0  }
0x3f: {  	[tilespmem:$0x78D0] =	vst v0  }
0x40: {  	[tilespmem:$0x78E0] =	vst v0  }
0x41: {  	[tilespmem:$0x78F0] =	vst v0;
	v0 =	vlaneseq.u32  }
0x42: {  	[tilespmem:$0x7A80] =	vst v0;
	v1 =	vor.u32 $0x10, v0  }
0x43: {  	[tilespmem:$0x7A90] =	vst v1;
	v1 =	vor.u32 $0x20, v0  }
0x44: {  	[tilespmem:$0x7AA0] =	vst v1;
	v1 =	vor.u32 $0x30, v0  }
0x45: {  	v0 =	vor.u32 $0x40, v0;
	[tilespmem:$0x7AB0] =	vst v1  }
0x46: {  	s5 =	simm.s32 $0x4E80;
	s7 =	simm.s32 $0x0;
	s6 =	simm.s32 $0x40;
	[tilespmem:$0x7AC0] =	vst v0;
	v0 =	vimm.f32 $1.000000000e+00  }
.LBB2_4:
0x47: {  	p0 =	sne.s32 s6, $0x13840;
	v1 =	vld [tilespmem:s7+$0x0];
	_ =	sdelay $0x3  }
.Ltmp2:
0x48: {  	(pc) =	sbr.rel @p0 .LBB2_4-.Ltmp2, $2  }
0x49: {  	_ =	sdelay $0x2  }
0x4a: {  	s7 =	sshra.s32 s6, $0x2;
	s6 =	sadd.s32 $0x40, s6;
	[tilespmem:v1+s5+$0x0] =	vst.idx.add.f32.msk $0xffff, v0  }
0x4b: {  	v1 =	vld [tilespmem:s7+$0x0];
	_ =	sdelay $0x7  }
0x4c: {  	s29 =	simm.s32 $0x7680;
	s6 =	simm.s32 $0x1;
	[tilespmem:v1+s5+$0x0] =	vst.idx.add.f32.msk $0xffff, v0  }
0x4d: {  	[spmem:s4] =	stream.linear.scatter [tilespmem:s29], [sflag:$0x1], $0x280, $0x38;
	[tilespmem:$0x7D80] =	vst v63  }
0x4e: {  	_ =	swait.ge [sflag:s6], $0x280  }
0x4f: {  	[sflag:s6] =	ssyncset.done $0x0  }
0x50: {  	s30 =	simm.s32 $0x50;
	[sflag:s6] =	ssyncadd.s32 $0xFFFFFD80  }
0x51: {  	s8 =	simm.s32 $0x7A80;
	s9 =	simm.s32 $0x4E80;
	[bflag:$0x0] =	sbarrier.arrive $0xFFFF  }
0x52: {  	[spmem:s2] =	stream.indirect.scatter.add.f32 [tilespmem:s9], [sflag:$0x1], $0x80, s8, s30, $0xb8;
	[tilespmem:$0x7D80] =	vst v63  }
0x53: {  	_ =	swait.ge [sflag:s6], $0x2800  }
0x54: {  	[sflag:s6] =	ssyncset.done $0x0  }
0x55: {  	[sflag:s6] =	ssyncadd.s32 $0xFFFFD800  }
0x56: {  	[bflag:$0x0] =	sbarrier.arrive $0xFFFF  }
0x57: {  	[tilespmem:s29], [sflag:$0x1] =	stream.linear.gather [spmem:s4], $0x280, $0x38;
	[tilespmem:$0x7D80] =	vst v63  }
0x58: {  	_ =	swait.ge [sflag:s6], $0x280  }
0x59: {  	[sflag:s6] =	ssyncset.done $0x0  }
0x5a: {  	s31 =	simm.s32 $0x0;
	[sflag:s6] =	ssyncadd.s32 $0xFFFFFD80  }
0x5b: {  	[hbm4b:s3+s31] =	stream.linear.scatter [tilespmem:s29], [sflag:$0x1], $0x280, $0x38;
	[tilespmem:$0x7D80] =	vst v63  }
0x5c: {  	_ =	swait.ge [sflag:s6], $0x280  }
0x5d: {  	[sflag:s6] =	ssyncset.done $0x0  }
0x5e: {  	[sflag:s6] =	ssyncadd.s32 $0xFFFFFD80  }
.LBB2_6:
0x5f: {  	_ =	sfence.sel $0x180000  }
0x60: {  	[bflag:$0x0] =	sbarrier.arrive $0xFFFF  }
0x61: {  	p0 =	sne.s32 s1, $0x0;
	_ =	strace $0x90000047  }
0x62: {  	s0 =	sadd.s32 @!p0 $0x100000, s0;
	[bflag:$0x2] =	sbarrier.arrive $0xFFFF  }
0x63: {  	[sflag:s0] =	ssyncadd.tile.s32 @!p0 $0x1;
	_ =	shalt  }
.Lfunc_end2:
_tile_overlayer_lowered:
.L_overlay_start_2:
0x64: {  	(tag) =	ssettag $0x2  }
0x65: {  	s0 =	rddreg [dreg:$0x0];
	s2 =	stileid.u32  }
0x66: {  	s1 =	rddreg [dreg:$0x1];
	p0 =	sne.s32 s2, $0x0  }
0x67: {  	s3 =	rddreg [dreg:$0x2];
	[bflag:$0x3] =	sbarrier.arrive $0xFFFF;
	s2 =	simm.s32 @!p0 $0x1C01  }
0x68: {  	[timem:s3], [sflag:s2] =	dma.local @!p0 [hbm:s0], s1  }
0x69: {  	s0 =	simm.s32 @!p0 $0x1  }
0x6a: {  	_ =	swait.ge @!p0 [sflag:s0], s1  }
0x6b: {  	s1 =	ssub.s32 @!p0 $0x0, s1;
	[sflag:s0] =	ssyncset.done @!p0 $0x0  }
0x6c: {  	[sflag:s0] =	ssyncadd.s32 @!p0 s1  }
0x6d: {  	[bflag:$0x3] =	sbarrier.arrive $0xFFFF  }
0x6e: {  	_ =	shalt  }

</sc_bundles>
